<compile_context>
chip_gen: v7x
topology: tpu7x:2x2x1
jax: 0.10.2.dev20260603
libtpu: 0.0.44.dev20260713+nightly
codegen_flags: <defaults>
</compile_context>

<pallas_src>
import functools

import jax
import jax.numpy as jnp
from jax import lax
from jax.experimental import pallas as pl
from jax.experimental.pallas import tpu as pltpu
from jax.experimental.pallas import tpu_sc as plsc

NC = 2
NS = 16
NW = NC * NS
BB = 128


def _body(xt_hbm, wq_hbm, out_hbm, idx_v, pb0, pb1, runs0, runs1, out0, out1,
          gsem, wsem):
    wid = lax.axis_index("s") * NC + lax.axis_index("c")
    hist, batch = xt_hbm.shape
    b_per_w = batch // NW
    nbb = b_per_w // BB
    n_tasks = hist * nbb
    base_b = wid * b_per_w

    pltpu.sync_copy(xt_hbm.at[pl.ds(0, hist), pl.ds(base_b, b_per_w)], idx_v)

    iota = lax.iota(jnp.int32, 16)
    diag = [(t + iota) & 15 for t in range(16)]

    def task(c):
        j = c // nbb
        return j, c - j * nbb

    def gather(c, pb, runs, start):
        j, r = task(c)
        if start:
            for h in range(BB // 16):
                v = idx_v[j, pl.ds(r * BB + 16 * h, 16)]
                pb[pl.ds(16 * h, 16)] = lax.shift_right_logical(v, 1)
        cp = pltpu.make_async_copy(wq_hbm.at[pb], runs, gsem)
        cp.start() if start else cp.wait()

    def write(c, out, start):
        j, r = task(c)
        cp = pltpu.make_async_copy(
            out,
            out_hbm.bitcast(jnp.int32).at[
                j, pl.ds(0, 32), pl.ds(base_b + r * BB, BB)],
            wsem)
        cp.start() if start else cp.wait()

    def compute(c, runs, out):
        j, r = task(c)

        @pl.loop(0, BB // 16)
        def _grp(g):
            rg = g * 16 + iota
            iv = idx_v[j, pl.ds(r * BB + 16 * g, 16)]
            pv64 = (iv & 1) << 6
            for t in range(16):
                for s in range(2):
                    cb = pv64 + (2 * diag[t] + 32 * s)
                    ea = plsc.load_gather(runs, [rg, cb])
                    eb = plsc.load_gather(runs, [rg, cb + 1])
                    w = plsc.bitcast(
                        plsc.pack(ea, eb, format=plsc.PackFormat.INTERLEAVED),
                        jnp.int32)
                    plsc.store_scatter(out, [diag[t] + 16 * s, rg], w)

    gather(0, pb0, runs0, True)
    gather(1, pb1, runs1, True)

    @pl.loop(0, n_tasks, step=2)
    def _super(kk):
        for pb, runs, out, b in ((pb0, runs0, out0, 0), (pb1, runs1, out1, 1)):
            k = kk + b
            gather(k, pb, runs, False)

            @pl.when(k >= 2)
            def _():
                write(k - 2, out, False)

            compute(k, runs, out)
            write(k, out, True)

            @pl.when(k + 2 < n_tasks)
            def _():
                gather(k + 2, pb, runs, True)

    write(n_tasks - 2, out0, False)
    write(n_tasks - 1, out1, False)


def kernel(x, weight):
    batch, hist = x.shape
    v, d = weight.shape
    assert batch % (NW * BB) == 0 and d == 64

    xt = x.T
    wq = weight.reshape(v * d // 128, 128)

    run = functools.partial(
        pl.kernel,
        out_type=jax.ShapeDtypeStruct((hist, d, batch), jnp.bfloat16),
        mesh=plsc.VectorSubcoreMesh(core_axis_name="c", subcore_axis_name="s"),
        compiler_params=pltpu.CompilerParams(
            needs_layout_passes=False, use_tc_tiling_on_sc=True),
        scratch_types=[
            pltpu.VMEM((hist, batch // NW), jnp.int32),
            pltpu.VMEM((BB,), jnp.int32),
            pltpu.VMEM((BB,), jnp.int32),
            pltpu.VMEM((BB, 128), jnp.float32),
            pltpu.VMEM((BB, 128), jnp.float32),
            pltpu.VMEM((d // 2, BB), jnp.int32),
            pltpu.VMEM((d // 2, BB), jnp.int32),
            pltpu.SemaphoreType.DMA,
            pltpu.SemaphoreType.DMA,
        ],
    )(_body)
    y = run(xt, wq)
    return y.transpose(2, 0, 1)

# --- scband reference (transcript-rebuilt; emitter-appended) ---
"""Pipeline reference for scband-casted-embedding-36077725286991 (READ-ONLY COPY).

The authoritative reference and input builder live on the scoring server;
editing this copy changes nothing except your own understanding.
"""

import jax, jax.numpy as jnp
import numpy as np

NUM_EMBEDDINGS = 1000000
EMBEDDING_DIM = 64
INIT_STD = 0.02
BATCH = 16384
HIST = 50


def setup_inputs(seed: int = 0) -> dict:
    key = jax.random.key(seed)
    k_idx, k_w = jax.random.split(key)
    x = jax.random.randint(k_idx, (BATCH, HIST), 0, NUM_EMBEDDINGS, dtype=jnp.int32)
    # truncated normal init: std=0.02, truncated at +/- 2*std
    weight = jax.random.truncated_normal(k_w, -2.0, 2.0, (NUM_EMBEDDINGS, EMBEDDING_DIM), dtype=jnp.float32) * INIT_STD
    return {"x": x, "weight": weight}


def reference(x, weight):
    # CastedEmbedding.forward: embedding lookup then cast to target dtype (bfloat16)
    out = jnp.take(weight, x, axis=0)
    return out.astype(jnp.bfloat16)

if __name__ == "__main__":
    import jax
    _d = setup_inputs()
    print(jax.jit(kernel)(*tuple(_d.values())))

</pallas_src>

<mosaic_0001>
#map = affine_map<(d0, d1) -> (0, 0)>
#map1 = affine_map<(d0, d1) -> (0, 0, 0)>
module attributes {stable_mosaic.version = 14 : i64} {
  func.func @_body(%arg0: i32, %arg1: i32, %arg2: memref<50x16384xi32, #tpu.memory_space<hbm>>, %arg3: memref<500000x128xf32, #tpu.memory_space<hbm>>, %arg4: memref<50x64x16384xbf16, #tpu.memory_space<hbm>>, %arg5: memref<50x512xi32, #tpu.memory_space<vmem>>, %arg6: memref<128xi32, #tpu.memory_space<vmem>>, %arg7: memref<128xi32, #tpu.memory_space<vmem>>, %arg8: memref<128x128xf32, #tpu.memory_space<vmem>>, %arg9: memref<128x128xf32, #tpu.memory_space<vmem>>, %arg10: memref<32x128xi32, #tpu.memory_space<vmem>>, %arg11: memref<32x128xi32, #tpu.memory_space<vmem>>, %arg12: memref<!tpu.dma_semaphore, #tpu.memory_space<semaphore_mem>>, %arg13: memref<!tpu.dma_semaphore, #tpu.memory_space<semaphore_mem>>) attributes {dimension_semantics = [#tpu.dimension_semantics<core_parallel>, #tpu.dimension_semantics<subcore_parallel>], iteration_bounds = array<i64: 2, 16>, scalar_prefetch = 0 : i64, scratch_operands = 9 : i64, tpu.core_type = #tpu.core_type<sc_vector_subcore>, window_params = [{transform_indices = #map}, {transform_indices = #map}, {transform_indices = #map1}]} {
    %mul3A = arith.constant 2 : i32
    %mul3A_0 = arith.muli %arg1, %mul3A : i32
    %add3A = arith.addi %mul3A_0, %arg0 : i32
    %mul3A_1 = arith.constant 512 : i32
    %mul3A_2 = arith.muli %add3A, %mul3A_1 : i32
    "tpu.region"() ({
      %run_scoped3A = tpu.sem_alloc : memref<!tpu.dma_semaphore, #tpu.memory_space<semaphore_mem>>
      %dma_start3A_269 = arith.constant 0 : i32
      %dma_start3A_270 = tpu.memref_slice %arg2[%dma_start3A_269, %mul3A_2] : memref<50x16384xi32, #tpu.memory_space<hbm>> -> memref<50x512xi32, #tpu.memory_space<hbm>>
      %dma_start3A_271 = arith.constant 0 : i32
      %dma_start3A_272 = tpu.memref_slice %arg2[%dma_start3A_271, %mul3A_2] : memref<50x16384xi32, #tpu.memory_space<hbm>> -> memref<50x512xi32, #tpu.memory_space<hbm>>
      tpu.enqueue_dma source(%dma_start3A_272 : memref<50x512xi32, #tpu.memory_space<hbm>>) target(%arg5 : memref<50x512xi32, #tpu.memory_space<vmem>>) target_semaphore(%run_scoped3A : memref<!tpu.dma_semaphore, #tpu.memory_space<semaphore_mem>>)
      %dma_wait3A_273 = arith.constant 0 : i32
      %dma_wait3A_274 = tpu.memref_slice %arg2[%dma_wait3A_273, %mul3A_2] : memref<50x16384xi32, #tpu.memory_space<hbm>> -> memref<50x512xi32, #tpu.memory_space<hbm>>
      %dma_wait3A_275 = arith.constant 0 : i32
      %dma_wait3A_276 = tpu.memref_slice %arg2[%dma_wait3A_275, %mul3A_2] : memref<50x16384xi32, #tpu.memory_space<hbm>> -> memref<50x512xi32, #tpu.memory_space<hbm>>
      tpu.wait_dma2 semaphore(%run_scoped3A : memref<!tpu.dma_semaphore, #tpu.memory_space<semaphore_mem>>) src(%dma_wait3A_276 : memref<50x512xi32, #tpu.memory_space<hbm>>) dst(%arg5 : memref<50x512xi32, #tpu.memory_space<vmem>>)
      tpu.yield
    }) : () -> ()
    %iota3A = tpu.iota {dimensions = array<i32: 0>} : vector<16xi32>
    %add3A_3 = arith.constant 0 : i32
    %add3A_4 = vector.broadcast %add3A_3 : i32 to vector<16xi32>
    %add3A_5 = arith.addi %add3A_4, %iota3A : vector<16xi32>
    %and3A = arith.constant 15 : i32
    %and3A_6 = vector.broadcast %and3A : i32 to vector<16xi32>
    %and3A_7 = arith.andi %add3A_5, %and3A_6 : vector<16xi32>
    %add3A_8 = arith.constant 1 : i32
    %add3A_9 = vector.broadcast %add3A_8 : i32 to vector<16xi32>
    %add3A_10 = arith.addi %add3A_9, %iota3A : vector<16xi32>
    %and3A_11 = arith.constant 15 : i32
    %and3A_12 = vector.broadcast %and3A_11 : i32 to vector<16xi32>
    %and3A_13 = arith.andi %add3A_10, %and3A_12 : vector<16xi32>
    %add3A_14 = arith.constant 2 : i32
    %add3A_15 = vector.broadcast %add3A_14 : i32 to vector<16xi32>
    %add3A_16 = arith.addi %add3A_15, %iota3A : vector<16xi32>
    %and3A_17 = arith.constant 15 : i32
    %and3A_18 = vector.broadcast %and3A_17 : i32 to vector<16xi32>
    %and3A_19 = arith.andi %add3A_16, %and3A_18 : vector<16xi32>
    %add3A_20 = arith.constant 3 : i32
    %add3A_21 = vector.broadcast %add3A_20 : i32 to vector<16xi32>
    %add3A_22 = arith.addi %add3A_21, %iota3A : vector<16xi32>
    %and3A_23 = arith.constant 15 : i32
    %and3A_24 = vector.broadcast %and3A_23 : i32 to vector<16xi32>
    %and3A_25 = arith.andi %add3A_22, %and3A_24 : vector<16xi32>
    %add3A_26 = arith.constant 4 : i32
    %add3A_27 = vector.broadcast %add3A_26 : i32 to vector<16xi32>
    %add3A_28 = arith.addi %add3A_27, %iota3A : vector<16xi32>
    %and3A_29 = arith.constant 15 : i32
    %and3A_30 = vector.broadcast %and3A_29 : i32 to vector<16xi32>
    %and3A_31 = arith.andi %add3A_28, %and3A_30 : vector<16xi32>
    %add3A_32 = arith.constant 5 : i32
    %add3A_33 = vector.broadcast %add3A_32 : i32 to vector<16xi32>
    %add3A_34 = arith.addi %add3A_33, %iota3A : vector<16xi32>
    %and3A_35 = arith.constant 15 : i32
    %and3A_36 = vector.broadcast %and3A_35 : i32 to vector<16xi32>
    %and3A_37 = arith.andi %add3A_34, %and3A_36 : vector<16xi32>
    %add3A_38 = arith.constant 6 : i32
    %add3A_39 = vector.broadcast %add3A_38 : i32 to vector<16xi32>
    %add3A_40 = arith.addi %add3A_39, %iota3A : vector<16xi32>
    %and3A_41 = arith.constant 15 : i32
    %and3A_42 = vector.broadcast %and3A_41 : i32 to vector<16xi32>
    %and3A_43 = arith.andi %add3A_40, %and3A_42 : vector<16xi32>
    %add3A_44 = arith.constant 7 : i32
    %add3A_45 = vector.broadcast %add3A_44 : i32 to vector<16xi32>
    %add3A_46 = arith.addi %add3A_45, %iota3A : vector<16xi32>
    %and3A_47 = arith.constant 15 : i32
    %and3A_48 = vector.broadcast %and3A_47 : i32 to vector<16xi32>
    %and3A_49 = arith.andi %add3A_46, %and3A_48 : vector<16xi32>
    %add3A_50 = arith.constant 8 : i32
    %add3A_51 = vector.broadcast %add3A_50 : i32 to vector<16xi32>
    %add3A_52 = arith.addi %add3A_51, %iota3A : vector<16xi32>
    %and3A_53 = arith.constant 15 : i32
    %and3A_54 = vector.broadcast %and3A_53 : i32 to vector<16xi32>
    %and3A_55 = arith.andi %add3A_52, %and3A_54 : vector<16xi32>
    %add3A_56 = arith.constant 9 : i32
    %add3A_57 = vector.broadcast %add3A_56 : i32 to vector<16xi32>
    %add3A_58 = arith.addi %add3A_57, %iota3A : vector<16xi32>
    %and3A_59 = arith.constant 15 : i32
    %and3A_60 = vector.broadcast %and3A_59 : i32 to vector<16xi32>
    %and3A_61 = arith.andi %add3A_58, %and3A_60 : vector<16xi32>
    %add3A_62 = arith.constant 10 : i32
    %add3A_63 = vector.broadcast %add3A_62 : i32 to vector<16xi32>
    %add3A_64 = arith.addi %add3A_63, %iota3A : vector<16xi32>
    %and3A_65 = arith.constant 15 : i32
    %and3A_66 = vector.broadcast %and3A_65 : i32 to vector<16xi32>
    %and3A_67 = arith.andi %add3A_64, %and3A_66 : vector<16xi32>
    %add3A_68 = arith.constant 11 : i32
    %add3A_69 = vector.broadcast %add3A_68 : i32 to vector<16xi32>
    %add3A_70 = arith.addi %add3A_69, %iota3A : vector<16xi32>
    %and3A_71 = arith.constant 15 : i32
    %and3A_72 = vector.broadcast %and3A_71 : i32 to vector<16xi32>
    %and3A_73 = arith.andi %add3A_70, %and3A_72 : vector<16xi32>
    %add3A_74 = arith.constant 12 : i32
    %add3A_75 = vector.broadcast %add3A_74 : i32 to vector<16xi32>
    %add3A_76 = arith.addi %add3A_75, %iota3A : vector<16xi32>
    %and3A_77 = arith.constant 15 : i32
    %and3A_78 = vector.broadcast %and3A_77 : i32 to vector<16xi32>
    %and3A_79 = arith.andi %add3A_76, %and3A_78 : vector<16xi32>
    %add3A_80 = arith.constant 13 : i32
    %add3A_81 = vector.broadcast %add3A_80 : i32 to vector<16xi32>
    %add3A_82 = arith.addi %add3A_81, %iota3A : vector<16xi32>
    %and3A_83 = arith.constant 15 : i32
    %and3A_84 = vector.broadcast %and3A_83 : i32 to vector<16xi32>
    %and3A_85 = arith.andi %add3A_82, %and3A_84 : vector<16xi32>
    %add3A_86 = arith.constant 14 : i32
    %add3A_87 = vector.broadcast %add3A_86 : i32 to vector<16xi32>
    %add3A_88 = arith.addi %add3A_87, %iota3A : vector<16xi32>
    %and3A_89 = arith.constant 15 : i32
    %and3A_90 = vector.broadcast %and3A_89 : i32 to vector<16xi32>
    %and3A_91 = arith.andi %add3A_88, %and3A_90 : vector<16xi32>
    %add3A_92 = arith.constant 15 : i32
    %add3A_93 = vector.broadcast %add3A_92 : i32 to vector<16xi32>
    %add3A_94 = arith.addi %add3A_93, %iota3A : vector<16xi32>
    %and3A_95 = arith.constant 15 : i32
    %and3A_96 = vector.broadcast %and3A_95 : i32 to vector<16xi32>
    %and3A_97 = arith.andi %add3A_94, %and3A_96 : vector<16xi32>
    %get3A = arith.constant 0 : i32
    %get3A_98 = arith.index_cast %get3A : i32 to index
    %get3A_99 = arith.constant 0 : index
    %get3A_100 = tpu.vector_load %arg5[%get3A_98, %get3A_99] {strides = array<i32>} : memref<50x512xi32, #tpu.memory_space<vmem>>, vector<16xi32>,
    %shift_right_logical3A = arith.constant 1 : i32
    %shift_right_logical3A_101 = vector.broadcast %shift_right_logical3A : i32 to vector<16xi32>
    %shift_right_logical3A_102 = arith.shrui %get3A_100, %shift_right_logical3A_101 : vector<16xi32>
    %swap3A = arith.constant 0 : index
    %swap3A_103 = tpu.vector_load %arg6[%swap3A] {strides = array<i32>} : memref<128xi32, #tpu.memory_space<vmem>>, vector<16xi32>,
    tpu.vector_store %arg6[%swap3A], %shift_right_logical3A_102 {strides = array<i32>} : memref<128xi32, #tpu.memory_space<vmem>>, vector<16xi32>,
    %get3A_104 = arith.constant 0 : i32
    %get3A_105 = arith.index_cast %get3A_104 : i32 to index
    %get3A_106 = arith.constant 16 : index
    %get3A_107 = tpu.vector_load %arg5[%get3A_105, %get3A_106] {strides = array<i32>} : memref<50x512xi32, #tpu.memory_space<vmem>>, vector<16xi32>,
    %shift_right_logical3A_108 = arith.constant 1 : i32
    %shift_right_logical3A_109 = vector.broadcast %shift_right_logical3A_108 : i32 to vector<16xi32>
    %shift_right_logical3A_110 = arith.shrui %get3A_107, %shift_right_logical3A_109 : vector<16xi32>
    %swap3A_111 = arith.constant 16 : index
    %swap3A_112 = tpu.vector_load %arg6[%swap3A_111] {strides = array<i32>} : memref<128xi32, #tpu.memory_space<vmem>>, vector<16xi32>,
    tpu.vector_store %arg6[%swap3A_111], %shift_right_logical3A_110 {strides = array<i32>} : memref<128xi32, #tpu.memory_space<vmem>>, vector<16xi32>,
    %get3A_113 = arith.constant 0 : i32
    %get3A_114 = arith.index_cast %get3A_113 : i32 to index
    %get3A_115 = arith.constant 32 : index
    %get3A_116 = tpu.vector_load %arg5[%get3A_114, %get3A_115] {strides = array<i32>} : memref<50x512xi32, #tpu.memory_space<vmem>>, vector<16xi32>,
    %shift_right_logical3A_117 = arith.constant 1 : i32
    %shift_right_logical3A_118 = vector.broadcast %shift_right_logical3A_117 : i32 to vector<16xi32>
    %shift_right_logical3A_119 = arith.shrui %get3A_116, %shift_right_logical3A_118 : vector<16xi32>
    %swap3A_120 = arith.constant 32 : index
    %swap3A_121 = tpu.vector_load %arg6[%swap3A_120] {strides = array<i32>} : memref<128xi32, #tpu.memory_space<vmem>>, vector<16xi32>,
    tpu.vector_store %arg6[%swap3A_120], %shift_right_logical3A_119 {strides = array<i32>} : memref<128xi32, #tpu.memory_space<vmem>>, vector<16xi32>,
    %get3A_122 = arith.constant 0 : i32
    %get3A_123 = arith.index_cast %get3A_122 : i32 to index
    %get3A_124 = arith.constant 48 : index
    %get3A_125 = tpu.vector_load %arg5[%get3A_123, %get3A_124] {strides = array<i32>} : memref<50x512xi32, #tpu.memory_space<vmem>>, vector<16xi32>,
    %shift_right_logical3A_126 = arith.constant 1 : i32
    %shift_right_logical3A_127 = vector.broadcast %shift_right_logical3A_126 : i32 to vector<16xi32>
    %shift_right_logical3A_128 = arith.shrui %get3A_125, %shift_right_logical3A_127 : vector<16xi32>
    %swap3A_129 = arith.constant 48 : index
    %swap3A_130 = tpu.vector_load %arg6[%swap3A_129] {strides = array<i32>} : memref<128xi32, #tpu.memory_space<vmem>>, vector<16xi32>,
    tpu.vector_store %arg6[%swap3A_129], %shift_right_logical3A_128 {strides = array<i32>} : memref<128xi32, #tpu.memory_space<vmem>>, vector<16xi32>,
    %get3A_131 = arith.constant 0 : i32
    %get3A_132 = arith.index_cast %get3A_131 : i32 to index
    %get3A_133 = arith.constant 64 : index
    %get3A_134 = tpu.vector_load %arg5[%get3A_132, %get3A_133] {strides = array<i32>} : memref<50x512xi32, #tpu.memory_space<vmem>>, vector<16xi32>,
    %shift_right_logical3A_135 = arith.constant 1 : i32
    %shift_right_logical3A_136 = vector.broadcast %shift_right_logical3A_135 : i32 to vector<16xi32>
    %shift_right_logical3A_137 = arith.shrui %get3A_134, %shift_right_logical3A_136 : vector<16xi32>
    %swap3A_138 = arith.constant 64 : index
    %swap3A_139 = tpu.vector_load %arg6[%swap3A_138] {strides = array<i32>} : memref<128xi32, #tpu.memory_space<vmem>>, vector<16xi32>,
    tpu.vector_store %arg6[%swap3A_138], %shift_right_logical3A_137 {strides = array<i32>} : memref<128xi32, #tpu.memory_space<vmem>>, vector<16xi32>,
    %get3A_140 = arith.constant 0 : i32
    %get3A_141 = arith.index_cast %get3A_140 : i32 to index
    %get3A_142 = arith.constant 80 : index
    %get3A_143 = tpu.vector_load %arg5[%get3A_141, %get3A_142] {strides = array<i32>} : memref<50x512xi32, #tpu.memory_space<vmem>>, vector<16xi32>,
    %shift_right_logical3A_144 = arith.constant 1 : i32
    %shift_right_logical3A_145 = vector.broadcast %shift_right_logical3A_144 : i32 to vector<16xi32>
    %shift_right_logical3A_146 = arith.shrui %get3A_143, %shift_right_logical3A_145 : vector<16xi32>
    %swap3A_147 = arith.constant 80 : index
    %swap3A_148 = tpu.vector_load %arg6[%swap3A_147] {strides = array<i32>} : memref<128xi32, #tpu.memory_space<vmem>>, vector<16xi32>,
    tpu.vector_store %arg6[%swap3A_147], %shift_right_logical3A_146 {strides = array<i32>} : memref<128xi32, #tpu.memory_space<vmem>>, vector<16xi32>,
    %get3A_149 = arith.constant 0 : i32
    %get3A_150 = arith.index_cast %get3A_149 : i32 to index
    %get3A_151 = arith.constant 96 : index
    %get3A_152 = tpu.vector_load %arg5[%get3A_150, %get3A_151] {strides = array<i32>} : memref<50x512xi32, #tpu.memory_space<vmem>>, vector<16xi32>,
    %shift_right_logical3A_153 = arith.constant 1 : i32
    %shift_right_logical3A_154 = vector.broadcast %shift_right_logical3A_153 : i32 to vector<16xi32>
    %shift_right_logical3A_155 = arith.shrui %get3A_152, %shift_right_logical3A_154 : vector<16xi32>
    %swap3A_156 = arith.constant 96 : index
    %swap3A_157 = tpu.vector_load %arg6[%swap3A_156] {strides = array<i32>} : memref<128xi32, #tpu.memory_space<vmem>>, vector<16xi32>,
    tpu.vector_store %arg6[%swap3A_156], %shift_right_logical3A_155 {strides = array<i32>} : memref<128xi32, #tpu.memory_space<vmem>>, vector<16xi32>,
    %get3A_158 = arith.constant 0 : i32
    %get3A_159 = arith.index_cast %get3A_158 : i32 to index
    %get3A_160 = arith.constant 112 : index
    %get3A_161 = tpu.vector_load %arg5[%get3A_159, %get3A_160] {strides = array<i32>} : memref<50x512xi32, #tpu.memory_space<vmem>>, vector<16xi32>,
    %shift_right_logical3A_162 = arith.constant 1 : i32
    %shift_right_logical3A_163 = vector.broadcast %shift_right_logical3A_162 : i32 to vector<16xi32>
    %shift_right_logical3A_164 = arith.shrui %get3A_161, %shift_right_logical3A_163 : vector<16xi32>
    %swap3A_165 = arith.constant 112 : index
    %swap3A_166 = tpu.vector_load %arg6[%swap3A_165] {strides = array<i32>} : memref<128xi32, #tpu.memory_space<vmem>>, vector<16xi32>,
    tpu.vector_store %arg6[%swap3A_165], %shift_right_logical3A_164 {strides = array<i32>} : memref<128xi32, #tpu.memory_space<vmem>>, vector<16xi32>,
    %dma_start3A = arith.constant 0 : i32
    %dma_start3A_167 = arith.constant 0 : i32
    %dma_start3A_168 = tpu.memref_slice %arg3[%dma_start3A, %dma_start3A_167] : memref<500000x128xf32, #tpu.memory_space<hbm>> -> memref<500000x128xf32, #tpu.memory_space<hbm>>
    tpu.enqueue_indirect_dma source(%dma_start3A_168 : memref<500000x128xf32, #tpu.memory_space<hbm>>) target(%arg8 : memref<128x128xf32, #tpu.memory_space<vmem>>) offsets(%arg6 : memref<128xi32, #tpu.memory_space<vmem>>) semaphore(%arg12 : memref<!tpu.dma_semaphore, #tpu.memory_space<semaphore_mem>>)
    %get3A_169 = arith.constant 0 : i32
    %get3A_170 = arith.index_cast %get3A_169 : i32 to index
    %get3A_171 = arith.constant 128 : index
    %get3A_172 = tpu.vector_load %arg5[%get3A_170, %get3A_171] {strides = array<i32>} : memref<50x512xi32, #tpu.memory_space<vmem>>, vector<16xi32>,
    %shift_right_logical3A_173 = arith.constant 1 : i32
    %shift_right_logical3A_174 = vector.broadcast %shift_right_logical3A_173 : i32 to vector<16xi32>
    %shift_right_logical3A_175 = arith.shrui %get3A_172, %shift_right_logical3A_174 : vector<16xi32>
    %swap3A_176 = arith.constant 0 : index
    %swap3A_177 = tpu.vector_load %arg7[%swap3A_176] {strides = array<i32>} : memref<128xi32, #tpu.memory_space<vmem>>, vector<16xi32>,
    tpu.vector_store %arg7[%swap3A_176], %shift_right_logical3A_175 {strides = array<i32>} : memref<128xi32, #tpu.memory_space<vmem>>, vector<16xi32>,
    %get3A_178 = arith.constant 0 : i32
    %get3A_179 = arith.index_cast %get3A_178 : i32 to index
    %get3A_180 = arith.constant 144 : index
    %get3A_181 = tpu.vector_load %arg5[%get3A_179, %get3A_180] {strides = array<i32>} : memref<50x512xi32, #tpu.memory_space<vmem>>, vector<16xi32>,
    %shift_right_logical3A_182 = arith.constant 1 : i32
    %shift_right_logical3A_183 = vector.broadcast %shift_right_logical3A_182 : i32 to vector<16xi32>
    %shift_right_logical3A_184 = arith.shrui %get3A_181, %shift_right_logical3A_183 : vector<16xi32>
    %swap3A_185 = arith.constant 16 : index
    %swap3A_186 = tpu.vector_load %arg7[%swap3A_185] {strides = array<i32>} : memref<128xi32, #tpu.memory_space<vmem>>, vector<16xi32>,
    tpu.vector_store %arg7[%swap3A_185], %shift_right_logical3A_184 {strides = array<i32>} : memref<128xi32, #tpu.memory_space<vmem>>, vector<16xi32>,
    %get3A_187 = arith.constant 0 : i32
    %get3A_188 = arith.index_cast %get3A_187 : i32 to index
    %get3A_189 = arith.constant 160 : index
    %get3A_190 = tpu.vector_load %arg5[%get3A_188, %get3A_189] {strides = array<i32>} : memref<50x512xi32, #tpu.memory_space<vmem>>, vector<16xi32>,
    %shift_right_logical3A_191 = arith.constant 1 : i32
    %shift_right_logical3A_192 = vector.broadcast %shift_right_logical3A_191 : i32 to vector<16xi32>
    %shift_right_logical3A_193 = arith.shrui %get3A_190, %shift_right_logical3A_192 : vector<16xi32>
    %swap3A_194 = arith.constant 32 : index
    %swap3A_195 = tpu.vector_load %arg7[%swap3A_194] {strides = array<i32>} : memref<128xi32, #tpu.memory_space<vmem>>, vector<16xi32>,
    tpu.vector_store %arg7[%swap3A_194], %shift_right_logical3A_193 {strides = array<i32>} : memref<128xi32, #tpu.memory_space<vmem>>, vector<16xi32>,
    %get3A_196 = arith.constant 0 : i32
    %get3A_197 = arith.index_cast %get3A_196 : i32 to index
    %get3A_198 = arith.constant 176 : index
    %get3A_199 = tpu.vector_load %arg5[%get3A_197, %get3A_198] {strides = array<i32>} : memref<50x512xi32, #tpu.memory_space<vmem>>, vector<16xi32>,
    %shift_right_logical3A_200 = arith.constant 1 : i32
    %shift_right_logical3A_201 = vector.broadcast %shift_right_logical3A_200 : i32 to vector<16xi32>
    %shift_right_logical3A_202 = arith.shrui %get3A_199, %shift_right_logical3A_201 : vector<16xi32>
    %swap3A_203 = arith.constant 48 : index
    %swap3A_204 = tpu.vector_load %arg7[%swap3A_203] {strides = array<i32>} : memref<128xi32, #tpu.memory_space<vmem>>, vector<16xi32>,
    tpu.vector_store %arg7[%swap3A_203], %shift_right_logical3A_202 {strides = array<i32>} : memref<128xi32, #tpu.memory_space<vmem>>, vector<16xi32>,
    %get3A_205 = arith.constant 0 : i32
    %get3A_206 = arith.index_cast %get3A_205 : i32 to index
    %get3A_207 = arith.constant 192 : index
    %get3A_208 = tpu.vector_load %arg5[%get3A_206, %get3A_207] {strides = array<i32>} : memref<50x512xi32, #tpu.memory_space<vmem>>, vector<16xi32>,
    %shift_right_logical3A_209 = arith.constant 1 : i32
    %shift_right_logical3A_210 = vector.broadcast %shift_right_logical3A_209 : i32 to vector<16xi32>
    %shift_right_logical3A_211 = arith.shrui %get3A_208, %shift_right_logical3A_210 : vector<16xi32>
    %swap3A_212 = arith.constant 64 : index
    %swap3A_213 = tpu.vector_load %arg7[%swap3A_212] {strides = array<i32>} : memref<128xi32, #tpu.memory_space<vmem>>, vector<16xi32>,
    tpu.vector_store %arg7[%swap3A_212], %shift_right_logical3A_211 {strides = array<i32>} : memref<128xi32, #tpu.memory_space<vmem>>, vector<16xi32>,
    %get3A_214 = arith.constant 0 : i32
    %get3A_215 = arith.index_cast %get3A_214 : i32 to index
    %get3A_216 = arith.constant 208 : index
    %get3A_217 = tpu.vector_load %arg5[%get3A_215, %get3A_216] {strides = array<i32>} : memref<50x512xi32, #tpu.memory_space<vmem>>, vector<16xi32>,
    %shift_right_logical3A_218 = arith.constant 1 : i32
    %shift_right_logical3A_219 = vector.broadcast %shift_right_logical3A_218 : i32 to vector<16xi32>
    %shift_right_logical3A_220 = arith.shrui %get3A_217, %shift_right_logical3A_219 : vector<16xi32>
    %swap3A_221 = arith.constant 80 : index
    %swap3A_222 = tpu.vector_load %arg7[%swap3A_221] {strides = array<i32>} : memref<128xi32, #tpu.memory_space<vmem>>, vector<16xi32>,
    tpu.vector_store %arg7[%swap3A_221], %shift_right_logical3A_220 {strides = array<i32>} : memref<128xi32, #tpu.memory_space<vmem>>, vector<16xi32>,
    %get3A_223 = arith.constant 0 : i32
    %get3A_224 = arith.index_cast %get3A_223 : i32 to index
    %get3A_225 = arith.constant 224 : index
    %get3A_226 = tpu.vector_load %arg5[%get3A_224, %get3A_225] {strides = array<i32>} : memref<50x512xi32, #tpu.memory_space<vmem>>, vector<16xi32>,
    %shift_right_logical3A_227 = arith.constant 1 : i32
    %shift_right_logical3A_228 = vector.broadcast %shift_right_logical3A_227 : i32 to vector<16xi32>
    %shift_right_logical3A_229 = arith.shrui %get3A_226, %shift_right_logical3A_228 : vector<16xi32>
    %swap3A_230 = arith.constant 96 : index
    %swap3A_231 = tpu.vector_load %arg7[%swap3A_230] {strides = array<i32>} : memref<128xi32, #tpu.memory_space<vmem>>, vector<16xi32>,
    tpu.vector_store %arg7[%swap3A_230], %shift_right_logical3A_229 {strides = array<i32>} : memref<128xi32, #tpu.memory_space<vmem>>, vector<16xi32>,
    %get3A_232 = arith.constant 0 : i32
    %get3A_233 = arith.index_cast %get3A_232 : i32 to index
    %get3A_234 = arith.constant 240 : index
    %get3A_235 = tpu.vector_load %arg5[%get3A_233, %get3A_234] {strides = array<i32>} : memref<50x512xi32, #tpu.memory_space<vmem>>, vector<16xi32>,
    %shift_right_logical3A_236 = arith.constant 1 : i32
    %shift_right_logical3A_237 = vector.broadcast %shift_right_logical3A_236 : i32 to vector<16xi32>
    %shift_right_logical3A_238 = arith.shrui %get3A_235, %shift_right_logical3A_237 : vector<16xi32>
    %swap3A_239 = arith.constant 112 : index
    %swap3A_240 = tpu.vector_load %arg7[%swap3A_239] {strides = array<i32>} : memref<128xi32, #tpu.memory_space<vmem>>, vector<16xi32>,
    tpu.vector_store %arg7[%swap3A_239], %shift_right_logical3A_238 {strides = array<i32>} : memref<128xi32, #tpu.memory_space<vmem>>, vector<16xi32>,
    %dma_start3A_241 = arith.constant 0 : i32
    %dma_start3A_242 = arith.constant 0 : i32
    %dma_start3A_243 = tpu.memref_slice %arg3[%dma_start3A_241, %dma_start3A_242] : memref<500000x128xf32, #tpu.memory_space<hbm>> -> memref<500000x128xf32, #tpu.memory_space<hbm>>
    tpu.enqueue_indirect_dma source(%dma_start3A_243 : memref<500000x128xf32, #tpu.memory_space<hbm>>) target(%arg9 : memref<128x128xf32, #tpu.memory_space<vmem>>) offsets(%arg7 : memref<128xi32, #tpu.memory_space<vmem>>) semaphore(%arg12 : memref<!tpu.dma_semaphore, #tpu.memory_space<semaphore_mem>>)
    %scan3A = arith.constant 0 : i32
    %scan3A_244 = arith.constant 100 : i32
    %scan3A_245 = arith.addi %scan3A, %scan3A_244 : i32
    %scan3A_246 = arith.constant 1 : i32
    scf.for %scan3A_269 = %scan3A to %scan3A_245 step %scan3A_246  : i32 {
      %mul3A_270 = arith.constant 2 : i32
      %mul3A_271 = arith.muli %scan3A_269, %mul3A_270 : i32
      %add3A_272 = arith.constant 0 : i32
      %add3A_273 = arith.addi %add3A_272, %mul3A_271 : i32
      %add3A_274 = arith.constant 0 : i32
      %add3A_275 = arith.addi %add3A_273, %add3A_274 : i32
      %jit3A = arith.constant 4 : i32
      %div3A = arith.divsi %add3A_275, %jit3A : i32
      %sign3A = arith.constant 0 : i32
      %sign3A_276 = arith.cmpi sgt, %add3A_275, %sign3A : i32
      %sign3A_277 = arith.extui %sign3A_276 : i1 to i32
      %sign3A_278 = arith.constant 0 : i32
      %sign3A_279 = arith.cmpi slt, %add3A_275, %sign3A_278 : i32
      %sign3A_280 = arith.extui %sign3A_279 : i1 to i32
      %sign3A_281 = arith.subi %sign3A_277, %sign3A_280 : i32
      %sign3A_282 = arith.constant 0 : i32
      %sign3A_283 = arith.cmpi sgt, %jit3A, %sign3A_282 : i32
      %sign3A_284 = arith.extui %sign3A_283 : i1 to i32
      %sign3A_285 = arith.constant 0 : i32
      %sign3A_286 = arith.cmpi slt, %jit3A, %sign3A_285 : i32
      %sign3A_287 = arith.extui %sign3A_286 : i1 to i32
      %sign3A_288 = arith.subi %sign3A_284, %sign3A_287 : i32
      %ne3A = arith.cmpi ne, %sign3A_281, %sign3A_288 : i32
      %rem3A = arith.remsi %add3A_275, %jit3A : i32
      %ne3A_289 = arith.constant 0 : i32
      %ne3A_290 = arith.cmpi ne, %rem3A, %ne3A_289 : i32
      %and3A_291 = arith.andi %ne3A, %ne3A_290 : i1
      %sub3A = arith.constant 1 : i32
      %sub3A_292 = arith.subi %div3A, %sub3A : i32
      %select_n3A = arith.select %and3A_291, %sub3A_292, %div3A : i32
      %mul3A_293 = arith.constant 4 : i32
      %mul3A_294 = arith.muli %select_n3A, %mul3A_293 : i32
      %sub3A_295 = arith.subi %add3A_275, %mul3A_294 : i32
      %dma_wait3A_296 = arith.constant 0 : i32
      %dma_wait3A_297 = arith.constant 0 : i32
      %dma_wait3A_298 = tpu.memref_slice %arg3[%dma_wait3A_296, %dma_wait3A_297] : memref<500000x128xf32, #tpu.memory_space<hbm>> -> memref<500000x128xf32, #tpu.memory_space<hbm>>
      tpu.wait_indirect_dma semaphore(%arg12 : memref<!tpu.dma_semaphore, #tpu.memory_space<semaphore_mem>>) src(%dma_wait3A_298 : memref<500000x128xf32, #tpu.memory_space<hbm>>) dst(%arg8 : memref<128x128xf32, #tpu.memory_space<vmem>>)
      %ge3A = arith.constant 2 : i32
      %ge3A_299 = arith.cmpi sge, %add3A_275, %ge3A : i32
      %convert_element_type3A = arith.extui %ge3A_299 : i1 to i32
      %cond3A = arith.constant 0 : i32
      %cond3A_300 = arith.cmpi ne, %convert_element_type3A, %cond3A : i32
      scf.if %cond3A_300 {
        %sub3A_491 = arith.constant 2 : i32
        %sub3A_492 = arith.subi %add3A_275, %sub3A_491 : i32
        %jit3A_493 = arith.constant 4 : i32
        %div3A_494 = arith.divsi %sub3A_492, %jit3A_493 : i32
        %sign3A_495 = arith.constant 0 : i32
        %sign3A_496 = arith.cmpi sgt, %sub3A_492, %sign3A_495 : i32
        %sign3A_497 = arith.extui %sign3A_496 : i1 to i32
        %sign3A_498 = arith.constant 0 : i32
        %sign3A_499 = arith.cmpi slt, %sub3A_492, %sign3A_498 : i32
        %sign3A_500 = arith.extui %sign3A_499 : i1 to i32
        %sign3A_501 = arith.subi %sign3A_497, %sign3A_500 : i32
        %sign3A_502 = arith.constant 0 : i32
        %sign3A_503 = arith.cmpi sgt, %jit3A_493, %sign3A_502 : i32
        %sign3A_504 = arith.extui %sign3A_503 : i1 to i32
        %sign3A_505 = arith.constant 0 : i32
        %sign3A_506 = arith.cmpi slt, %jit3A_493, %sign3A_505 : i32
        %sign3A_507 = arith.extui %sign3A_506 : i1 to i32
        %sign3A_508 = arith.subi %sign3A_504, %sign3A_507 : i32
        %ne3A_509 = arith.cmpi ne, %sign3A_501, %sign3A_508 : i32
        %rem3A_510 = arith.remsi %sub3A_492, %jit3A_493 : i32
        %ne3A_511 = arith.constant 0 : i32
        %ne3A_512 = arith.cmpi ne, %rem3A_510, %ne3A_511 : i32
        %and3A_513 = arith.andi %ne3A_509, %ne3A_512 : i1
        %sub3A_514 = arith.constant 1 : i32
        %sub3A_515 = arith.subi %div3A_494, %sub3A_514 : i32
        %select_n3A_516 = arith.select %and3A_513, %sub3A_515, %div3A_494 : i32
        %mul3A_517 = arith.constant 4 : i32
        %mul3A_518 = arith.muli %select_n3A_516, %mul3A_517 : i32
        %sub3A_519 = arith.subi %sub3A_492, %mul3A_518 : i32
        %mul3A_520 = arith.constant 128 : i32
        %mul3A_521 = arith.muli %sub3A_519, %mul3A_520 : i32
        %add3A_522 = arith.addi %mul3A_2, %mul3A_521 : i32
        %dma_wait3A_523 = tpu.memref_bitcast %arg4 : memref<50x64x16384xbf16, #tpu.memory_space<hbm>> -> memref<50x32x16384xi32, #tpu.memory_space<hbm>>
        %dma_wait3A_524 = arith.constant 0 : i32
        %dma_wait3A_525 = tpu.memref_slice %dma_wait3A_523[%select_n3A_516, %dma_wait3A_524, %add3A_522] : memref<50x32x16384xi32, #tpu.memory_space<hbm>> -> memref<1x32x128xi32, #tpu.memory_space<hbm>>
        %dma_wait3A_526 = tpu.memref_squeeze %dma_wait3A_525 : memref<1x32x128xi32, #tpu.memory_space<hbm>> -> memref<32x128xi32, #tpu.memory_space<hbm>>
        %dma_wait3A_527 = tpu.memref_bitcast %arg4 : memref<50x64x16384xbf16, #tpu.memory_space<hbm>> -> memref<50x32x16384xi32, #tpu.memory_space<hbm>>
        %dma_wait3A_528 = arith.constant 0 : i32
        %dma_wait3A_529 = tpu.memref_slice %dma_wait3A_527[%select_n3A_516, %dma_wait3A_528, %add3A_522] : memref<50x32x16384xi32, #tpu.memory_space<hbm>> -> memref<1x32x128xi32, #tpu.memory_space<hbm>>
        %dma_wait3A_530 = tpu.memref_squeeze %dma_wait3A_529 : memref<1x32x128xi32, #tpu.memory_space<hbm>> -> memref<32x128xi32, #tpu.memory_space<hbm>>
        tpu.wait_dma2 semaphore(%arg13 : memref<!tpu.dma_semaphore, #tpu.memory_space<semaphore_mem>>) src(%arg10 : memref<32x128xi32, #tpu.memory_space<vmem>>) dst(%dma_wait3A_530 : memref<32x128xi32, #tpu.memory_space<hbm>>)
      } else {
      }
      %jit3A_301 = arith.constant 4 : i32
      %div3A_302 = arith.divsi %add3A_275, %jit3A_301 : i32
      %sign3A_303 = arith.constant 0 : i32
      %sign3A_304 = arith.cmpi sgt, %add3A_275, %sign3A_303 : i32
      %sign3A_305 = arith.extui %sign3A_304 : i1 to i32
      %sign3A_306 = arith.constant 0 : i32
      %sign3A_307 = arith.cmpi slt, %add3A_275, %sign3A_306 : i32
      %sign3A_308 = arith.extui %sign3A_307 : i1 to i32
      %sign3A_309 = arith.subi %sign3A_305, %sign3A_308 : i32
      %sign3A_310 = arith.constant 0 : i32
      %sign3A_311 = arith.cmpi sgt, %jit3A_301, %sign3A_310 : i32
      %sign3A_312 = arith.extui %sign3A_311 : i1 to i32
      %sign3A_313 = arith.constant 0 : i32
      %sign3A_314 = arith.cmpi slt, %jit3A_301, %sign3A_313 : i32
      %sign3A_315 = arith.extui %sign3A_314 : i1 to i32
      %sign3A_316 = arith.subi %sign3A_312, %sign3A_315 : i32
      %ne3A_317 = arith.cmpi ne, %sign3A_309, %sign3A_316 : i32
      %rem3A_318 = arith.remsi %add3A_275, %jit3A_301 : i32
      %ne3A_319 = arith.constant 0 : i32
      %ne3A_320 = arith.cmpi ne, %rem3A_318, %ne3A_319 : i32
      %and3A_321 = arith.andi %ne3A_317, %ne3A_320 : i1
      %sub3A_322 = arith.constant 1 : i32
      %sub3A_323 = arith.subi %div3A_302, %sub3A_322 : i32
      %select_n3A_324 = arith.select %and3A_321, %sub3A_323, %div3A_302 : i32
      %mul3A_325 = arith.constant 4 : i32
      %mul3A_326 = arith.muli %select_n3A_324, %mul3A_325 : i32
      %sub3A_327 = arith.subi %add3A_275, %mul3A_326 : i32
      %scan3A_328 = arith.constant 0 : i32
      %scan3A_329 = arith.constant 8 : i32
      %scan3A_330 = arith.addi %scan3A_328, %scan3A_329 : i32
      %scan3A_331 = arith.constant 1 : i32
      scf.for %scan3A_491 = %scan3A_328 to %scan3A_330 step %scan3A_331  : i32 {
        %mul3A_492 = arith.constant 1 : i32
        %mul3A_493 = arith.muli %scan3A_491, %mul3A_492 : i32
        %add3A_494 = arith.constant 0 : i32
        %add3A_495 = arith.addi %add3A_494, %mul3A_493 : i32
        %mul3A_496 = arith.constant 16 : i32
        %mul3A_497 = arith.muli %add3A_495, %mul3A_496 : i32
        %add3A_498 = vector.broadcast %mul3A_497 : i32 to vector<16xi32>
        %add3A_499 = arith.addi %add3A_498, %iota3A : vector<16xi32>
        %mul3A_500 = arith.constant 128 : i32
        %mul3A_501 = arith.muli %sub3A_327, %mul3A_500 : i32
        %mul3A_502 = arith.constant 16 : i32
        %mul3A_503 = arith.muli %mul3A_502, %add3A_495 : i32
        %add3A_504 = arith.addi %mul3A_501, %mul3A_503 : i32
        %get3A_505 = arith.index_cast %select_n3A_324 : i32 to index
        %get3A_506 = arith.index_cast %add3A_504 : i32 to index
        %get3A_507 = tpu.vector_load %arg5[%get3A_505, %get3A_506] {strides = array<i32>} : memref<50x512xi32, #tpu.memory_space<vmem>>, vector<16xi32>,
        %and3A_508 = arith.constant 1 : i32
        %and3A_509 = vector.broadcast %and3A_508 : i32 to vector<16xi32>
        %and3A_510 = arith.andi %get3A_507, %and3A_509 : vector<16xi32>
        %shift_left3A = arith.constant 6 : i32
        %shift_left3A_511 = vector.broadcast %shift_left3A : i32 to vector<16xi32>
        %shift_left3A_512 = arith.shli %and3A_510, %shift_left3A_511 : vector<16xi32>
        %mul3A_513 = arith.constant 2 : i32
        %mul3A_514 = vector.broadcast %mul3A_513 : i32 to vector<16xi32>
        %mul3A_515 = arith.muli %mul3A_514, %and3A_7 : vector<16xi32>
        %add3A_516 = arith.constant 0 : i32
        %add3A_517 = vector.broadcast %add3A_516 : i32 to vector<16xi32>
        %add3A_518 = arith.addi %mul3A_515, %add3A_517 : vector<16xi32>
        %add3A_519 = arith.addi %shift_left3A_512, %add3A_518 : vector<16xi32>
        %gather3A = tpu.vector_load_idx %arg8[%add3A_499, %add3A_519] : memref<128x128xf32, #tpu.memory_space<vmem>>[vector<16xi32>, vector<16xi32>], vector<16xf32>,
        %add3A_520 = arith.constant 1 : i32
        %add3A_521 = vector.broadcast %add3A_520 : i32 to vector<16xi32>
        %add3A_522 = arith.addi %add3A_519, %add3A_521 : vector<16xi32>
        %gather3A_523 = tpu.vector_load_idx %arg8[%add3A_499, %add3A_522] : memref<128x128xf32, #tpu.memory_space<vmem>>[vector<16xi32>, vector<16xi32>], vector<16xf32>,
        %pack3A = tpu.pack_subelements %gather3A, %gather3A_523 {pack_format = #tpu.pack_format<interleaved>, positions = array<i32: 0, 1>} : vector<16xf32>, vector<16xf32> -> vector<32xbf16>
        %bitcast3A = vector.bitcast %pack3A : vector<32xbf16> to vector<16xi32>
        %add3A_524 = arith.constant 0 : i32
        %add3A_525 = vector.broadcast %add3A_524 : i32 to vector<16xi32>
        %add3A_526 = arith.addi %and3A_7, %add3A_525 : vector<16xi32>
        tpu.vector_store_idx %arg10[%add3A_526, %add3A_499], %bitcast3A : memref<32x128xi32, #tpu.memory_space<vmem>>[vector<16xi32>, vector<16xi32>], vector<16xi32>,
        %mul3A_527 = arith.constant 2 : i32
        %mul3A_528 = vector.broadcast %mul3A_527 : i32 to vector<16xi32>
        %mul3A_529 = arith.muli %mul3A_528, %and3A_7 : vector<16xi32>
        %add3A_530 = arith.constant 32 : i32
        %add3A_531 = vector.broadcast %add3A_530 : i32 to vector<16xi32>
        %add3A_532 = arith.addi %mul3A_529, %add3A_531 : vector<16xi32>
        %add3A_533 = arith.addi %shift_left3A_512, %add3A_532 : vector<16xi32>
        %gather3A_534 = tpu.vector_load_idx %arg8[%add3A_499, %add3A_533] : memref<128x128xf32, #tpu.memory_space<vmem>>[vector<16xi32>, vector<16xi32>], vector<16xf32>,
        %add3A_535 = arith.constant 1 : i32
        %add3A_536 = vector.broadcast %add3A_535 : i32 to vector<16xi32>
        %add3A_537 = arith.addi %add3A_533, %add3A_536 : vector<16xi32>
        %gather3A_538 = tpu.vector_load_idx %arg8[%add3A_499, %add3A_537] : memref<128x128xf32, #tpu.memory_space<vmem>>[vector<16xi32>, vector<16xi32>], vector<16xf32>,
        %pack3A_539 = tpu.pack_subelements %gather3A_534, %gather3A_538 {pack_format = #tpu.pack_format<interleaved>, positions = array<i32: 0, 1>} : vector<16xf32>, vector<16xf32> -> vector<32xbf16>
        %bitcast3A_540 = vector.bitcast %pack3A_539 : vector<32xbf16> to vector<16xi32>
        %add3A_541 = arith.constant 16 : i32
        %add3A_542 = vector.broadcast %add3A_541 : i32 to vector<16xi32>
        %add3A_543 = arith.addi %and3A_7, %add3A_542 : vector<16xi32>
        tpu.vector_store_idx %arg10[%add3A_543, %add3A_499], %bitcast3A_540 : memref<32x128xi32, #tpu.memory_space<vmem>>[vector<16xi32>, vector<16xi32>], vector<16xi32>,
        %mul3A_544 = arith.constant 2 : i32
        %mul3A_545 = vector.broadcast %mul3A_544 : i32 to vector<16xi32>
        %mul3A_546 = arith.muli %mul3A_545, %and3A_13 : vector<16xi32>
        %add3A_547 = arith.constant 0 : i32
        %add3A_548 = vector.broadcast %add3A_547 : i32 to vector<16xi32>
        %add3A_549 = arith.addi %mul3A_546, %add3A_548 : vector<16xi32>
        %add3A_550 = arith.addi %shift_left3A_512, %add3A_549 : vector<16xi32>
        %gather3A_551 = tpu.vector_load_idx %arg8[%add3A_499, %add3A_550] : memref<128x128xf32, #tpu.memory_space<vmem>>[vector<16xi32>, vector<16xi32>], vector<16xf32>,
        %add3A_552 = arith.constant 1 : i32
        %add3A_553 = vector.broadcast %add3A_552 : i32 to vector<16xi32>
        %add3A_554 = arith.addi %add3A_550, %add3A_553 : vector<16xi32>
        %gather3A_555 = tpu.vector_load_idx %arg8[%add3A_499, %add3A_554] : memref<128x128xf32, #tpu.memory_space<vmem>>[vector<16xi32>, vector<16xi32>], vector<16xf32>,
        %pack3A_556 = tpu.pack_subelements %gather3A_551, %gather3A_555 {pack_format = #tpu.pack_format<interleaved>, positions = array<i32: 0, 1>} : vector<16xf32>, vector<16xf32> -> vector<32xbf16>
        %bitcast3A_557 = vector.bitcast %pack3A_556 : vector<32xbf16> to vector<16xi32>
        %add3A_558 = arith.constant 0 : i32
        %add3A_559 = vector.broadcast %add3A_558 : i32 to vector<16xi32>
        %add3A_560 = arith.addi %and3A_13, %add3A_559 : vector<16xi32>
        tpu.vector_store_idx %arg10[%add3A_560, %add3A_499], %bitcast3A_557 : memref<32x128xi32, #tpu.memory_space<vmem>>[vector<16xi32>, vector<16xi32>], vector<16xi32>,
        %mul3A_561 = arith.constant 2 : i32
        %mul3A_562 = vector.broadcast %mul3A_561 : i32 to vector<16xi32>
        %mul3A_563 = arith.muli %mul3A_562, %and3A_13 : vector<16xi32>
        %add3A_564 = arith.constant 32 : i32
        %add3A_565 = vector.broadcast %add3A_564 : i32 to vector<16xi32>
        %add3A_566 = arith.addi %mul3A_563, %add3A_565 : vector<16xi32>
        %add3A_567 = arith.addi %shift_left3A_512, %add3A_566 : vector<16xi32>
        %gather3A_568 = tpu.vector_load_idx %arg8[%add3A_499, %add3A_567] : memref<128x128xf32, #tpu.memory_space<vmem>>[vector<16xi32>, vector<16xi32>], vector<16xf32>,
        %add3A_569 = arith.constant 1 : i32
        %add3A_570 = vector.broadcast %add3A_569 : i32 to vector<16xi32>
        %add3A_571 = arith.addi %add3A_567, %add3A_570 : vector<16xi32>
        %gather3A_572 = tpu.vector_load_idx %arg8[%add3A_499, %add3A_571] : memref<128x128xf32, #tpu.memory_space<vmem>>[vector<16xi32>, vector<16xi32>], vector<16xf32>,
        %pack3A_573 = tpu.pack_subelements %gather3A_568, %gather3A_572 {pack_format = #tpu.pack_format<interleaved>, positions = array<i32: 0, 1>} : vector<16xf32>, vector<16xf32> -> vector<32xbf16>
        %bitcast3A_574 = vector.bitcast %pack3A_573 : vector<32xbf16> to vector<16xi32>
        %add3A_575 = arith.constant 16 : i32
        %add3A_576 = vector.broadcast %add3A_575 : i32 to vector<16xi32>
        %add3A_577 = arith.addi %and3A_13, %add3A_576 : vector<16xi32>
        tpu.vector_store_idx %arg10[%add3A_577, %add3A_499], %bitcast3A_574 : memref<32x128xi32, #tpu.memory_space<vmem>>[vector<16xi32>, vector<16xi32>], vector<16xi32>,
        %mul3A_578 = arith.constant 2 : i32
        %mul3A_579 = vector.broadcast %mul3A_578 : i32 to vector<16xi32>
        %mul3A_580 = arith.muli %mul3A_579, %and3A_19 : vector<16xi32>
        %add3A_581 = arith.constant 0 : i32
        %add3A_582 = vector.broadcast %add3A_581 : i32 to vector<16xi32>
        %add3A_583 = arith.addi %mul3A_580, %add3A_582 : vector<16xi32>
        %add3A_584 = arith.addi %shift_left3A_512, %add3A_583 : vector<16xi32>
        %gather3A_585 = tpu.vector_load_idx %arg8[%add3A_499, %add3A_584] : memref<128x128xf32, #tpu.memory_space<vmem>>[vector<16xi32>, vector<16xi32>], vector<16xf32>,
        %add3A_586 = arith.constant 1 : i32
        %add3A_587 = vector.broadcast %add3A_586 : i32 to vector<16xi32>
        %add3A_588 = arith.addi %add3A_584, %add3A_587 : vector<16xi32>
        %gather3A_589 = tpu.vector_load_idx %arg8[%add3A_499, %add3A_588] : memref<128x128xf32, #tpu.memory_space<vmem>>[vector<16xi32>, vector<16xi32>], vector<16xf32>,
        %pack3A_590 = tpu.pack_subelements %gather3A_585, %gather3A_589 {pack_format = #tpu.pack_format<interleaved>, positions = array<i32: 0, 1>} : vector<16xf32>, vector<16xf32> -> vector<32xbf16>
        %bitcast3A_591 = vector.bitcast %pack3A_590 : vector<32xbf16> to vector<16xi32>
        %add3A_592 = arith.constant 0 : i32
        %add3A_593 = vector.broadcast %add3A_592 : i32 to vector<16xi32>
        %add3A_594 = arith.addi %and3A_19, %add3A_593 : vector<16xi32>
        tpu.vector_store_idx %arg10[%add3A_594, %add3A_499], %bitcast3A_591 : memref<32x128xi32, #tpu.memory_space<vmem>>[vector<16xi32>, vector<16xi32>], vector<16xi32>,
        %mul3A_595 = arith.constant 2 : i32
        %mul3A_596 = vector.broadcast %mul3A_595 : i32 to vector<16xi32>
        %mul3A_597 = arith.muli %mul3A_596, %and3A_19 : vector<16xi32>
        %add3A_598 = arith.constant 32 : i32
        %add3A_599 = vector.broadcast %add3A_598 : i32 to vector<16xi32>
        %add3A_600 = arith.addi %mul3A_597, %add3A_599 : vector<16xi32>
        %add3A_601 = arith.addi %shift_left3A_512, %add3A_600 : vector<16xi32>
        %gather3A_602 = tpu.vector_load_idx %arg8[%add3A_499, %add3A_601] : memref<128x128xf32, #tpu.memory_space<vmem>>[vector<16xi32>, vector<16xi32>], vector<16xf32>,
        %add3A_603 = arith.constant 1 : i32
        %add3A_604 = vector.broadcast %add3A_603 : i32 to vector<16xi32>
        %add3A_605 = arith.addi %add3A_601, %add3A_604 : vector<16xi32>
        %gather3A_606 = tpu.vector_load_idx %arg8[%add3A_499, %add3A_605] : memref<128x128xf32, #tpu.memory_space<vmem>>[vector<16xi32>, vector<16xi32>], vector<16xf32>,
        %pack3A_607 = tpu.pack_subelements %gather3A_602, %gather3A_606 {pack_format = #tpu.pack_format<interleaved>, positions = array<i32: 0, 1>} : vector<16xf32>, vector<16xf32> -> vector<32xbf16>
        %bitcast3A_608 = vector.bitcast %pack3A_607 : vector<32xbf16> to vector<16xi32>
        %add3A_609 = arith.constant 16 : i32
        %add3A_610 = vector.broadcast %add3A_609 : i32 to vector<16xi32>
        %add3A_611 = arith.addi %and3A_19, %add3A_610 : vector<16xi32>
        tpu.vector_store_idx %arg10[%add3A_611, %add3A_499], %bitcast3A_608 : memref<32x128xi32, #tpu.memory_space<vmem>>[vector<16xi32>, vector<16xi32>], vector<16xi32>,
        %mul3A_612 = arith.constant 2 : i32
        %mul3A_613 = vector.broadcast %mul3A_612 : i32 to vector<16xi32>
        %mul3A_614 = arith.muli %mul3A_613, %and3A_25 : vector<16xi32>
        %add3A_615 = arith.constant 0 : i32
        %add3A_616 = vector.broadcast %add3A_615 : i32 to vector<16xi32>
        %add3A_617 = arith.addi %mul3A_614, %add3A_616 : vector<16xi32>
        %add3A_618 = arith.addi %shift_left3A_512, %add3A_617 : vector<16xi32>
        %gather3A_619 = tpu.vector_load_idx %arg8[%add3A_499, %add3A_618] : memref<128x128xf32, #tpu.memory_space<vmem>>[vector<16xi32>, vector<16xi32>], vector<16xf32>,
        %add3A_620 = arith.constant 1 : i32
        %add3A_621 = vector.broadcast %add3A_620 : i32 to vector<16xi32>
        %add3A_622 = arith.addi %add3A_618, %add3A_621 : vector<16xi32>
        %gather3A_623 = tpu.vector_load_idx %arg8[%add3A_499, %add3A_622] : memref<128x128xf32, #tpu.memory_space<vmem>>[vector<16xi32>, vector<16xi32>], vector<16xf32>,
        %pack3A_624 = tpu.pack_subelements %gather3A_619, %gather3A_623 {pack_format = #tpu.pack_format<interleaved>, positions = array<i32: 0, 1>} : vector<16xf32>, vector<16xf32> -> vector<32xbf16>
        %bitcast3A_625 = vector.bitcast %pack3A_624 : vector<32xbf16> to vector<16xi32>
        %add3A_626 = arith.constant 0 : i32
        %add3A_627 = vector.broadcast %add3A_626 : i32 to vector<16xi32>
        %add3A_628 = arith.addi %and3A_25, %add3A_627 : vector<16xi32>
        tpu.vector_store_idx %arg10[%add3A_628, %add3A_499], %bitcast3A_625 : memref<32x128xi32, #tpu.memory_space<vmem>>[vector<16xi32>, vector<16xi32>], vector<16xi32>,
        %mul3A_629 = arith.constant 2 : i32
        %mul3A_630 = vector.broadcast %mul3A_629 : i32 to vector<16xi32>
        %mul3A_631 = arith.muli %mul3A_630, %and3A_25 : vector<16xi32>
        %add3A_632 = arith.constant 32 : i32
        %add3A_633 = vector.broadcast %add3A_632 : i32 to vector<16xi32>
        %add3A_634 = arith.addi %mul3A_631, %add3A_633 : vector<16xi32>
        %add3A_635 = arith.addi %shift_left3A_512, %add3A_634 : vector<16xi32>
        %gather3A_636 = tpu.vector_load_idx %arg8[%add3A_499, %add3A_635] : memref<128x128xf32, #tpu.memory_space<vmem>>[vector<16xi32>, vector<16xi32>], vector<16xf32>,
        %add3A_637 = arith.constant 1 : i32
        %add3A_638 = vector.broadcast %add3A_637 : i32 to vector<16xi32>
        %add3A_639 = arith.addi %add3A_635, %add3A_638 : vector<16xi32>
        %gather3A_640 = tpu.vector_load_idx %arg8[%add3A_499, %add3A_639] : memref<128x128xf32, #tpu.memory_space<vmem>>[vector<16xi32>, vector<16xi32>], vector<16xf32>,
        %pack3A_641 = tpu.pack_subelements %gather3A_636, %gather3A_640 {pack_format = #tpu.pack_format<interleaved>, positions = array<i32: 0, 1>} : vector<16xf32>, vector<16xf32> -> vector<32xbf16>
        %bitcast3A_642 = vector.bitcast %pack3A_641 : vector<32xbf16> to vector<16xi32>
        %add3A_643 = arith.constant 16 : i32
        %add3A_644 = vector.broadcast %add3A_643 : i32 to vector<16xi32>
        %add3A_645 = arith.addi %and3A_25, %add3A_644 : vector<16xi32>
        tpu.vector_store_idx %arg10[%add3A_645, %add3A_499], %bitcast3A_642 : memref<32x128xi32, #tpu.memory_space<vmem>>[vector<16xi32>, vector<16xi32>], vector<16xi32>,
        %mul3A_646 = arith.constant 2 : i32
        %mul3A_647 = vector.broadcast %mul3A_646 : i32 to vector<16xi32>
        %mul3A_648 = arith.muli %mul3A_647, %and3A_31 : vector<16xi32>
        %add3A_649 = arith.constant 0 : i32
        %add3A_650 = vector.broadcast %add3A_649 : i32 to vector<16xi32>
        %add3A_651 = arith.addi %mul3A_648, %add3A_650 : vector<16xi32>
        %add3A_652 = arith.addi %shift_left3A_512, %add3A_651 : vector<16xi32>
        %gather3A_653 = tpu.vector_load_idx %arg8[%add3A_499, %add3A_652] : memref<128x128xf32, #tpu.memory_space<vmem>>[vector<16xi32>, vector<16xi32>], vector<16xf32>,
        %add3A_654 = arith.constant 1 : i32
        %add3A_655 = vector.broadcast %add3A_654 : i32 to vector<16xi32>
        %add3A_656 = arith.addi %add3A_652, %add3A_655 : vector<16xi32>
        %gather3A_657 = tpu.vector_load_idx %arg8[%add3A_499, %add3A_656] : memref<128x128xf32, #tpu.memory_space<vmem>>[vector<16xi32>, vector<16xi32>], vector<16xf32>,
        %pack3A_658 = tpu.pack_subelements %gather3A_653, %gather3A_657 {pack_format = #tpu.pack_format<interleaved>, positions = array<i32: 0, 1>} : vector<16xf32>, vector<16xf32> -> vector<32xbf16>
        %bitcast3A_659 = vector.bitcast %pack3A_658 : vector<32xbf16> to vector<16xi32>
        %add3A_660 = arith.constant 0 : i32
        %add3A_661 = vector.broadcast %add3A_660 : i32 to vector<16xi32>
        %add3A_662 = arith.addi %and3A_31, %add3A_661 : vector<16xi32>
        tpu.vector_store_idx %arg10[%add3A_662, %add3A_499], %bitcast3A_659 : memref<32x128xi32, #tpu.memory_space<vmem>>[vector<16xi32>, vector<16xi32>], vector<16xi32>,
        %mul3A_663 = arith.constant 2 : i32
        %mul3A_664 = vector.broadcast %mul3A_663 : i32 to vector<16xi32>
        %mul3A_665 = arith.muli %mul3A_664, %and3A_31 : vector<16xi32>
        %add3A_666 = arith.constant 32 : i32
        %add3A_667 = vector.broadcast %add3A_666 : i32 to vector<16xi32>
        %add3A_668 = arith.addi %mul3A_665, %add3A_667 : vector<16xi32>
        %add3A_669 = arith.addi %shift_left3A_512, %add3A_668 : vector<16xi32>
        %gather3A_670 = tpu.vector_load_idx %arg8[%add3A_499, %add3A_669] : memref<128x128xf32, #tpu.memory_space<vmem>>[vector<16xi32>, vector<16xi32>], vector<16xf32>,
        %add3A_671 = arith.constant 1 : i32
        %add3A_672 = vector.broadcast %add3A_671 : i32 to vector<16xi32>
        %add3A_673 = arith.addi %add3A_669, %add3A_672 : vector<16xi32>
        %gather3A_674 = tpu.vector_load_idx %arg8[%add3A_499, %add3A_673] : memref<128x128xf32, #tpu.memory_space<vmem>>[vector<16xi32>, vector<16xi32>], vector<16xf32>,
        %pack3A_675 = tpu.pack_subelements %gather3A_670, %gather3A_674 {pack_format = #tpu.pack_format<interleaved>, positions = array<i32: 0, 1>} : vector<16xf32>, vector<16xf32> -> vector<32xbf16>
        %bitcast3A_676 = vector.bitcast %pack3A_675 : vector<32xbf16> to vector<16xi32>
        %add3A_677 = arith.constant 16 : i32
        %add3A_678 = vector.broadcast %add3A_677 : i32 to vector<16xi32>
        %add3A_679 = arith.addi %and3A_31, %add3A_678 : vector<16xi32>
        tpu.vector_store_idx %arg10[%add3A_679, %add3A_499], %bitcast3A_676 : memref<32x128xi32, #tpu.memory_space<vmem>>[vector<16xi32>, vector<16xi32>], vector<16xi32>,
        %mul3A_680 = arith.constant 2 : i32
        %mul3A_681 = vector.broadcast %mul3A_680 : i32 to vector<16xi32>
        %mul3A_682 = arith.muli %mul3A_681, %and3A_37 : vector<16xi32>
        %add3A_683 = arith.constant 0 : i32
        %add3A_684 = vector.broadcast %add3A_683 : i32 to vector<16xi32>
        %add3A_685 = arith.addi %mul3A_682, %add3A_684 : vector<16xi32>
        %add3A_686 = arith.addi %shift_left3A_512, %add3A_685 : vector<16xi32>
        %gather3A_687 = tpu.vector_load_idx %arg8[%add3A_499, %add3A_686] : memref<128x128xf32, #tpu.memory_space<vmem>>[vector<16xi32>, vector<16xi32>], vector<16xf32>,
        %add3A_688 = arith.constant 1 : i32
        %add3A_689 = vector.broadcast %add3A_688 : i32 to vector<16xi32>
        %add3A_690 = arith.addi %add3A_686, %add3A_689 : vector<16xi32>
        %gather3A_691 = tpu.vector_load_idx %arg8[%add3A_499, %add3A_690] : memref<128x128xf32, #tpu.memory_space<vmem>>[vector<16xi32>, vector<16xi32>], vector<16xf32>,
        %pack3A_692 = tpu.pack_subelements %gather3A_687, %gather3A_691 {pack_format = #tpu.pack_format<interleaved>, positions = array<i32: 0, 1>} : vector<16xf32>, vector<16xf32> -> vector<32xbf16>
        %bitcast3A_693 = vector.bitcast %pack3A_692 : vector<32xbf16> to vector<16xi32>
        %add3A_694 = arith.constant 0 : i32
        %add3A_695 = vector.broadcast %add3A_694 : i32 to vector<16xi32>
        %add3A_696 = arith.addi %and3A_37, %add3A_695 : vector<16xi32>
        tpu.vector_store_idx %arg10[%add3A_696, %add3A_499], %bitcast3A_693 : memref<32x128xi32, #tpu.memory_space<vmem>>[vector<16xi32>, vector<16xi32>], vector<16xi32>,
        %mul3A_697 = arith.constant 2 : i32
        %mul3A_698 = vector.broadcast %mul3A_697 : i32 to vector<16xi32>
        %mul3A_699 = arith.muli %mul3A_698, %and3A_37 : vector<16xi32>
        %add3A_700 = arith.constant 32 : i32
        %add3A_701 = vector.broadcast %add3A_700 : i32 to vector<16xi32>
        %add3A_702 = arith.addi %mul3A_699, %add3A_701 : vector<16xi32>
        %add3A_703 = arith.addi %shift_left3A_512, %add3A_702 : vector<16xi32>
        %gather3A_704 = tpu.vector_load_idx %arg8[%add3A_499, %add3A_703] : memref<128x128xf32, #tpu.memory_space<vmem>>[vector<16xi32>, vector<16xi32>], vector<16xf32>,
        %add3A_705 = arith.constant 1 : i32
        %add3A_706 = vector.broadcast %add3A_705 : i32 to vector<16xi32>
        %add3A_707 = arith.addi %add3A_703, %add3A_706 : vector<16xi32>
        %gather3A_708 = tpu.vector_load_idx %arg8[%add3A_499, %add3A_707] : memref<128x128xf32, #tpu.memory_space<vmem>>[vector<16xi32>, vector<16xi32>], vector<16xf32>,
        %pack3A_709 = tpu.pack_subelements %gather3A_704, %gather3A_708 {pack_format = #tpu.pack_format<interleaved>, positions = array<i32: 0, 1>} : vector<16xf32>, vector<16xf32> -> vector<32xbf16>
        %bitcast3A_710 = vector.bitcast %pack3A_709 : vector<32xbf16> to vector<16xi32>
        %add3A_711 = arith.constant 16 : i32
        %add3A_712 = vector.broadcast %add3A_711 : i32 to vector<16xi32>
        %add3A_713 = arith.addi %and3A_37, %add3A_712 : vector<16xi32>
        tpu.vector_store_idx %arg10[%add3A_713, %add3A_499], %bitcast3A_710 : memref<32x128xi32, #tpu.memory_space<vmem>>[vector<16xi32>, vector<16xi32>], vector<16xi32>,
        %mul3A_714 = arith.constant 2 : i32
        %mul3A_715 = vector.broadcast %mul3A_714 : i32 to vector<16xi32>
        %mul3A_716 = arith.muli %mul3A_715, %and3A_43 : vector<16xi32>
        %add3A_717 = arith.constant 0 : i32
        %add3A_718 = vector.broadcast %add3A_717 : i32 to vector<16xi32>
        %add3A_719 = arith.addi %mul3A_716, %add3A_718 : vector<16xi32>
        %add3A_720 = arith.addi %shift_left3A_512, %add3A_719 : vector<16xi32>
        %gather3A_721 = tpu.vector_load_idx %arg8[%add3A_499, %add3A_720] : memref<128x128xf32, #tpu.memory_space<vmem>>[vector<16xi32>, vector<16xi32>], vector<16xf32>,
        %add3A_722 = arith.constant 1 : i32
        %add3A_723 = vector.broadcast %add3A_722 : i32 to vector<16xi32>
        %add3A_724 = arith.addi %add3A_720, %add3A_723 : vector<16xi32>
        %gather3A_725 = tpu.vector_load_idx %arg8[%add3A_499, %add3A_724] : memref<128x128xf32, #tpu.memory_space<vmem>>[vector<16xi32>, vector<16xi32>], vector<16xf32>,
        %pack3A_726 = tpu.pack_subelements %gather3A_721, %gather3A_725 {pack_format = #tpu.pack_format<interleaved>, positions = array<i32: 0, 1>} : vector<16xf32>, vector<16xf32> -> vector<32xbf16>
        %bitcast3A_727 = vector.bitcast %pack3A_726 : vector<32xbf16> to vector<16xi32>
        %add3A_728 = arith.constant 0 : i32
        %add3A_729 = vector.broadcast %add3A_728 : i32 to vector<16xi32>
        %add3A_730 = arith.addi %and3A_43, %add3A_729 : vector<16xi32>
        tpu.vector_store_idx %arg10[%add3A_730, %add3A_499], %bitcast3A_727 : memref<32x128xi32, #tpu.memory_space<vmem>>[vector<16xi32>, vector<16xi32>], vector<16xi32>,
        %mul3A_731 = arith.constant 2 : i32
        %mul3A_732 = vector.broadcast %mul3A_731 : i32 to vector<16xi32>
        %mul3A_733 = arith.muli %mul3A_732, %and3A_43 : vector<16xi32>
        %add3A_734 = arith.constant 32 : i32
        %add3A_735 = vector.broadcast %add3A_734 : i32 to vector<16xi32>
        %add3A_736 = arith.addi %mul3A_733, %add3A_735 : vector<16xi32>
        %add3A_737 = arith.addi %shift_left3A_512, %add3A_736 : vector<16xi32>
        %gather3A_738 = tpu.vector_load_idx %arg8[%add3A_499, %add3A_737] : memref<128x128xf32, #tpu.memory_space<vmem>>[vector<16xi32>, vector<16xi32>], vector<16xf32>,
        %add3A_739 = arith.constant 1 : i32
        %add3A_740 = vector.broadcast %add3A_739 : i32 to vector<16xi32>
        %add3A_741 = arith.addi %add3A_737, %add3A_740 : vector<16xi32>
        %gather3A_742 = tpu.vector_load_idx %arg8[%add3A_499, %add3A_741] : memref<128x128xf32, #tpu.memory_space<vmem>>[vector<16xi32>, vector<16xi32>], vector<16xf32>,
        %pack3A_743 = tpu.pack_subelements %gather3A_738, %gather3A_742 {pack_format = #tpu.pack_format<interleaved>, positions = array<i32: 0, 1>} : vector<16xf32>, vector<16xf32> -> vector<32xbf16>
        %bitcast3A_744 = vector.bitcast %pack3A_743 : vector<32xbf16> to vector<16xi32>
        %add3A_745 = arith.constant 16 : i32
        %add3A_746 = vector.broadcast %add3A_745 : i32 to vector<16xi32>
        %add3A_747 = arith.addi %and3A_43, %add3A_746 : vector<16xi32>
        tpu.vector_store_idx %arg10[%add3A_747, %add3A_499], %bitcast3A_744 : memref<32x128xi32, #tpu.memory_space<vmem>>[vector<16xi32>, vector<16xi32>], vector<16xi32>,
        %mul3A_748 = arith.constant 2 : i32
        %mul3A_749 = vector.broadcast %mul3A_748 : i32 to vector<16xi32>
        %mul3A_750 = arith.muli %mul3A_749, %and3A_49 : vector<16xi32>
        %add3A_751 = arith.constant 0 : i32
        %add3A_752 = vector.broadcast %add3A_751 : i32 to vector<16xi32>
        %add3A_753 = arith.addi %mul3A_750, %add3A_752 : vector<16xi32>
        %add3A_754 = arith.addi %shift_left3A_512, %add3A_753 : vector<16xi32>
        %gather3A_755 = tpu.vector_load_idx %arg8[%add3A_499, %add3A_754] : memref<128x128xf32, #tpu.memory_space<vmem>>[vector<16xi32>, vector<16xi32>], vector<16xf32>,
        %add3A_756 = arith.constant 1 : i32
        %add3A_757 = vector.broadcast %add3A_756 : i32 to vector<16xi32>
        %add3A_758 = arith.addi %add3A_754, %add3A_757 : vector<16xi32>
        %gather3A_759 = tpu.vector_load_idx %arg8[%add3A_499, %add3A_758] : memref<128x128xf32, #tpu.memory_space<vmem>>[vector<16xi32>, vector<16xi32>], vector<16xf32>,
        %pack3A_760 = tpu.pack_subelements %gather3A_755, %gather3A_759 {pack_format = #tpu.pack_format<interleaved>, positions = array<i32: 0, 1>} : vector<16xf32>, vector<16xf32> -> vector<32xbf16>
        %bitcast3A_761 = vector.bitcast %pack3A_760 : vector<32xbf16> to vector<16xi32>
        %add3A_762 = arith.constant 0 : i32
        %add3A_763 = vector.broadcast %add3A_762 : i32 to vector<16xi32>
        %add3A_764 = arith.addi %and3A_49, %add3A_763 : vector<16xi32>
        tpu.vector_store_idx %arg10[%add3A_764, %add3A_499], %bitcast3A_761 : memref<32x128xi32, #tpu.memory_space<vmem>>[vector<16xi32>, vector<16xi32>], vector<16xi32>,
        %mul3A_765 = arith.constant 2 : i32
        %mul3A_766 = vector.broadcast %mul3A_765 : i32 to vector<16xi32>
        %mul3A_767 = arith.muli %mul3A_766, %and3A_49 : vector<16xi32>
        %add3A_768 = arith.constant 32 : i32
        %add3A_769 = vector.broadcast %add3A_768 : i32 to vector<16xi32>
        %add3A_770 = arith.addi %mul3A_767, %add3A_769 : vector<16xi32>
        %add3A_771 = arith.addi %shift_left3A_512, %add3A_770 : vector<16xi32>
        %gather3A_772 = tpu.vector_load_idx %arg8[%add3A_499, %add3A_771] : memref<128x128xf32, #tpu.memory_space<vmem>>[vector<16xi32>, vector<16xi32>], vector<16xf32>,
        %add3A_773 = arith.constant 1 : i32
        %add3A_774 = vector.broadcast %add3A_773 : i32 to vector<16xi32>
        %add3A_775 = arith.addi %add3A_771, %add3A_774 : vector<16xi32>
        %gather3A_776 = tpu.vector_load_idx %arg8[%add3A_499, %add3A_775] : memref<128x128xf32, #tpu.memory_space<vmem>>[vector<16xi32>, vector<16xi32>], vector<16xf32>,
        %pack3A_777 = tpu.pack_subelements %gather3A_772, %gather3A_776 {pack_format = #tpu.pack_format<interleaved>, positions = array<i32: 0, 1>} : vector<16xf32>, vector<16xf32> -> vector<32xbf16>
        %bitcast3A_778 = vector.bitcast %pack3A_777 : vector<32xbf16> to vector<16xi32>
        %add3A_779 = arith.constant 16 : i32
        %add3A_780 = vector.broadcast %add3A_779 : i32 to vector<16xi32>
        %add3A_781 = arith.addi %and3A_49, %add3A_780 : vector<16xi32>
        tpu.vector_store_idx %arg10[%add3A_781, %add3A_499], %bitcast3A_778 : memref<32x128xi32, #tpu.memory_space<vmem>>[vector<16xi32>, vector<16xi32>], vector<16xi32>,
        %mul3A_782 = arith.constant 2 : i32
        %mul3A_783 = vector.broadcast %mul3A_782 : i32 to vector<16xi32>
        %mul3A_784 = arith.muli %mul3A_783, %and3A_55 : vector<16xi32>
        %add3A_785 = arith.constant 0 : i32
        %add3A_786 = vector.broadcast %add3A_785 : i32 to vector<16xi32>
        %add3A_787 = arith.addi %mul3A_784, %add3A_786 : vector<16xi32>
        %add3A_788 = arith.addi %shift_left3A_512, %add3A_787 : vector<16xi32>
        %gather3A_789 = tpu.vector_load_idx %arg8[%add3A_499, %add3A_788] : memref<128x128xf32, #tpu.memory_space<vmem>>[vector<16xi32>, vector<16xi32>], vector<16xf32>,
        %add3A_790 = arith.constant 1 : i32
        %add3A_791 = vector.broadcast %add3A_790 : i32 to vector<16xi32>
        %add3A_792 = arith.addi %add3A_788, %add3A_791 : vector<16xi32>
        %gather3A_793 = tpu.vector_load_idx %arg8[%add3A_499, %add3A_792] : memref<128x128xf32, #tpu.memory_space<vmem>>[vector<16xi32>, vector<16xi32>], vector<16xf32>,
        %pack3A_794 = tpu.pack_subelements %gather3A_789, %gather3A_793 {pack_format = #tpu.pack_format<interleaved>, positions = array<i32: 0, 1>} : vector<16xf32>, vector<16xf32> -> vector<32xbf16>
        %bitcast3A_795 = vector.bitcast %pack3A_794 : vector<32xbf16> to vector<16xi32>
        %add3A_796 = arith.constant 0 : i32
        %add3A_797 = vector.broadcast %add3A_796 : i32 to vector<16xi32>
        %add3A_798 = arith.addi %and3A_55, %add3A_797 : vector<16xi32>
        tpu.vector_store_idx %arg10[%add3A_798, %add3A_499], %bitcast3A_795 : memref<32x128xi32, #tpu.memory_space<vmem>>[vector<16xi32>, vector<16xi32>], vector<16xi32>,
        %mul3A_799 = arith.constant 2 : i32
        %mul3A_800 = vector.broadcast %mul3A_799 : i32 to vector<16xi32>
        %mul3A_801 = arith.muli %mul3A_800, %and3A_55 : vector<16xi32>
        %add3A_802 = arith.constant 32 : i32
        %add3A_803 = vector.broadcast %add3A_802 : i32 to vector<16xi32>
        %add3A_804 = arith.addi %mul3A_801, %add3A_803 : vector<16xi32>
        %add3A_805 = arith.addi %shift_left3A_512, %add3A_804 : vector<16xi32>
        %gather3A_806 = tpu.vector_load_idx %arg8[%add3A_499, %add3A_805] : memref<128x128xf32, #tpu.memory_space<vmem>>[vector<16xi32>, vector<16xi32>], vector<16xf32>,
        %add3A_807 = arith.constant 1 : i32
        %add3A_808 = vector.broadcast %add3A_807 : i32 to vector<16xi32>
        %add3A_809 = arith.addi %add3A_805, %add3A_808 : vector<16xi32>
        %gather3A_810 = tpu.vector_load_idx %arg8[%add3A_499, %add3A_809] : memref<128x128xf32, #tpu.memory_space<vmem>>[vector<16xi32>, vector<16xi32>], vector<16xf32>,
        %pack3A_811 = tpu.pack_subelements %gather3A_806, %gather3A_810 {pack_format = #tpu.pack_format<interleaved>, positions = array<i32: 0, 1>} : vector<16xf32>, vector<16xf32> -> vector<32xbf16>
        %bitcast3A_812 = vector.bitcast %pack3A_811 : vector<32xbf16> to vector<16xi32>
        %add3A_813 = arith.constant 16 : i32
        %add3A_814 = vector.broadcast %add3A_813 : i32 to vector<16xi32>
        %add3A_815 = arith.addi %and3A_55, %add3A_814 : vector<16xi32>
        tpu.vector_store_idx %arg10[%add3A_815, %add3A_499], %bitcast3A_812 : memref<32x128xi32, #tpu.memory_space<vmem>>[vector<16xi32>, vector<16xi32>], vector<16xi32>,
        %mul3A_816 = arith.constant 2 : i32
        %mul3A_817 = vector.broadcast %mul3A_816 : i32 to vector<16xi32>
        %mul3A_818 = arith.muli %mul3A_817, %and3A_61 : vector<16xi32>
        %add3A_819 = arith.constant 0 : i32
        %add3A_820 = vector.broadcast %add3A_819 : i32 to vector<16xi32>
        %add3A_821 = arith.addi %mul3A_818, %add3A_820 : vector<16xi32>
        %add3A_822 = arith.addi %shift_left3A_512, %add3A_821 : vector<16xi32>
        %gather3A_823 = tpu.vector_load_idx %arg8[%add3A_499, %add3A_822] : memref<128x128xf32, #tpu.memory_space<vmem>>[vector<16xi32>, vector<16xi32>], vector<16xf32>,
        %add3A_824 = arith.constant 1 : i32
        %add3A_825 = vector.broadcast %add3A_824 : i32 to vector<16xi32>
        %add3A_826 = arith.addi %add3A_822, %add3A_825 : vector<16xi32>
        %gather3A_827 = tpu.vector_load_idx %arg8[%add3A_499, %add3A_826] : memref<128x128xf32, #tpu.memory_space<vmem>>[vector<16xi32>, vector<16xi32>], vector<16xf32>,
        %pack3A_828 = tpu.pack_subelements %gather3A_823, %gather3A_827 {pack_format = #tpu.pack_format<interleaved>, positions = array<i32: 0, 1>} : vector<16xf32>, vector<16xf32> -> vector<32xbf16>
        %bitcast3A_829 = vector.bitcast %pack3A_828 : vector<32xbf16> to vector<16xi32>
        %add3A_830 = arith.constant 0 : i32
        %add3A_831 = vector.broadcast %add3A_830 : i32 to vector<16xi32>
        %add3A_832 = arith.addi %and3A_61, %add3A_831 : vector<16xi32>
        tpu.vector_store_idx %arg10[%add3A_832, %add3A_499], %bitcast3A_829 : memref<32x128xi32, #tpu.memory_space<vmem>>[vector<16xi32>, vector<16xi32>], vector<16xi32>,
        %mul3A_833 = arith.constant 2 : i32
        %mul3A_834 = vector.broadcast %mul3A_833 : i32 to vector<16xi32>
        %mul3A_835 = arith.muli %mul3A_834, %and3A_61 : vector<16xi32>
        %add3A_836 = arith.constant 32 : i32
        %add3A_837 = vector.broadcast %add3A_836 : i32 to vector<16xi32>
        %add3A_838 = arith.addi %mul3A_835, %add3A_837 : vector<16xi32>
        %add3A_839 = arith.addi %shift_left3A_512, %add3A_838 : vector<16xi32>
        %gather3A_840 = tpu.vector_load_idx %arg8[%add3A_499, %add3A_839] : memref<128x128xf32, #tpu.memory_space<vmem>>[vector<16xi32>, vector<16xi32>], vector<16xf32>,
        %add3A_841 = arith.constant 1 : i32
        %add3A_842 = vector.broadcast %add3A_841 : i32 to vector<16xi32>
        %add3A_843 = arith.addi %add3A_839, %add3A_842 : vector<16xi32>
        %gather3A_844 = tpu.vector_load_idx %arg8[%add3A_499, %add3A_843] : memref<128x128xf32, #tpu.memory_space<vmem>>[vector<16xi32>, vector<16xi32>], vector<16xf32>,
        %pack3A_845 = tpu.pack_subelements %gather3A_840, %gather3A_844 {pack_format = #tpu.pack_format<interleaved>, positions = array<i32: 0, 1>} : vector<16xf32>, vector<16xf32> -> vector<32xbf16>
        %bitcast3A_846 = vector.bitcast %pack3A_845 : vector<32xbf16> to vector<16xi32>
        %add3A_847 = arith.constant 16 : i32
        %add3A_848 = vector.broadcast %add3A_847 : i32 to vector<16xi32>
        %add3A_849 = arith.addi %and3A_61, %add3A_848 : vector<16xi32>
        tpu.vector_store_idx %arg10[%add3A_849, %add3A_499], %bitcast3A_846 : memref<32x128xi32, #tpu.memory_space<vmem>>[vector<16xi32>, vector<16xi32>], vector<16xi32>,
        %mul3A_850 = arith.constant 2 : i32
        %mul3A_851 = vector.broadcast %mul3A_850 : i32 to vector<16xi32>
        %mul3A_852 = arith.muli %mul3A_851, %and3A_67 : vector<16xi32>
        %add3A_853 = arith.constant 0 : i32
        %add3A_854 = vector.broadcast %add3A_853 : i32 to vector<16xi32>
        %add3A_855 = arith.addi %mul3A_852, %add3A_854 : vector<16xi32>
        %add3A_856 = arith.addi %shift_left3A_512, %add3A_855 : vector<16xi32>
        %gather3A_857 = tpu.vector_load_idx %arg8[%add3A_499, %add3A_856] : memref<128x128xf32, #tpu.memory_space<vmem>>[vector<16xi32>, vector<16xi32>], vector<16xf32>,
        %add3A_858 = arith.constant 1 : i32
        %add3A_859 = vector.broadcast %add3A_858 : i32 to vector<16xi32>
        %add3A_860 = arith.addi %add3A_856, %add3A_859 : vector<16xi32>
        %gather3A_861 = tpu.vector_load_idx %arg8[%add3A_499, %add3A_860] : memref<128x128xf32, #tpu.memory_space<vmem>>[vector<16xi32>, vector<16xi32>], vector<16xf32>,
        %pack3A_862 = tpu.pack_subelements %gather3A_857, %gather3A_861 {pack_format = #tpu.pack_format<interleaved>, positions = array<i32: 0, 1>} : vector<16xf32>, vector<16xf32> -> vector<32xbf16>
        %bitcast3A_863 = vector.bitcast %pack3A_862 : vector<32xbf16> to vector<16xi32>
        %add3A_864 = arith.constant 0 : i32
        %add3A_865 = vector.broadcast %add3A_864 : i32 to vector<16xi32>
        %add3A_866 = arith.addi %and3A_67, %add3A_865 : vector<16xi32>
        tpu.vector_store_idx %arg10[%add3A_866, %add3A_499], %bitcast3A_863 : memref<32x128xi32, #tpu.memory_space<vmem>>[vector<16xi32>, vector<16xi32>], vector<16xi32>,
        %mul3A_867 = arith.constant 2 : i32
        %mul3A_868 = vector.broadcast %mul3A_867 : i32 to vector<16xi32>
        %mul3A_869 = arith.muli %mul3A_868, %and3A_67 : vector<16xi32>
        %add3A_870 = arith.constant 32 : i32
        %add3A_871 = vector.broadcast %add3A_870 : i32 to vector<16xi32>
        %add3A_872 = arith.addi %mul3A_869, %add3A_871 : vector<16xi32>
        %add3A_873 = arith.addi %shift_left3A_512, %add3A_872 : vector<16xi32>
        %gather3A_874 = tpu.vector_load_idx %arg8[%add3A_499, %add3A_873] : memref<128x128xf32, #tpu.memory_space<vmem>>[vector<16xi32>, vector<16xi32>], vector<16xf32>,
        %add3A_875 = arith.constant 1 : i32
        %add3A_876 = vector.broadcast %add3A_875 : i32 to vector<16xi32>
        %add3A_877 = arith.addi %add3A_873, %add3A_876 : vector<16xi32>
        %gather3A_878 = tpu.vector_load_idx %arg8[%add3A_499, %add3A_877] : memref<128x128xf32, #tpu.memory_space<vmem>>[vector<16xi32>, vector<16xi32>], vector<16xf32>,
        %pack3A_879 = tpu.pack_subelements %gather3A_874, %gather3A_878 {pack_format = #tpu.pack_format<interleaved>, positions = array<i32: 0, 1>} : vector<16xf32>, vector<16xf32> -> vector<32xbf16>
        %bitcast3A_880 = vector.bitcast %pack3A_879 : vector<32xbf16> to vector<16xi32>
        %add3A_881 = arith.constant 16 : i32
        %add3A_882 = vector.broadcast %add3A_881 : i32 to vector<16xi32>
        %add3A_883 = arith.addi %and3A_67, %add3A_882 : vector<16xi32>
        tpu.vector_store_idx %arg10[%add3A_883, %add3A_499], %bitcast3A_880 : memref<32x128xi32, #tpu.memory_space<vmem>>[vector<16xi32>, vector<16xi32>], vector<16xi32>,
        %mul3A_884 = arith.constant 2 : i32
        %mul3A_885 = vector.broadcast %mul3A_884 : i32 to vector<16xi32>
        %mul3A_886 = arith.muli %mul3A_885, %and3A_73 : vector<16xi32>
        %add3A_887 = arith.constant 0 : i32
        %add3A_888 = vector.broadcast %add3A_887 : i32 to vector<16xi32>
        %add3A_889 = arith.addi %mul3A_886, %add3A_888 : vector<16xi32>
        %add3A_890 = arith.addi %shift_left3A_512, %add3A_889 : vector<16xi32>
        %gather3A_891 = tpu.vector_load_idx %arg8[%add3A_499, %add3A_890] : memref<128x128xf32, #tpu.memory_space<vmem>>[vector<16xi32>, vector<16xi32>], vector<16xf32>,
        %add3A_892 = arith.constant 1 : i32
        %add3A_893 = vector.broadcast %add3A_892 : i32 to vector<16xi32>
        %add3A_894 = arith.addi %add3A_890, %add3A_893 : vector<16xi32>
        %gather3A_895 = tpu.vector_load_idx %arg8[%add3A_499, %add3A_894] : memref<128x128xf32, #tpu.memory_space<vmem>>[vector<16xi32>, vector<16xi32>], vector<16xf32>,
        %pack3A_896 = tpu.pack_subelements %gather3A_891, %gather3A_895 {pack_format = #tpu.pack_format<interleaved>, positions = array<i32: 0, 1>} : vector<16xf32>, vector<16xf32> -> vector<32xbf16>
        %bitcast3A_897 = vector.bitcast %pack3A_896 : vector<32xbf16> to vector<16xi32>
        %add3A_898 = arith.constant 0 : i32
        %add3A_899 = vector.broadcast %add3A_898 : i32 to vector<16xi32>
        %add3A_900 = arith.addi %and3A_73, %add3A_899 : vector<16xi32>
        tpu.vector_store_idx %arg10[%add3A_900, %add3A_499], %bitcast3A_897 : memref<32x128xi32, #tpu.memory_space<vmem>>[vector<16xi32>, vector<16xi32>], vector<16xi32>,
        %mul3A_901 = arith.constant 2 : i32
        %mul3A_902 = vector.broadcast %mul3A_901 : i32 to vector<16xi32>
        %mul3A_903 = arith.muli %mul3A_902, %and3A_73 : vector<16xi32>
        %add3A_904 = arith.constant 32 : i32
        %add3A_905 = vector.broadcast %add3A_904 : i32 to vector<16xi32>
        %add3A_906 = arith.addi %mul3A_903, %add3A_905 : vector<16xi32>
        %add3A_907 = arith.addi %shift_left3A_512, %add3A_906 : vector<16xi32>
        %gather3A_908 = tpu.vector_load_idx %arg8[%add3A_499, %add3A_907] : memref<128x128xf32, #tpu.memory_space<vmem>>[vector<16xi32>, vector<16xi32>], vector<16xf32>,
        %add3A_909 = arith.constant 1 : i32
        %add3A_910 = vector.broadcast %add3A_909 : i32 to vector<16xi32>
        %add3A_911 = arith.addi %add3A_907, %add3A_910 : vector<16xi32>
        %gather3A_912 = tpu.vector_load_idx %arg8[%add3A_499, %add3A_911] : memref<128x128xf32, #tpu.memory_space<vmem>>[vector<16xi32>, vector<16xi32>], vector<16xf32>,
        %pack3A_913 = tpu.pack_subelements %gather3A_908, %gather3A_912 {pack_format = #tpu.pack_format<interleaved>, positions = array<i32: 0, 1>} : vector<16xf32>, vector<16xf32> -> vector<32xbf16>
        %bitcast3A_914 = vector.bitcast %pack3A_913 : vector<32xbf16> to vector<16xi32>
        %add3A_915 = arith.constant 16 : i32
        %add3A_916 = vector.broadcast %add3A_915 : i32 to vector<16xi32>
        %add3A_917 = arith.addi %and3A_73, %add3A_916 : vector<16xi32>
        tpu.vector_store_idx %arg10[%add3A_917, %add3A_499], %bitcast3A_914 : memref<32x128xi32, #tpu.memory_space<vmem>>[vector<16xi32>, vector<16xi32>], vector<16xi32>,
        %mul3A_918 = arith.constant 2 : i32
        %mul3A_919 = vector.broadcast %mul3A_918 : i32 to vector<16xi32>
        %mul3A_920 = arith.muli %mul3A_919, %and3A_79 : vector<16xi32>
        %add3A_921 = arith.constant 0 : i32
        %add3A_922 = vector.broadcast %add3A_921 : i32 to vector<16xi32>
        %add3A_923 = arith.addi %mul3A_920, %add3A_922 : vector<16xi32>
        %add3A_924 = arith.addi %shift_left3A_512, %add3A_923 : vector<16xi32>
        %gather3A_925 = tpu.vector_load_idx %arg8[%add3A_499, %add3A_924] : memref<128x128xf32, #tpu.memory_space<vmem>>[vector<16xi32>, vector<16xi32>], vector<16xf32>,
        %add3A_926 = arith.constant 1 : i32
        %add3A_927 = vector.broadcast %add3A_926 : i32 to vector<16xi32>
        %add3A_928 = arith.addi %add3A_924, %add3A_927 : vector<16xi32>
        %gather3A_929 = tpu.vector_load_idx %arg8[%add3A_499, %add3A_928] : memref<128x128xf32, #tpu.memory_space<vmem>>[vector<16xi32>, vector<16xi32>], vector<16xf32>,
        %pack3A_930 = tpu.pack_subelements %gather3A_925, %gather3A_929 {pack_format = #tpu.pack_format<interleaved>, positions = array<i32: 0, 1>} : vector<16xf32>, vector<16xf32> -> vector<32xbf16>
        %bitcast3A_931 = vector.bitcast %pack3A_930 : vector<32xbf16> to vector<16xi32>
        %add3A_932 = arith.constant 0 : i32
        %add3A_933 = vector.broadcast %add3A_932 : i32 to vector<16xi32>
        %add3A_934 = arith.addi %and3A_79, %add3A_933 : vector<16xi32>
        tpu.vector_store_idx %arg10[%add3A_934, %add3A_499], %bitcast3A_931 : memref<32x128xi32, #tpu.memory_space<vmem>>[vector<16xi32>, vector<16xi32>], vector<16xi32>,
        %mul3A_935 = arith.constant 2 : i32
        %mul3A_936 = vector.broadcast %mul3A_935 : i32 to vector<16xi32>
        %mul3A_937 = arith.muli %mul3A_936, %and3A_79 : vector<16xi32>
        %add3A_938 = arith.constant 32 : i32
        %add3A_939 = vector.broadcast %add3A_938 : i32 to vector<16xi32>
        %add3A_940 = arith.addi %mul3A_937, %add3A_939 : vector<16xi32>
        %add3A_941 = arith.addi %shift_left3A_512, %add3A_940 : vector<16xi32>
        %gather3A_942 = tpu.vector_load_idx %arg8[%add3A_499, %add3A_941] : memref<128x128xf32, #tpu.memory_space<vmem>>[vector<16xi32>, vector<16xi32>], vector<16xf32>,
        %add3A_943 = arith.constant 1 : i32
        %add3A_944 = vector.broadcast %add3A_943 : i32 to vector<16xi32>
        %add3A_945 = arith.addi %add3A_941, %add3A_944 : vector<16xi32>
        %gather3A_946 = tpu.vector_load_idx %arg8[%add3A_499, %add3A_945] : memref<128x128xf32, #tpu.memory_space<vmem>>[vector<16xi32>, vector<16xi32>], vector<16xf32>,
        %pack3A_947 = tpu.pack_subelements %gather3A_942, %gather3A_946 {pack_format = #tpu.pack_format<interleaved>, positions = array<i32: 0, 1>} : vector<16xf32>, vector<16xf32> -> vector<32xbf16>
        %bitcast3A_948 = vector.bitcast %pack3A_947 : vector<32xbf16> to vector<16xi32>
        %add3A_949 = arith.constant 16 : i32
        %add3A_950 = vector.broadcast %add3A_949 : i32 to vector<16xi32>
        %add3A_951 = arith.addi %and3A_79, %add3A_950 : vector<16xi32>
        tpu.vector_store_idx %arg10[%add3A_951, %add3A_499], %bitcast3A_948 : memref<32x128xi32, #tpu.memory_space<vmem>>[vector<16xi32>, vector<16xi32>], vector<16xi32>,
        %mul3A_952 = arith.constant 2 : i32
        %mul3A_953 = vector.broadcast %mul3A_952 : i32 to vector<16xi32>
        %mul3A_954 = arith.muli %mul3A_953, %and3A_85 : vector<16xi32>
        %add3A_955 = arith.constant 0 : i32
        %add3A_956 = vector.broadcast %add3A_955 : i32 to vector<16xi32>
        %add3A_957 = arith.addi %mul3A_954, %add3A_956 : vector<16xi32>
        %add3A_958 = arith.addi %shift_left3A_512, %add3A_957 : vector<16xi32>
        %gather3A_959 = tpu.vector_load_idx %arg8[%add3A_499, %add3A_958] : memref<128x128xf32, #tpu.memory_space<vmem>>[vector<16xi32>, vector<16xi32>], vector<16xf32>,
        %add3A_960 = arith.constant 1 : i32
        %add3A_961 = vector.broadcast %add3A_960 : i32 to vector<16xi32>
        %add3A_962 = arith.addi %add3A_958, %add3A_961 : vector<16xi32>
        %gather3A_963 = tpu.vector_load_idx %arg8[%add3A_499, %add3A_962] : memref<128x128xf32, #tpu.memory_space<vmem>>[vector<16xi32>, vector<16xi32>], vector<16xf32>,
        %pack3A_964 = tpu.pack_subelements %gather3A_959, %gather3A_963 {pack_format = #tpu.pack_format<interleaved>, positions = array<i32: 0, 1>} : vector<16xf32>, vector<16xf32> -> vector<32xbf16>
        %bitcast3A_965 = vector.bitcast %pack3A_964 : vector<32xbf16> to vector<16xi32>
        %add3A_966 = arith.constant 0 : i32
        %add3A_967 = vector.broadcast %add3A_966 : i32 to vector<16xi32>
        %add3A_968 = arith.addi %and3A_85, %add3A_967 : vector<16xi32>
        tpu.vector_store_idx %arg10[%add3A_968, %add3A_499], %bitcast3A_965 : memref<32x128xi32, #tpu.memory_space<vmem>>[vector<16xi32>, vector<16xi32>], vector<16xi32>,
        %mul3A_969 = arith.constant 2 : i32
        %mul3A_970 = vector.broadcast %mul3A_969 : i32 to vector<16xi32>
        %mul3A_971 = arith.muli %mul3A_970, %and3A_85 : vector<16xi32>
        %add3A_972 = arith.constant 32 : i32
        %add3A_973 = vector.broadcast %add3A_972 : i32 to vector<16xi32>
        %add3A_974 = arith.addi %mul3A_971, %add3A_973 : vector<16xi32>
        %add3A_975 = arith.addi %shift_left3A_512, %add3A_974 : vector<16xi32>
        %gather3A_976 = tpu.vector_load_idx %arg8[%add3A_499, %add3A_975] : memref<128x128xf32, #tpu.memory_space<vmem>>[vector<16xi32>, vector<16xi32>], vector<16xf32>,
        %add3A_977 = arith.constant 1 : i32
        %add3A_978 = vector.broadcast %add3A_977 : i32 to vector<16xi32>
        %add3A_979 = arith.addi %add3A_975, %add3A_978 : vector<16xi32>
        %gather3A_980 = tpu.vector_load_idx %arg8[%add3A_499, %add3A_979] : memref<128x128xf32, #tpu.memory_space<vmem>>[vector<16xi32>, vector<16xi32>], vector<16xf32>,
        %pack3A_981 = tpu.pack_subelements %gather3A_976, %gather3A_980 {pack_format = #tpu.pack_format<interleaved>, positions = array<i32: 0, 1>} : vector<16xf32>, vector<16xf32> -> vector<32xbf16>
        %bitcast3A_982 = vector.bitcast %pack3A_981 : vector<32xbf16> to vector<16xi32>
        %add3A_983 = arith.constant 16 : i32
        %add3A_984 = vector.broadcast %add3A_983 : i32 to vector<16xi32>
        %add3A_985 = arith.addi %and3A_85, %add3A_984 : vector<16xi32>
        tpu.vector_store_idx %arg10[%add3A_985, %add3A_499], %bitcast3A_982 : memref<32x128xi32, #tpu.memory_space<vmem>>[vector<16xi32>, vector<16xi32>], vector<16xi32>,
        %mul3A_986 = arith.constant 2 : i32
        %mul3A_987 = vector.broadcast %mul3A_986 : i32 to vector<16xi32>
        %mul3A_988 = arith.muli %mul3A_987, %and3A_91 : vector<16xi32>
        %add3A_989 = arith.constant 0 : i32
        %add3A_990 = vector.broadcast %add3A_989 : i32 to vector<16xi32>
        %add3A_991 = arith.addi %mul3A_988, %add3A_990 : vector<16xi32>
        %add3A_992 = arith.addi %shift_left3A_512, %add3A_991 : vector<16xi32>
        %gather3A_993 = tpu.vector_load_idx %arg8[%add3A_499, %add3A_992] : memref<128x128xf32, #tpu.memory_space<vmem>>[vector<16xi32>, vector<16xi32>], vector<16xf32>,
        %add3A_994 = arith.constant 1 : i32
        %add3A_995 = vector.broadcast %add3A_994 : i32 to vector<16xi32>
        %add3A_996 = arith.addi %add3A_992, %add3A_995 : vector<16xi32>
        %gather3A_997 = tpu.vector_load_idx %arg8[%add3A_499, %add3A_996] : memref<128x128xf32, #tpu.memory_space<vmem>>[vector<16xi32>, vector<16xi32>], vector<16xf32>,
        %pack3A_998 = tpu.pack_subelements %gather3A_993, %gather3A_997 {pack_format = #tpu.pack_format<interleaved>, positions = array<i32: 0, 1>} : vector<16xf32>, vector<16xf32> -> vector<32xbf16>
        %bitcast3A_999 = vector.bitcast %pack3A_998 : vector<32xbf16> to vector<16xi32>
        %add3A_1000 = arith.constant 0 : i32
        %add3A_1001 = vector.broadcast %add3A_1000 : i32 to vector<16xi32>
        %add3A_1002 = arith.addi %and3A_91, %add3A_1001 : vector<16xi32>
        tpu.vector_store_idx %arg10[%add3A_1002, %add3A_499], %bitcast3A_999 : memref<32x128xi32, #tpu.memory_space<vmem>>[vector<16xi32>, vector<16xi32>], vector<16xi32>,
        %mul3A_1003 = arith.constant 2 : i32
        %mul3A_1004 = vector.broadcast %mul3A_1003 : i32 to vector<16xi32>
        %mul3A_1005 = arith.muli %mul3A_1004, %and3A_91 : vector<16xi32>
        %add3A_1006 = arith.constant 32 : i32
        %add3A_1007 = vector.broadcast %add3A_1006 : i32 to vector<16xi32>
        %add3A_1008 = arith.addi %mul3A_1005, %add3A_1007 : vector<16xi32>
        %add3A_1009 = arith.addi %shift_left3A_512, %add3A_1008 : vector<16xi32>
        %gather3A_1010 = tpu.vector_load_idx %arg8[%add3A_499, %add3A_1009] : memref<128x128xf32, #tpu.memory_space<vmem>>[vector<16xi32>, vector<16xi32>], vector<16xf32>,
        %add3A_1011 = arith.constant 1 : i32
        %add3A_1012 = vector.broadcast %add3A_1011 : i32 to vector<16xi32>
        %add3A_1013 = arith.addi %add3A_1009, %add3A_1012 : vector<16xi32>
        %gather3A_1014 = tpu.vector_load_idx %arg8[%add3A_499, %add3A_1013] : memref<128x128xf32, #tpu.memory_space<vmem>>[vector<16xi32>, vector<16xi32>], vector<16xf32>,
        %pack3A_1015 = tpu.pack_subelements %gather3A_1010, %gather3A_1014 {pack_format = #tpu.pack_format<interleaved>, positions = array<i32: 0, 1>} : vector<16xf32>, vector<16xf32> -> vector<32xbf16>
        %bitcast3A_1016 = vector.bitcast %pack3A_1015 : vector<32xbf16> to vector<16xi32>
        %add3A_1017 = arith.constant 16 : i32
        %add3A_1018 = vector.broadcast %add3A_1017 : i32 to vector<16xi32>
        %add3A_1019 = arith.addi %and3A_91, %add3A_1018 : vector<16xi32>
        tpu.vector_store_idx %arg10[%add3A_1019, %add3A_499], %bitcast3A_1016 : memref<32x128xi32, #tpu.memory_space<vmem>>[vector<16xi32>, vector<16xi32>], vector<16xi32>,
        %mul3A_1020 = arith.constant 2 : i32
        %mul3A_1021 = vector.broadcast %mul3A_1020 : i32 to vector<16xi32>
        %mul3A_1022 = arith.muli %mul3A_1021, %and3A_97 : vector<16xi32>
        %add3A_1023 = arith.constant 0 : i32
        %add3A_1024 = vector.broadcast %add3A_1023 : i32 to vector<16xi32>
        %add3A_1025 = arith.addi %mul3A_1022, %add3A_1024 : vector<16xi32>
        %add3A_1026 = arith.addi %shift_left3A_512, %add3A_1025 : vector<16xi32>
        %gather3A_1027 = tpu.vector_load_idx %arg8[%add3A_499, %add3A_1026] : memref<128x128xf32, #tpu.memory_space<vmem>>[vector<16xi32>, vector<16xi32>], vector<16xf32>,
        %add3A_1028 = arith.constant 1 : i32
        %add3A_1029 = vector.broadcast %add3A_1028 : i32 to vector<16xi32>
        %add3A_1030 = arith.addi %add3A_1026, %add3A_1029 : vector<16xi32>
        %gather3A_1031 = tpu.vector_load_idx %arg8[%add3A_499, %add3A_1030] : memref<128x128xf32, #tpu.memory_space<vmem>>[vector<16xi32>, vector<16xi32>], vector<16xf32>,
        %pack3A_1032 = tpu.pack_subelements %gather3A_1027, %gather3A_1031 {pack_format = #tpu.pack_format<interleaved>, positions = array<i32: 0, 1>} : vector<16xf32>, vector<16xf32> -> vector<32xbf16>
        %bitcast3A_1033 = vector.bitcast %pack3A_1032 : vector<32xbf16> to vector<16xi32>
        %add3A_1034 = arith.constant 0 : i32
        %add3A_1035 = vector.broadcast %add3A_1034 : i32 to vector<16xi32>
        %add3A_1036 = arith.addi %and3A_97, %add3A_1035 : vector<16xi32>
        tpu.vector_store_idx %arg10[%add3A_1036, %add3A_499], %bitcast3A_1033 : memref<32x128xi32, #tpu.memory_space<vmem>>[vector<16xi32>, vector<16xi32>], vector<16xi32>,
        %mul3A_1037 = arith.constant 2 : i32
        %mul3A_1038 = vector.broadcast %mul3A_1037 : i32 to vector<16xi32>
        %mul3A_1039 = arith.muli %mul3A_1038, %and3A_97 : vector<16xi32>
        %add3A_1040 = arith.constant 32 : i32
        %add3A_1041 = vector.broadcast %add3A_1040 : i32 to vector<16xi32>
        %add3A_1042 = arith.addi %mul3A_1039, %add3A_1041 : vector<16xi32>
        %add3A_1043 = arith.addi %shift_left3A_512, %add3A_1042 : vector<16xi32>
        %gather3A_1044 = tpu.vector_load_idx %arg8[%add3A_499, %add3A_1043] : memref<128x128xf32, #tpu.memory_space<vmem>>[vector<16xi32>, vector<16xi32>], vector<16xf32>,
        %add3A_1045 = arith.constant 1 : i32
        %add3A_1046 = vector.broadcast %add3A_1045 : i32 to vector<16xi32>
        %add3A_1047 = arith.addi %add3A_1043, %add3A_1046 : vector<16xi32>
        %gather3A_1048 = tpu.vector_load_idx %arg8[%add3A_499, %add3A_1047] : memref<128x128xf32, #tpu.memory_space<vmem>>[vector<16xi32>, vector<16xi32>], vector<16xf32>,
        %pack3A_1049 = tpu.pack_subelements %gather3A_1044, %gather3A_1048 {pack_format = #tpu.pack_format<interleaved>, positions = array<i32: 0, 1>} : vector<16xf32>, vector<16xf32> -> vector<32xbf16>
        %bitcast3A_1050 = vector.bitcast %pack3A_1049 : vector<32xbf16> to vector<16xi32>
        %add3A_1051 = arith.constant 16 : i32
        %add3A_1052 = vector.broadcast %add3A_1051 : i32 to vector<16xi32>
        %add3A_1053 = arith.addi %and3A_97, %add3A_1052 : vector<16xi32>
        tpu.vector_store_idx %arg10[%add3A_1053, %add3A_499], %bitcast3A_1050 : memref<32x128xi32, #tpu.memory_space<vmem>>[vector<16xi32>, vector<16xi32>], vector<16xi32>,
      }
      %scan3A_332 = arith.constant 8 : i32
      %jit3A_333 = arith.constant 4 : i32
      %div3A_334 = arith.divsi %add3A_275, %jit3A_333 : i32
      %sign3A_335 = arith.constant 0 : i32
      %sign3A_336 = arith.cmpi sgt, %add3A_275, %sign3A_335 : i32
      %sign3A_337 = arith.extui %sign3A_336 : i1 to i32
      %sign3A_338 = arith.constant 0 : i32
      %sign3A_339 = arith.cmpi slt, %add3A_275, %sign3A_338 : i32
      %sign3A_340 = arith.extui %sign3A_339 : i1 to i32
      %sign3A_341 = arith.subi %sign3A_337, %sign3A_340 : i32
      %sign3A_342 = arith.constant 0 : i32
      %sign3A_343 = arith.cmpi sgt, %jit3A_333, %sign3A_342 : i32
      %sign3A_344 = arith.extui %sign3A_343 : i1 to i32
      %sign3A_345 = arith.constant 0 : i32
      %sign3A_346 = arith.cmpi slt, %jit3A_333, %sign3A_345 : i32
      %sign3A_347 = arith.extui %sign3A_346 : i1 to i32
      %sign3A_348 = arith.subi %sign3A_344, %sign3A_347 : i32
      %ne3A_349 = arith.cmpi ne, %sign3A_341, %sign3A_348 : i32
      %rem3A_350 = arith.remsi %add3A_275, %jit3A_333 : i32
      %ne3A_351 = arith.constant 0 : i32
      %ne3A_352 = arith.cmpi ne, %rem3A_350, %ne3A_351 : i32
      %and3A_353 = arith.andi %ne3A_349, %ne3A_352 : i1
      %sub3A_354 = arith.constant 1 : i32
      %sub3A_355 = arith.subi %div3A_334, %sub3A_354 : i32
      %select_n3A_356 = arith.select %and3A_353, %sub3A_355, %div3A_334 : i32
      %mul3A_357 = arith.constant 4 : i32
      %mul3A_358 = arith.muli %select_n3A_356, %mul3A_357 : i32
      %sub3A_359 = arith.subi %add3A_275, %mul3A_358 : i32
      %mul3A_360 = arith.constant 128 : i32
      %mul3A_361 = arith.muli %sub3A_359, %mul3A_360 : i32
      %add3A_362 = arith.addi %mul3A_2, %mul3A_361 : i32
      %dma_start3A_363 = tpu.memref_bitcast %arg4 : memref<50x64x16384xbf16, #tpu.memory_space<hbm>> -> memref<50x32x16384xi32, #tpu.memory_space<hbm>>
      %dma_start3A_364 = arith.constant 0 : i32
      %dma_start3A_365 = tpu.memref_slice %dma_start3A_363[%select_n3A_356, %dma_start3A_364, %add3A_362] : memref<50x32x16384xi32, #tpu.memory_space<hbm>> -> memref<1x32x128xi32, #tpu.memory_space<hbm>>
      %dma_start3A_366 = tpu.memref_squeeze %dma_start3A_365 : memref<1x32x128xi32, #tpu.memory_space<hbm>> -> memref<32x128xi32, #tpu.memory_space<hbm>>
      %dma_start3A_367 = tpu.memref_bitcast %arg4 : memref<50x64x16384xbf16, #tpu.memory_space<hbm>> -> memref<50x32x16384xi32, #tpu.memory_space<hbm>>
      %dma_start3A_368 = arith.constant 0 : i32
      %dma_start3A_369 = tpu.memref_slice %dma_start3A_367[%select_n3A_356, %dma_start3A_368, %add3A_362] : memref<50x32x16384xi32, #tpu.memory_space<hbm>> -> memref<1x32x128xi32, #tpu.memory_space<hbm>>
      %dma_start3A_370 = tpu.memref_squeeze %dma_start3A_369 : memref<1x32x128xi32, #tpu.memory_space<hbm>> -> memref<32x128xi32, #tpu.memory_space<hbm>>
      tpu.enqueue_dma source(%arg10 : memref<32x128xi32, #tpu.memory_space<vmem>>) target(%dma_start3A_370 : memref<32x128xi32, #tpu.memory_space<hbm>>) target_semaphore(%arg13 : memref<!tpu.dma_semaphore, #tpu.memory_space<semaphore_mem>>)
      %add3A_371 = arith.constant 2 : i32
      %add3A_372 = arith.addi %add3A_275, %add3A_371 : i32
      %lt3A = arith.constant 200 : i32
      %lt3A_373 = arith.cmpi slt, %add3A_372, %lt3A : i32
      %convert_element_type3A_374 = arith.extui %lt3A_373 : i1 to i32
      %cond3A_375 = arith.constant 0 : i32
      %cond3A_376 = arith.cmpi ne, %convert_element_type3A_374, %cond3A_375 : i32
      scf.if %cond3A_376 {
        %add3A_491 = arith.constant 2 : i32
        %add3A_492 = arith.addi %add3A_275, %add3A_491 : i32
        %jit3A_493 = arith.constant 4 : i32
        %div3A_494 = arith.divsi %add3A_492, %jit3A_493 : i32
        %sign3A_495 = arith.constant 0 : i32
        %sign3A_496 = arith.cmpi sgt, %add3A_492, %sign3A_495 : i32
        %sign3A_497 = arith.extui %sign3A_496 : i1 to i32
        %sign3A_498 = arith.constant 0 : i32
        %sign3A_499 = arith.cmpi slt, %add3A_492, %sign3A_498 : i32
        %sign3A_500 = arith.extui %sign3A_499 : i1 to i32
        %sign3A_501 = arith.subi %sign3A_497, %sign3A_500 : i32
        %sign3A_502 = arith.constant 0 : i32
        %sign3A_503 = arith.cmpi sgt, %jit3A_493, %sign3A_502 : i32
        %sign3A_504 = arith.extui %sign3A_503 : i1 to i32
        %sign3A_505 = arith.constant 0 : i32
        %sign3A_506 = arith.cmpi slt, %jit3A_493, %sign3A_505 : i32
        %sign3A_507 = arith.extui %sign3A_506 : i1 to i32
        %sign3A_508 = arith.subi %sign3A_504, %sign3A_507 : i32
        %ne3A_509 = arith.cmpi ne, %sign3A_501, %sign3A_508 : i32
        %rem3A_510 = arith.remsi %add3A_492, %jit3A_493 : i32
        %ne3A_511 = arith.constant 0 : i32
        %ne3A_512 = arith.cmpi ne, %rem3A_510, %ne3A_511 : i32
        %and3A_513 = arith.andi %ne3A_509, %ne3A_512 : i1
        %sub3A_514 = arith.constant 1 : i32
        %sub3A_515 = arith.subi %div3A_494, %sub3A_514 : i32
        %select_n3A_516 = arith.select %and3A_513, %sub3A_515, %div3A_494 : i32
        %mul3A_517 = arith.constant 4 : i32
        %mul3A_518 = arith.muli %select_n3A_516, %mul3A_517 : i32
        %sub3A_519 = arith.subi %add3A_492, %mul3A_518 : i32
        %mul3A_520 = arith.constant 128 : i32
        %mul3A_521 = arith.muli %sub3A_519, %mul3A_520 : i32
        %add3A_522 = arith.constant 0 : i32
        %add3A_523 = arith.addi %mul3A_521, %add3A_522 : i32
        %get3A_524 = arith.index_cast %select_n3A_516 : i32 to index
        %get3A_525 = arith.index_cast %add3A_523 : i32 to index
        %get3A_526 = tpu.vector_load %arg5[%get3A_524, %get3A_525] {strides = array<i32>} : memref<50x512xi32, #tpu.memory_space<vmem>>, vector<16xi32>,
        %shift_right_logical3A_527 = arith.constant 1 : i32
        %shift_right_logical3A_528 = vector.broadcast %shift_right_logical3A_527 : i32 to vector<16xi32>
        %shift_right_logical3A_529 = arith.shrui %get3A_526, %shift_right_logical3A_528 : vector<16xi32>
        %swap3A_530 = arith.constant 0 : index
        %swap3A_531 = tpu.vector_load %arg6[%swap3A_530] {strides = array<i32>} : memref<128xi32, #tpu.memory_space<vmem>>, vector<16xi32>,
        tpu.vector_store %arg6[%swap3A_530], %shift_right_logical3A_529 {strides = array<i32>} : memref<128xi32, #tpu.memory_space<vmem>>, vector<16xi32>,
        %mul3A_532 = arith.constant 128 : i32
        %mul3A_533 = arith.muli %sub3A_519, %mul3A_532 : i32
        %add3A_534 = arith.constant 16 : i32
        %add3A_535 = arith.addi %mul3A_533, %add3A_534 : i32
        %get3A_536 = arith.index_cast %select_n3A_516 : i32 to index
        %get3A_537 = arith.index_cast %add3A_535 : i32 to index
        %get3A_538 = tpu.vector_load %arg5[%get3A_536, %get3A_537] {strides = array<i32>} : memref<50x512xi32, #tpu.memory_space<vmem>>, vector<16xi32>,
        %shift_right_logical3A_539 = arith.constant 1 : i32
        %shift_right_logical3A_540 = vector.broadcast %shift_right_logical3A_539 : i32 to vector<16xi32>
        %shift_right_logical3A_541 = arith.shrui %get3A_538, %shift_right_logical3A_540 : vector<16xi32>
        %swap3A_542 = arith.constant 16 : index
        %swap3A_543 = tpu.vector_load %arg6[%swap3A_542] {strides = array<i32>} : memref<128xi32, #tpu.memory_space<vmem>>, vector<16xi32>,
        tpu.vector_store %arg6[%swap3A_542], %shift_right_logical3A_541 {strides = array<i32>} : memref<128xi32, #tpu.memory_space<vmem>>, vector<16xi32>,
        %mul3A_544 = arith.constant 128 : i32
        %mul3A_545 = arith.muli %sub3A_519, %mul3A_544 : i32
        %add3A_546 = arith.constant 32 : i32
        %add3A_547 = arith.addi %mul3A_545, %add3A_546 : i32
        %get3A_548 = arith.index_cast %select_n3A_516 : i32 to index
        %get3A_549 = arith.index_cast %add3A_547 : i32 to index
        %get3A_550 = tpu.vector_load %arg5[%get3A_548, %get3A_549] {strides = array<i32>} : memref<50x512xi32, #tpu.memory_space<vmem>>, vector<16xi32>,
        %shift_right_logical3A_551 = arith.constant 1 : i32
        %shift_right_logical3A_552 = vector.broadcast %shift_right_logical3A_551 : i32 to vector<16xi32>
        %shift_right_logical3A_553 = arith.shrui %get3A_550, %shift_right_logical3A_552 : vector<16xi32>
        %swap3A_554 = arith.constant 32 : index
        %swap3A_555 = tpu.vector_load %arg6[%swap3A_554] {strides = array<i32>} : memref<128xi32, #tpu.memory_space<vmem>>, vector<16xi32>,
        tpu.vector_store %arg6[%swap3A_554], %shift_right_logical3A_553 {strides = array<i32>} : memref<128xi32, #tpu.memory_space<vmem>>, vector<16xi32>,
        %mul3A_556 = arith.constant 128 : i32
        %mul3A_557 = arith.muli %sub3A_519, %mul3A_556 : i32
        %add3A_558 = arith.constant 48 : i32
        %add3A_559 = arith.addi %mul3A_557, %add3A_558 : i32
        %get3A_560 = arith.index_cast %select_n3A_516 : i32 to index
        %get3A_561 = arith.index_cast %add3A_559 : i32 to index
        %get3A_562 = tpu.vector_load %arg5[%get3A_560, %get3A_561] {strides = array<i32>} : memref<50x512xi32, #tpu.memory_space<vmem>>, vector<16xi32>,
        %shift_right_logical3A_563 = arith.constant 1 : i32
        %shift_right_logical3A_564 = vector.broadcast %shift_right_logical3A_563 : i32 to vector<16xi32>
        %shift_right_logical3A_565 = arith.shrui %get3A_562, %shift_right_logical3A_564 : vector<16xi32>
        %swap3A_566 = arith.constant 48 : index
        %swap3A_567 = tpu.vector_load %arg6[%swap3A_566] {strides = array<i32>} : memref<128xi32, #tpu.memory_space<vmem>>, vector<16xi32>,
        tpu.vector_store %arg6[%swap3A_566], %shift_right_logical3A_565 {strides = array<i32>} : memref<128xi32, #tpu.memory_space<vmem>>, vector<16xi32>,
        %mul3A_568 = arith.constant 128 : i32
        %mul3A_569 = arith.muli %sub3A_519, %mul3A_568 : i32
        %add3A_570 = arith.constant 64 : i32
        %add3A_571 = arith.addi %mul3A_569, %add3A_570 : i32
        %get3A_572 = arith.index_cast %select_n3A_516 : i32 to index
        %get3A_573 = arith.index_cast %add3A_571 : i32 to index
        %get3A_574 = tpu.vector_load %arg5[%get3A_572, %get3A_573] {strides = array<i32>} : memref<50x512xi32, #tpu.memory_space<vmem>>, vector<16xi32>,
        %shift_right_logical3A_575 = arith.constant 1 : i32
        %shift_right_logical3A_576 = vector.broadcast %shift_right_logical3A_575 : i32 to vector<16xi32>
        %shift_right_logical3A_577 = arith.shrui %get3A_574, %shift_right_logical3A_576 : vector<16xi32>
        %swap3A_578 = arith.constant 64 : index
        %swap3A_579 = tpu.vector_load %arg6[%swap3A_578] {strides = array<i32>} : memref<128xi32, #tpu.memory_space<vmem>>, vector<16xi32>,
        tpu.vector_store %arg6[%swap3A_578], %shift_right_logical3A_577 {strides = array<i32>} : memref<128xi32, #tpu.memory_space<vmem>>, vector<16xi32>,
        %mul3A_580 = arith.constant 128 : i32
        %mul3A_581 = arith.muli %sub3A_519, %mul3A_580 : i32
        %add3A_582 = arith.constant 80 : i32
        %add3A_583 = arith.addi %mul3A_581, %add3A_582 : i32
        %get3A_584 = arith.index_cast %select_n3A_516 : i32 to index
        %get3A_585 = arith.index_cast %add3A_583 : i32 to index
        %get3A_586 = tpu.vector_load %arg5[%get3A_584, %get3A_585] {strides = array<i32>} : memref<50x512xi32, #tpu.memory_space<vmem>>, vector<16xi32>,
        %shift_right_logical3A_587 = arith.constant 1 : i32
        %shift_right_logical3A_588 = vector.broadcast %shift_right_logical3A_587 : i32 to vector<16xi32>
        %shift_right_logical3A_589 = arith.shrui %get3A_586, %shift_right_logical3A_588 : vector<16xi32>
        %swap3A_590 = arith.constant 80 : index
        %swap3A_591 = tpu.vector_load %arg6[%swap3A_590] {strides = array<i32>} : memref<128xi32, #tpu.memory_space<vmem>>, vector<16xi32>,
        tpu.vector_store %arg6[%swap3A_590], %shift_right_logical3A_589 {strides = array<i32>} : memref<128xi32, #tpu.memory_space<vmem>>, vector<16xi32>,
        %mul3A_592 = arith.constant 128 : i32
        %mul3A_593 = arith.muli %sub3A_519, %mul3A_592 : i32
        %add3A_594 = arith.constant 96 : i32
        %add3A_595 = arith.addi %mul3A_593, %add3A_594 : i32
        %get3A_596 = arith.index_cast %select_n3A_516 : i32 to index
        %get3A_597 = arith.index_cast %add3A_595 : i32 to index
        %get3A_598 = tpu.vector_load %arg5[%get3A_596, %get3A_597] {strides = array<i32>} : memref<50x512xi32, #tpu.memory_space<vmem>>, vector<16xi32>,
        %shift_right_logical3A_599 = arith.constant 1 : i32
        %shift_right_logical3A_600 = vector.broadcast %shift_right_logical3A_599 : i32 to vector<16xi32>
        %shift_right_logical3A_601 = arith.shrui %get3A_598, %shift_right_logical3A_600 : vector<16xi32>
        %swap3A_602 = arith.constant 96 : index
        %swap3A_603 = tpu.vector_load %arg6[%swap3A_602] {strides = array<i32>} : memref<128xi32, #tpu.memory_space<vmem>>, vector<16xi32>,
        tpu.vector_store %arg6[%swap3A_602], %shift_right_logical3A_601 {strides = array<i32>} : memref<128xi32, #tpu.memory_space<vmem>>, vector<16xi32>,
        %mul3A_604 = arith.constant 128 : i32
        %mul3A_605 = arith.muli %sub3A_519, %mul3A_604 : i32
        %add3A_606 = arith.constant 112 : i32
        %add3A_607 = arith.addi %mul3A_605, %add3A_606 : i32
        %get3A_608 = arith.index_cast %select_n3A_516 : i32 to index
        %get3A_609 = arith.index_cast %add3A_607 : i32 to index
        %get3A_610 = tpu.vector_load %arg5[%get3A_608, %get3A_609] {strides = array<i32>} : memref<50x512xi32, #tpu.memory_space<vmem>>, vector<16xi32>,
        %shift_right_logical3A_611 = arith.constant 1 : i32
        %shift_right_logical3A_612 = vector.broadcast %shift_right_logical3A_611 : i32 to vector<16xi32>
        %shift_right_logical3A_613 = arith.shrui %get3A_610, %shift_right_logical3A_612 : vector<16xi32>
        %swap3A_614 = arith.constant 112 : index
        %swap3A_615 = tpu.vector_load %arg6[%swap3A_614] {strides = array<i32>} : memref<128xi32, #tpu.memory_space<vmem>>, vector<16xi32>,
        tpu.vector_store %arg6[%swap3A_614], %shift_right_logical3A_613 {strides = array<i32>} : memref<128xi32, #tpu.memory_space<vmem>>, vector<16xi32>,
        %dma_start3A_616 = arith.constant 0 : i32
        %dma_start3A_617 = arith.constant 0 : i32
        %dma_start3A_618 = tpu.memref_slice %arg3[%dma_start3A_616, %dma_start3A_617] : memref<500000x128xf32, #tpu.memory_space<hbm>> -> memref<500000x128xf32, #tpu.memory_space<hbm>>
        tpu.enqueue_indirect_dma source(%dma_start3A_618 : memref<500000x128xf32, #tpu.memory_space<hbm>>) target(%arg8 : memref<128x128xf32, #tpu.memory_space<vmem>>) offsets(%arg6 : memref<128xi32, #tpu.memory_space<vmem>>) semaphore(%arg12 : memref<!tpu.dma_semaphore, #tpu.memory_space<semaphore_mem>>)
      } else {
      }
      %add3A_377 = arith.constant 1 : i32
      %add3A_378 = arith.addi %add3A_273, %add3A_377 : i32
      %jit3A_379 = arith.constant 4 : i32
      %div3A_380 = arith.divsi %add3A_378, %jit3A_379 : i32
      %sign3A_381 = arith.constant 0 : i32
      %sign3A_382 = arith.cmpi sgt, %add3A_378, %sign3A_381 : i32
      %sign3A_383 = arith.extui %sign3A_382 : i1 to i32
      %sign3A_384 = arith.constant 0 : i32
      %sign3A_385 = arith.cmpi slt, %add3A_378, %sign3A_384 : i32
      %sign3A_386 = arith.extui %sign3A_385 : i1 to i32
      %sign3A_387 = arith.subi %sign3A_383, %sign3A_386 : i32
      %sign3A_388 = arith.constant 0 : i32
      %sign3A_389 = arith.cmpi sgt, %jit3A_379, %sign3A_388 : i32
      %sign3A_390 = arith.extui %sign3A_389 : i1 to i32
      %sign3A_391 = arith.constant 0 : i32
      %sign3A_392 = arith.cmpi slt, %jit3A_379, %sign3A_391 : i32
      %sign3A_393 = arith.extui %sign3A_392 : i1 to i32
      %sign3A_394 = arith.subi %sign3A_390, %sign3A_393 : i32
      %ne3A_395 = arith.cmpi ne, %sign3A_387, %sign3A_394 : i32
      %rem3A_396 = arith.remsi %add3A_378, %jit3A_379 : i32
      %ne3A_397 = arith.constant 0 : i32
      %ne3A_398 = arith.cmpi ne, %rem3A_396, %ne3A_397 : i32
      %and3A_399 = arith.andi %ne3A_395, %ne3A_398 : i1
      %sub3A_400 = arith.constant 1 : i32
      %sub3A_401 = arith.subi %div3A_380, %sub3A_400 : i32
      %select_n3A_402 = arith.select %and3A_399, %sub3A_401, %div3A_380 : i32
      %mul3A_403 = arith.constant 4 : i32
      %mul3A_404 = arith.muli %select_n3A_402, %mul3A_403 : i32
      %sub3A_405 = arith.subi %add3A_378, %mul3A_404 : i32
      %dma_wait3A_406 = arith.constant 0 : i32
      %dma_wait3A_407 = arith.constant 0 : i32
      %dma_wait3A_408 = tpu.memref_slice %arg3[%dma_wait3A_406, %dma_wait3A_407] : memref<500000x128xf32, #tpu.memory_space<hbm>> -> memref<500000x128xf32, #tpu.memory_space<hbm>>
      tpu.wait_indirect_dma semaphore(%arg12 : memref<!tpu.dma_semaphore, #tpu.memory_space<semaphore_mem>>) src(%dma_wait3A_408 : memref<500000x128xf32, #tpu.memory_space<hbm>>) dst(%arg9 : memref<128x128xf32, #tpu.memory_space<vmem>>)
      %ge3A_409 = arith.constant 2 : i32
      %ge3A_410 = arith.cmpi sge, %add3A_378, %ge3A_409 : i32
      %convert_element_type3A_411 = arith.extui %ge3A_410 : i1 to i32
      %cond3A_412 = arith.constant 0 : i32
      %cond3A_413 = arith.cmpi ne, %convert_element_type3A_411, %cond3A_412 : i32
      scf.if %cond3A_413 {
        %sub3A_491 = arith.constant 2 : i32
        %sub3A_492 = arith.subi %add3A_378, %sub3A_491 : i32
        %jit3A_493 = arith.constant 4 : i32
        %div3A_494 = arith.divsi %sub3A_492, %jit3A_493 : i32
        %sign3A_495 = arith.constant 0 : i32
        %sign3A_496 = arith.cmpi sgt, %sub3A_492, %sign3A_495 : i32
        %sign3A_497 = arith.extui %sign3A_496 : i1 to i32
        %sign3A_498 = arith.constant 0 : i32
        %sign3A_499 = arith.cmpi slt, %sub3A_492, %sign3A_498 : i32
        %sign3A_500 = arith.extui %sign3A_499 : i1 to i32
        %sign3A_501 = arith.subi %sign3A_497, %sign3A_500 : i32
        %sign3A_502 = arith.constant 0 : i32
        %sign3A_503 = arith.cmpi sgt, %jit3A_493, %sign3A_502 : i32
        %sign3A_504 = arith.extui %sign3A_503 : i1 to i32
        %sign3A_505 = arith.constant 0 : i32
        %sign3A_506 = arith.cmpi slt, %jit3A_493, %sign3A_505 : i32
        %sign3A_507 = arith.extui %sign3A_506 : i1 to i32
        %sign3A_508 = arith.subi %sign3A_504, %sign3A_507 : i32
        %ne3A_509 = arith.cmpi ne, %sign3A_501, %sign3A_508 : i32
        %rem3A_510 = arith.remsi %sub3A_492, %jit3A_493 : i32
        %ne3A_511 = arith.constant 0 : i32
        %ne3A_512 = arith.cmpi ne, %rem3A_510, %ne3A_511 : i32
        %and3A_513 = arith.andi %ne3A_509, %ne3A_512 : i1
        %sub3A_514 = arith.constant 1 : i32
        %sub3A_515 = arith.subi %div3A_494, %sub3A_514 : i32
        %select_n3A_516 = arith.select %and3A_513, %sub3A_515, %div3A_494 : i32
        %mul3A_517 = arith.constant 4 : i32
        %mul3A_518 = arith.muli %select_n3A_516, %mul3A_517 : i32
        %sub3A_519 = arith.subi %sub3A_492, %mul3A_518 : i32
        %mul3A_520 = arith.constant 128 : i32
        %mul3A_521 = arith.muli %sub3A_519, %mul3A_520 : i32
        %add3A_522 = arith.addi %mul3A_2, %mul3A_521 : i32
        %dma_wait3A_523 = tpu.memref_bitcast %arg4 : memref<50x64x16384xbf16, #tpu.memory_space<hbm>> -> memref<50x32x16384xi32, #tpu.memory_space<hbm>>
        %dma_wait3A_524 = arith.constant 0 : i32
        %dma_wait3A_525 = tpu.memref_slice %dma_wait3A_523[%select_n3A_516, %dma_wait3A_524, %add3A_522] : memref<50x32x16384xi32, #tpu.memory_space<hbm>> -> memref<1x32x128xi32, #tpu.memory_space<hbm>>
        %dma_wait3A_526 = tpu.memref_squeeze %dma_wait3A_525 : memref<1x32x128xi32, #tpu.memory_space<hbm>> -> memref<32x128xi32, #tpu.memory_space<hbm>>
        %dma_wait3A_527 = tpu.memref_bitcast %arg4 : memref<50x64x16384xbf16, #tpu.memory_space<hbm>> -> memref<50x32x16384xi32, #tpu.memory_space<hbm>>
        %dma_wait3A_528 = arith.constant 0 : i32
        %dma_wait3A_529 = tpu.memref_slice %dma_wait3A_527[%select_n3A_516, %dma_wait3A_528, %add3A_522] : memref<50x32x16384xi32, #tpu.memory_space<hbm>> -> memref<1x32x128xi32, #tpu.memory_space<hbm>>
        %dma_wait3A_530 = tpu.memref_squeeze %dma_wait3A_529 : memref<1x32x128xi32, #tpu.memory_space<hbm>> -> memref<32x128xi32, #tpu.memory_space<hbm>>
        tpu.wait_dma2 semaphore(%arg13 : memref<!tpu.dma_semaphore, #tpu.memory_space<semaphore_mem>>) src(%arg11 : memref<32x128xi32, #tpu.memory_space<vmem>>) dst(%dma_wait3A_530 : memref<32x128xi32, #tpu.memory_space<hbm>>)
      } else {
      }
      %jit3A_414 = arith.constant 4 : i32
      %div3A_415 = arith.divsi %add3A_378, %jit3A_414 : i32
      %sign3A_416 = arith.constant 0 : i32
      %sign3A_417 = arith.cmpi sgt, %add3A_378, %sign3A_416 : i32
      %sign3A_418 = arith.extui %sign3A_417 : i1 to i32
      %sign3A_419 = arith.constant 0 : i32
      %sign3A_420 = arith.cmpi slt, %add3A_378, %sign3A_419 : i32
      %sign3A_421 = arith.extui %sign3A_420 : i1 to i32
      %sign3A_422 = arith.subi %sign3A_418, %sign3A_421 : i32
      %sign3A_423 = arith.constant 0 : i32
      %sign3A_424 = arith.cmpi sgt, %jit3A_414, %sign3A_423 : i32
      %sign3A_425 = arith.extui %sign3A_424 : i1 to i32
      %sign3A_426 = arith.constant 0 : i32
      %sign3A_427 = arith.cmpi slt, %jit3A_414, %sign3A_426 : i32
      %sign3A_428 = arith.extui %sign3A_427 : i1 to i32
      %sign3A_429 = arith.subi %sign3A_425, %sign3A_428 : i32
      %ne3A_430 = arith.cmpi ne, %sign3A_422, %sign3A_429 : i32
      %rem3A_431 = arith.remsi %add3A_378, %jit3A_414 : i32
      %ne3A_432 = arith.constant 0 : i32
      %ne3A_433 = arith.cmpi ne, %rem3A_431, %ne3A_432 : i32
      %and3A_434 = arith.andi %ne3A_430, %ne3A_433 : i1
      %sub3A_435 = arith.constant 1 : i32
      %sub3A_436 = arith.subi %div3A_415, %sub3A_435 : i32
      %select_n3A_437 = arith.select %and3A_434, %sub3A_436, %div3A_415 : i32
      %mul3A_438 = arith.constant 4 : i32
      %mul3A_439 = arith.muli %select_n3A_437, %mul3A_438 : i32
      %sub3A_440 = arith.subi %add3A_378, %mul3A_439 : i32
      %scan3A_441 = arith.constant 0 : i32
      %scan3A_442 = arith.constant 8 : i32
      %scan3A_443 = arith.addi %scan3A_441, %scan3A_442 : i32
      %scan3A_444 = arith.constant 1 : i32
      scf.for %scan3A_491 = %scan3A_441 to %scan3A_443 step %scan3A_444  : i32 {
        %mul3A_492 = arith.constant 1 : i32
        %mul3A_493 = arith.muli %scan3A_491, %mul3A_492 : i32
        %add3A_494 = arith.constant 0 : i32
        %add3A_495 = arith.addi %add3A_494, %mul3A_493 : i32
        %mul3A_496 = arith.constant 16 : i32
        %mul3A_497 = arith.muli %add3A_495, %mul3A_496 : i32
        %add3A_498 = vector.broadcast %mul3A_497 : i32 to vector<16xi32>
        %add3A_499 = arith.addi %add3A_498, %iota3A : vector<16xi32>
        %mul3A_500 = arith.constant 128 : i32
        %mul3A_501 = arith.muli %sub3A_440, %mul3A_500 : i32
        %mul3A_502 = arith.constant 16 : i32
        %mul3A_503 = arith.muli %mul3A_502, %add3A_495 : i32
        %add3A_504 = arith.addi %mul3A_501, %mul3A_503 : i32
        %get3A_505 = arith.index_cast %select_n3A_437 : i32 to index
        %get3A_506 = arith.index_cast %add3A_504 : i32 to index
        %get3A_507 = tpu.vector_load %arg5[%get3A_505, %get3A_506] {strides = array<i32>} : memref<50x512xi32, #tpu.memory_space<vmem>>, vector<16xi32>,
        %and3A_508 = arith.constant 1 : i32
        %and3A_509 = vector.broadcast %and3A_508 : i32 to vector<16xi32>
        %and3A_510 = arith.andi %get3A_507, %and3A_509 : vector<16xi32>
        %shift_left3A = arith.constant 6 : i32
        %shift_left3A_511 = vector.broadcast %shift_left3A : i32 to vector<16xi32>
        %shift_left3A_512 = arith.shli %and3A_510, %shift_left3A_511 : vector<16xi32>
        %mul3A_513 = arith.constant 2 : i32
        %mul3A_514 = vector.broadcast %mul3A_513 : i32 to vector<16xi32>
        %mul3A_515 = arith.muli %mul3A_514, %and3A_7 : vector<16xi32>
        %add3A_516 = arith.constant 0 : i32
        %add3A_517 = vector.broadcast %add3A_516 : i32 to vector<16xi32>
        %add3A_518 = arith.addi %mul3A_515, %add3A_517 : vector<16xi32>
        %add3A_519 = arith.addi %shift_left3A_512, %add3A_518 : vector<16xi32>
        %gather3A = tpu.vector_load_idx %arg9[%add3A_499, %add3A_519] : memref<128x128xf32, #tpu.memory_space<vmem>>[vector<16xi32>, vector<16xi32>], vector<16xf32>,
        %add3A_520 = arith.constant 1 : i32
        %add3A_521 = vector.broadcast %add3A_520 : i32 to vector<16xi32>
        %add3A_522 = arith.addi %add3A_519, %add3A_521 : vector<16xi32>
        %gather3A_523 = tpu.vector_load_idx %arg9[%add3A_499, %add3A_522] : memref<128x128xf32, #tpu.memory_space<vmem>>[vector<16xi32>, vector<16xi32>], vector<16xf32>,
        %pack3A = tpu.pack_subelements %gather3A, %gather3A_523 {pack_format = #tpu.pack_format<interleaved>, positions = array<i32: 0, 1>} : vector<16xf32>, vector<16xf32> -> vector<32xbf16>
        %bitcast3A = vector.bitcast %pack3A : vector<32xbf16> to vector<16xi32>
        %add3A_524 = arith.constant 0 : i32
        %add3A_525 = vector.broadcast %add3A_524 : i32 to vector<16xi32>
        %add3A_526 = arith.addi %and3A_7, %add3A_525 : vector<16xi32>
        tpu.vector_store_idx %arg11[%add3A_526, %add3A_499], %bitcast3A : memref<32x128xi32, #tpu.memory_space<vmem>>[vector<16xi32>, vector<16xi32>], vector<16xi32>,
        %mul3A_527 = arith.constant 2 : i32
        %mul3A_528 = vector.broadcast %mul3A_527 : i32 to vector<16xi32>
        %mul3A_529 = arith.muli %mul3A_528, %and3A_7 : vector<16xi32>
        %add3A_530 = arith.constant 32 : i32
        %add3A_531 = vector.broadcast %add3A_530 : i32 to vector<16xi32>
        %add3A_532 = arith.addi %mul3A_529, %add3A_531 : vector<16xi32>
        %add3A_533 = arith.addi %shift_left3A_512, %add3A_532 : vector<16xi32>
        %gather3A_534 = tpu.vector_load_idx %arg9[%add3A_499, %add3A_533] : memref<128x128xf32, #tpu.memory_space<vmem>>[vector<16xi32>, vector<16xi32>], vector<16xf32>,
        %add3A_535 = arith.constant 1 : i32
        %add3A_536 = vector.broadcast %add3A_535 : i32 to vector<16xi32>
        %add3A_537 = arith.addi %add3A_533, %add3A_536 : vector<16xi32>
        %gather3A_538 = tpu.vector_load_idx %arg9[%add3A_499, %add3A_537] : memref<128x128xf32, #tpu.memory_space<vmem>>[vector<16xi32>, vector<16xi32>], vector<16xf32>,
        %pack3A_539 = tpu.pack_subelements %gather3A_534, %gather3A_538 {pack_format = #tpu.pack_format<interleaved>, positions = array<i32: 0, 1>} : vector<16xf32>, vector<16xf32> -> vector<32xbf16>
        %bitcast3A_540 = vector.bitcast %pack3A_539 : vector<32xbf16> to vector<16xi32>
        %add3A_541 = arith.constant 16 : i32
        %add3A_542 = vector.broadcast %add3A_541 : i32 to vector<16xi32>
        %add3A_543 = arith.addi %and3A_7, %add3A_542 : vector<16xi32>
        tpu.vector_store_idx %arg11[%add3A_543, %add3A_499], %bitcast3A_540 : memref<32x128xi32, #tpu.memory_space<vmem>>[vector<16xi32>, vector<16xi32>], vector<16xi32>,
        %mul3A_544 = arith.constant 2 : i32
        %mul3A_545 = vector.broadcast %mul3A_544 : i32 to vector<16xi32>
        %mul3A_546 = arith.muli %mul3A_545, %and3A_13 : vector<16xi32>
        %add3A_547 = arith.constant 0 : i32
        %add3A_548 = vector.broadcast %add3A_547 : i32 to vector<16xi32>
        %add3A_549 = arith.addi %mul3A_546, %add3A_548 : vector<16xi32>
        %add3A_550 = arith.addi %shift_left3A_512, %add3A_549 : vector<16xi32>
        %gather3A_551 = tpu.vector_load_idx %arg9[%add3A_499, %add3A_550] : memref<128x128xf32, #tpu.memory_space<vmem>>[vector<16xi32>, vector<16xi32>], vector<16xf32>,
        %add3A_552 = arith.constant 1 : i32
        %add3A_553 = vector.broadcast %add3A_552 : i32 to vector<16xi32>
        %add3A_554 = arith.addi %add3A_550, %add3A_553 : vector<16xi32>
        %gather3A_555 = tpu.vector_load_idx %arg9[%add3A_499, %add3A_554] : memref<128x128xf32, #tpu.memory_space<vmem>>[vector<16xi32>, vector<16xi32>], vector<16xf32>,
        %pack3A_556 = tpu.pack_subelements %gather3A_551, %gather3A_555 {pack_format = #tpu.pack_format<interleaved>, positions = array<i32: 0, 1>} : vector<16xf32>, vector<16xf32> -> vector<32xbf16>
        %bitcast3A_557 = vector.bitcast %pack3A_556 : vector<32xbf16> to vector<16xi32>
        %add3A_558 = arith.constant 0 : i32
        %add3A_559 = vector.broadcast %add3A_558 : i32 to vector<16xi32>
        %add3A_560 = arith.addi %and3A_13, %add3A_559 : vector<16xi32>
        tpu.vector_store_idx %arg11[%add3A_560, %add3A_499], %bitcast3A_557 : memref<32x128xi32, #tpu.memory_space<vmem>>[vector<16xi32>, vector<16xi32>], vector<16xi32>,
        %mul3A_561 = arith.constant 2 : i32
        %mul3A_562 = vector.broadcast %mul3A_561 : i32 to vector<16xi32>
        %mul3A_563 = arith.muli %mul3A_562, %and3A_13 : vector<16xi32>
        %add3A_564 = arith.constant 32 : i32
        %add3A_565 = vector.broadcast %add3A_564 : i32 to vector<16xi32>
        %add3A_566 = arith.addi %mul3A_563, %add3A_565 : vector<16xi32>
        %add3A_567 = arith.addi %shift_left3A_512, %add3A_566 : vector<16xi32>
        %gather3A_568 = tpu.vector_load_idx %arg9[%add3A_499, %add3A_567] : memref<128x128xf32, #tpu.memory_space<vmem>>[vector<16xi32>, vector<16xi32>], vector<16xf32>,
        %add3A_569 = arith.constant 1 : i32
        %add3A_570 = vector.broadcast %add3A_569 : i32 to vector<16xi32>
        %add3A_571 = arith.addi %add3A_567, %add3A_570 : vector<16xi32>
        %gather3A_572 = tpu.vector_load_idx %arg9[%add3A_499, %add3A_571] : memref<128x128xf32, #tpu.memory_space<vmem>>[vector<16xi32>, vector<16xi32>], vector<16xf32>,
        %pack3A_573 = tpu.pack_subelements %gather3A_568, %gather3A_572 {pack_format = #tpu.pack_format<interleaved>, positions = array<i32: 0, 1>} : vector<16xf32>, vector<16xf32> -> vector<32xbf16>
        %bitcast3A_574 = vector.bitcast %pack3A_573 : vector<32xbf16> to vector<16xi32>
        %add3A_575 = arith.constant 16 : i32
        %add3A_576 = vector.broadcast %add3A_575 : i32 to vector<16xi32>
        %add3A_577 = arith.addi %and3A_13, %add3A_576 : vector<16xi32>
        tpu.vector_store_idx %arg11[%add3A_577, %add3A_499], %bitcast3A_574 : memref<32x128xi32, #tpu.memory_space<vmem>>[vector<16xi32>, vector<16xi32>], vector<16xi32>,
        %mul3A_578 = arith.constant 2 : i32
        %mul3A_579 = vector.broadcast %mul3A_578 : i32 to vector<16xi32>
        %mul3A_580 = arith.muli %mul3A_579, %and3A_19 : vector<16xi32>
        %add3A_581 = arith.constant 0 : i32
        %add3A_582 = vector.broadcast %add3A_581 : i32 to vector<16xi32>
        %add3A_583 = arith.addi %mul3A_580, %add3A_582 : vector<16xi32>
        %add3A_584 = arith.addi %shift_left3A_512, %add3A_583 : vector<16xi32>
        %gather3A_585 = tpu.vector_load_idx %arg9[%add3A_499, %add3A_584] : memref<128x128xf32, #tpu.memory_space<vmem>>[vector<16xi32>, vector<16xi32>], vector<16xf32>,
        %add3A_586 = arith.constant 1 : i32
        %add3A_587 = vector.broadcast %add3A_586 : i32 to vector<16xi32>
        %add3A_588 = arith.addi %add3A_584, %add3A_587 : vector<16xi32>
        %gather3A_589 = tpu.vector_load_idx %arg9[%add3A_499, %add3A_588] : memref<128x128xf32, #tpu.memory_space<vmem>>[vector<16xi32>, vector<16xi32>], vector<16xf32>,
        %pack3A_590 = tpu.pack_subelements %gather3A_585, %gather3A_589 {pack_format = #tpu.pack_format<interleaved>, positions = array<i32: 0, 1>} : vector<16xf32>, vector<16xf32> -> vector<32xbf16>
        %bitcast3A_591 = vector.bitcast %pack3A_590 : vector<32xbf16> to vector<16xi32>
        %add3A_592 = arith.constant 0 : i32
        %add3A_593 = vector.broadcast %add3A_592 : i32 to vector<16xi32>
        %add3A_594 = arith.addi %and3A_19, %add3A_593 : vector<16xi32>
        tpu.vector_store_idx %arg11[%add3A_594, %add3A_499], %bitcast3A_591 : memref<32x128xi32, #tpu.memory_space<vmem>>[vector<16xi32>, vector<16xi32>], vector<16xi32>,
        %mul3A_595 = arith.constant 2 : i32
        %mul3A_596 = vector.broadcast %mul3A_595 : i32 to vector<16xi32>
        %mul3A_597 = arith.muli %mul3A_596, %and3A_19 : vector<16xi32>
        %add3A_598 = arith.constant 32 : i32
        %add3A_599 = vector.broadcast %add3A_598 : i32 to vector<16xi32>
        %add3A_600 = arith.addi %mul3A_597, %add3A_599 : vector<16xi32>
        %add3A_601 = arith.addi %shift_left3A_512, %add3A_600 : vector<16xi32>
        %gather3A_602 = tpu.vector_load_idx %arg9[%add3A_499, %add3A_601] : memref<128x128xf32, #tpu.memory_space<vmem>>[vector<16xi32>, vector<16xi32>], vector<16xf32>,
        %add3A_603 = arith.constant 1 : i32
        %add3A_604 = vector.broadcast %add3A_603 : i32 to vector<16xi32>
        %add3A_605 = arith.addi %add3A_601, %add3A_604 : vector<16xi32>
        %gather3A_606 = tpu.vector_load_idx %arg9[%add3A_499, %add3A_605] : memref<128x128xf32, #tpu.memory_space<vmem>>[vector<16xi32>, vector<16xi32>], vector<16xf32>,
        %pack3A_607 = tpu.pack_subelements %gather3A_602, %gather3A_606 {pack_format = #tpu.pack_format<interleaved>, positions = array<i32: 0, 1>} : vector<16xf32>, vector<16xf32> -> vector<32xbf16>
        %bitcast3A_608 = vector.bitcast %pack3A_607 : vector<32xbf16> to vector<16xi32>
        %add3A_609 = arith.constant 16 : i32
        %add3A_610 = vector.broadcast %add3A_609 : i32 to vector<16xi32>
        %add3A_611 = arith.addi %and3A_19, %add3A_610 : vector<16xi32>
        tpu.vector_store_idx %arg11[%add3A_611, %add3A_499], %bitcast3A_608 : memref<32x128xi32, #tpu.memory_space<vmem>>[vector<16xi32>, vector<16xi32>], vector<16xi32>,
        %mul3A_612 = arith.constant 2 : i32
        %mul3A_613 = vector.broadcast %mul3A_612 : i32 to vector<16xi32>
        %mul3A_614 = arith.muli %mul3A_613, %and3A_25 : vector<16xi32>
        %add3A_615 = arith.constant 0 : i32
        %add3A_616 = vector.broadcast %add3A_615 : i32 to vector<16xi32>
        %add3A_617 = arith.addi %mul3A_614, %add3A_616 : vector<16xi32>
        %add3A_618 = arith.addi %shift_left3A_512, %add3A_617 : vector<16xi32>
        %gather3A_619 = tpu.vector_load_idx %arg9[%add3A_499, %add3A_618] : memref<128x128xf32, #tpu.memory_space<vmem>>[vector<16xi32>, vector<16xi32>], vector<16xf32>,
        %add3A_620 = arith.constant 1 : i32
        %add3A_621 = vector.broadcast %add3A_620 : i32 to vector<16xi32>
        %add3A_622 = arith.addi %add3A_618, %add3A_621 : vector<16xi32>
        %gather3A_623 = tpu.vector_load_idx %arg9[%add3A_499, %add3A_622] : memref<128x128xf32, #tpu.memory_space<vmem>>[vector<16xi32>, vector<16xi32>], vector<16xf32>,
        %pack3A_624 = tpu.pack_subelements %gather3A_619, %gather3A_623 {pack_format = #tpu.pack_format<interleaved>, positions = array<i32: 0, 1>} : vector<16xf32>, vector<16xf32> -> vector<32xbf16>
        %bitcast3A_625 = vector.bitcast %pack3A_624 : vector<32xbf16> to vector<16xi32>
        %add3A_626 = arith.constant 0 : i32
        %add3A_627 = vector.broadcast %add3A_626 : i32 to vector<16xi32>
        %add3A_628 = arith.addi %and3A_25, %add3A_627 : vector<16xi32>
        tpu.vector_store_idx %arg11[%add3A_628, %add3A_499], %bitcast3A_625 : memref<32x128xi32, #tpu.memory_space<vmem>>[vector<16xi32>, vector<16xi32>], vector<16xi32>,
        %mul3A_629 = arith.constant 2 : i32
        %mul3A_630 = vector.broadcast %mul3A_629 : i32 to vector<16xi32>
        %mul3A_631 = arith.muli %mul3A_630, %and3A_25 : vector<16xi32>
        %add3A_632 = arith.constant 32 : i32
        %add3A_633 = vector.broadcast %add3A_632 : i32 to vector<16xi32>
        %add3A_634 = arith.addi %mul3A_631, %add3A_633 : vector<16xi32>
        %add3A_635 = arith.addi %shift_left3A_512, %add3A_634 : vector<16xi32>
        %gather3A_636 = tpu.vector_load_idx %arg9[%add3A_499, %add3A_635] : memref<128x128xf32, #tpu.memory_space<vmem>>[vector<16xi32>, vector<16xi32>], vector<16xf32>,
        %add3A_637 = arith.constant 1 : i32
        %add3A_638 = vector.broadcast %add3A_637 : i32 to vector<16xi32>
        %add3A_639 = arith.addi %add3A_635, %add3A_638 : vector<16xi32>
        %gather3A_640 = tpu.vector_load_idx %arg9[%add3A_499, %add3A_639] : memref<128x128xf32, #tpu.memory_space<vmem>>[vector<16xi32>, vector<16xi32>], vector<16xf32>,
        %pack3A_641 = tpu.pack_subelements %gather3A_636, %gather3A_640 {pack_format = #tpu.pack_format<interleaved>, positions = array<i32: 0, 1>} : vector<16xf32>, vector<16xf32> -> vector<32xbf16>
        %bitcast3A_642 = vector.bitcast %pack3A_641 : vector<32xbf16> to vector<16xi32>
        %add3A_643 = arith.constant 16 : i32
        %add3A_644 = vector.broadcast %add3A_643 : i32 to vector<16xi32>
        %add3A_645 = arith.addi %and3A_25, %add3A_644 : vector<16xi32>
        tpu.vector_store_idx %arg11[%add3A_645, %add3A_499], %bitcast3A_642 : memref<32x128xi32, #tpu.memory_space<vmem>>[vector<16xi32>, vector<16xi32>], vector<16xi32>,
        %mul3A_646 = arith.constant 2 : i32
        %mul3A_647 = vector.broadcast %mul3A_646 : i32 to vector<16xi32>
        %mul3A_648 = arith.muli %mul3A_647, %and3A_31 : vector<16xi32>
        %add3A_649 = arith.constant 0 : i32
        %add3A_650 = vector.broadcast %add3A_649 : i32 to vector<16xi32>
        %add3A_651 = arith.addi %mul3A_648, %add3A_650 : vector<16xi32>
        %add3A_652 = arith.addi %shift_left3A_512, %add3A_651 : vector<16xi32>
        %gather3A_653 = tpu.vector_load_idx %arg9[%add3A_499, %add3A_652] : memref<128x128xf32, #tpu.memory_space<vmem>>[vector<16xi32>, vector<16xi32>], vector<16xf32>,
        %add3A_654 = arith.constant 1 : i32
        %add3A_655 = vector.broadcast %add3A_654 : i32 to vector<16xi32>
        %add3A_656 = arith.addi %add3A_652, %add3A_655 : vector<16xi32>
        %gather3A_657 = tpu.vector_load_idx %arg9[%add3A_499, %add3A_656] : memref<128x128xf32, #tpu.memory_space<vmem>>[vector<16xi32>, vector<16xi32>], vector<16xf32>,
        %pack3A_658 = tpu.pack_subelements %gather3A_653, %gather3A_657 {pack_format = #tpu.pack_format<interleaved>, positions = array<i32: 0, 1>} : vector<16xf32>, vector<16xf32> -> vector<32xbf16>
        %bitcast3A_659 = vector.bitcast %pack3A_658 : vector<32xbf16> to vector<16xi32>
        %add3A_660 = arith.constant 0 : i32
        %add3A_661 = vector.broadcast %add3A_660 : i32 to vector<16xi32>
        %add3A_662 = arith.addi %and3A_31, %add3A_661 : vector<16xi32>
        tpu.vector_store_idx %arg11[%add3A_662, %add3A_499], %bitcast3A_659 : memref<32x128xi32, #tpu.memory_space<vmem>>[vector<16xi32>, vector<16xi32>], vector<16xi32>,
        %mul3A_663 = arith.constant 2 : i32
        %mul3A_664 = vector.broadcast %mul3A_663 : i32 to vector<16xi32>
        %mul3A_665 = arith.muli %mul3A_664, %and3A_31 : vector<16xi32>
        %add3A_666 = arith.constant 32 : i32
        %add3A_667 = vector.broadcast %add3A_666 : i32 to vector<16xi32>
        %add3A_668 = arith.addi %mul3A_665, %add3A_667 : vector<16xi32>
        %add3A_669 = arith.addi %shift_left3A_512, %add3A_668 : vector<16xi32>
        %gather3A_670 = tpu.vector_load_idx %arg9[%add3A_499, %add3A_669] : memref<128x128xf32, #tpu.memory_space<vmem>>[vector<16xi32>, vector<16xi32>], vector<16xf32>,
        %add3A_671 = arith.constant 1 : i32
        %add3A_672 = vector.broadcast %add3A_671 : i32 to vector<16xi32>
        %add3A_673 = arith.addi %add3A_669, %add3A_672 : vector<16xi32>
        %gather3A_674 = tpu.vector_load_idx %arg9[%add3A_499, %add3A_673] : memref<128x128xf32, #tpu.memory_space<vmem>>[vector<16xi32>, vector<16xi32>], vector<16xf32>,
        %pack3A_675 = tpu.pack_subelements %gather3A_670, %gather3A_674 {pack_format = #tpu.pack_format<interleaved>, positions = array<i32: 0, 1>} : vector<16xf32>, vector<16xf32> -> vector<32xbf16>
        %bitcast3A_676 = vector.bitcast %pack3A_675 : vector<32xbf16> to vector<16xi32>
        %add3A_677 = arith.constant 16 : i32
        %add3A_678 = vector.broadcast %add3A_677 : i32 to vector<16xi32>
        %add3A_679 = arith.addi %and3A_31, %add3A_678 : vector<16xi32>
        tpu.vector_store_idx %arg11[%add3A_679, %add3A_499], %bitcast3A_676 : memref<32x128xi32, #tpu.memory_space<vmem>>[vector<16xi32>, vector<16xi32>], vector<16xi32>,
        %mul3A_680 = arith.constant 2 : i32
        %mul3A_681 = vector.broadcast %mul3A_680 : i32 to vector<16xi32>
        %mul3A_682 = arith.muli %mul3A_681, %and3A_37 : vector<16xi32>
        %add3A_683 = arith.constant 0 : i32
        %add3A_684 = vector.broadcast %add3A_683 : i32 to vector<16xi32>
        %add3A_685 = arith.addi %mul3A_682, %add3A_684 : vector<16xi32>
        %add3A_686 = arith.addi %shift_left3A_512, %add3A_685 : vector<16xi32>
        %gather3A_687 = tpu.vector_load_idx %arg9[%add3A_499, %add3A_686] : memref<128x128xf32, #tpu.memory_space<vmem>>[vector<16xi32>, vector<16xi32>], vector<16xf32>,
        %add3A_688 = arith.constant 1 : i32
        %add3A_689 = vector.broadcast %add3A_688 : i32 to vector<16xi32>
        %add3A_690 = arith.addi %add3A_686, %add3A_689 : vector<16xi32>
        %gather3A_691 = tpu.vector_load_idx %arg9[%add3A_499, %add3A_690] : memref<128x128xf32, #tpu.memory_space<vmem>>[vector<16xi32>, vector<16xi32>], vector<16xf32>,
        %pack3A_692 = tpu.pack_subelements %gather3A_687, %gather3A_691 {pack_format = #tpu.pack_format<interleaved>, positions = array<i32: 0, 1>} : vector<16xf32>, vector<16xf32> -> vector<32xbf16>
        %bitcast3A_693 = vector.bitcast %pack3A_692 : vector<32xbf16> to vector<16xi32>
        %add3A_694 = arith.constant 0 : i32
        %add3A_695 = vector.broadcast %add3A_694 : i32 to vector<16xi32>
        %add3A_696 = arith.addi %and3A_37, %add3A_695 : vector<16xi32>
        tpu.vector_store_idx %arg11[%add3A_696, %add3A_499], %bitcast3A_693 : memref<32x128xi32, #tpu.memory_space<vmem>>[vector<16xi32>, vector<16xi32>], vector<16xi32>,
        %mul3A_697 = arith.constant 2 : i32
        %mul3A_698 = vector.broadcast %mul3A_697 : i32 to vector<16xi32>
        %mul3A_699 = arith.muli %mul3A_698, %and3A_37 : vector<16xi32>
        %add3A_700 = arith.constant 32 : i32
        %add3A_701 = vector.broadcast %add3A_700 : i32 to vector<16xi32>
        %add3A_702 = arith.addi %mul3A_699, %add3A_701 : vector<16xi32>
        %add3A_703 = arith.addi %shift_left3A_512, %add3A_702 : vector<16xi32>
        %gather3A_704 = tpu.vector_load_idx %arg9[%add3A_499, %add3A_703] : memref<128x128xf32, #tpu.memory_space<vmem>>[vector<16xi32>, vector<16xi32>], vector<16xf32>,
        %add3A_705 = arith.constant 1 : i32
        %add3A_706 = vector.broadcast %add3A_705 : i32 to vector<16xi32>
        %add3A_707 = arith.addi %add3A_703, %add3A_706 : vector<16xi32>
        %gather3A_708 = tpu.vector_load_idx %arg9[%add3A_499, %add3A_707] : memref<128x128xf32, #tpu.memory_space<vmem>>[vector<16xi32>, vector<16xi32>], vector<16xf32>,
        %pack3A_709 = tpu.pack_subelements %gather3A_704, %gather3A_708 {pack_format = #tpu.pack_format<interleaved>, positions = array<i32: 0, 1>} : vector<16xf32>, vector<16xf32> -> vector<32xbf16>
        %bitcast3A_710 = vector.bitcast %pack3A_709 : vector<32xbf16> to vector<16xi32>
        %add3A_711 = arith.constant 16 : i32
        %add3A_712 = vector.broadcast %add3A_711 : i32 to vector<16xi32>
        %add3A_713 = arith.addi %and3A_37, %add3A_712 : vector<16xi32>
        tpu.vector_store_idx %arg11[%add3A_713, %add3A_499], %bitcast3A_710 : memref<32x128xi32, #tpu.memory_space<vmem>>[vector<16xi32>, vector<16xi32>], vector<16xi32>,
        %mul3A_714 = arith.constant 2 : i32
        %mul3A_715 = vector.broadcast %mul3A_714 : i32 to vector<16xi32>
        %mul3A_716 = arith.muli %mul3A_715, %and3A_43 : vector<16xi32>
        %add3A_717 = arith.constant 0 : i32
        %add3A_718 = vector.broadcast %add3A_717 : i32 to vector<16xi32>
        %add3A_719 = arith.addi %mul3A_716, %add3A_718 : vector<16xi32>
        %add3A_720 = arith.addi %shift_left3A_512, %add3A_719 : vector<16xi32>
        %gather3A_721 = tpu.vector_load_idx %arg9[%add3A_499, %add3A_720] : memref<128x128xf32, #tpu.memory_space<vmem>>[vector<16xi32>, vector<16xi32>], vector<16xf32>,
        %add3A_722 = arith.constant 1 : i32
        %add3A_723 = vector.broadcast %add3A_722 : i32 to vector<16xi32>
        %add3A_724 = arith.addi %add3A_720, %add3A_723 : vector<16xi32>
        %gather3A_725 = tpu.vector_load_idx %arg9[%add3A_499, %add3A_724] : memref<128x128xf32, #tpu.memory_space<vmem>>[vector<16xi32>, vector<16xi32>], vector<16xf32>,
        %pack3A_726 = tpu.pack_subelements %gather3A_721, %gather3A_725 {pack_format = #tpu.pack_format<interleaved>, positions = array<i32: 0, 1>} : vector<16xf32>, vector<16xf32> -> vector<32xbf16>
        %bitcast3A_727 = vector.bitcast %pack3A_726 : vector<32xbf16> to vector<16xi32>
        %add3A_728 = arith.constant 0 : i32
        %add3A_729 = vector.broadcast %add3A_728 : i32 to vector<16xi32>
        %add3A_730 = arith.addi %and3A_43, %add3A_729 : vector<16xi32>
        tpu.vector_store_idx %arg11[%add3A_730, %add3A_499], %bitcast3A_727 : memref<32x128xi32, #tpu.memory_space<vmem>>[vector<16xi32>, vector<16xi32>], vector<16xi32>,
        %mul3A_731 = arith.constant 2 : i32
        %mul3A_732 = vector.broadcast %mul3A_731 : i32 to vector<16xi32>
        %mul3A_733 = arith.muli %mul3A_732, %and3A_43 : vector<16xi32>
        %add3A_734 = arith.constant 32 : i32
        %add3A_735 = vector.broadcast %add3A_734 : i32 to vector<16xi32>
        %add3A_736 = arith.addi %mul3A_733, %add3A_735 : vector<16xi32>
        %add3A_737 = arith.addi %shift_left3A_512, %add3A_736 : vector<16xi32>
        %gather3A_738 = tpu.vector_load_idx %arg9[%add3A_499, %add3A_737] : memref<128x128xf32, #tpu.memory_space<vmem>>[vector<16xi32>, vector<16xi32>], vector<16xf32>,
        %add3A_739 = arith.constant 1 : i32
        %add3A_740 = vector.broadcast %add3A_739 : i32 to vector<16xi32>
        %add3A_741 = arith.addi %add3A_737, %add3A_740 : vector<16xi32>
        %gather3A_742 = tpu.vector_load_idx %arg9[%add3A_499, %add3A_741] : memref<128x128xf32, #tpu.memory_space<vmem>>[vector<16xi32>, vector<16xi32>], vector<16xf32>,
        %pack3A_743 = tpu.pack_subelements %gather3A_738, %gather3A_742 {pack_format = #tpu.pack_format<interleaved>, positions = array<i32: 0, 1>} : vector<16xf32>, vector<16xf32> -> vector<32xbf16>
        %bitcast3A_744 = vector.bitcast %pack3A_743 : vector<32xbf16> to vector<16xi32>
        %add3A_745 = arith.constant 16 : i32
        %add3A_746 = vector.broadcast %add3A_745 : i32 to vector<16xi32>
        %add3A_747 = arith.addi %and3A_43, %add3A_746 : vector<16xi32>
        tpu.vector_store_idx %arg11[%add3A_747, %add3A_499], %bitcast3A_744 : memref<32x128xi32, #tpu.memory_space<vmem>>[vector<16xi32>, vector<16xi32>], vector<16xi32>,
        %mul3A_748 = arith.constant 2 : i32
        %mul3A_749 = vector.broadcast %mul3A_748 : i32 to vector<16xi32>
        %mul3A_750 = arith.muli %mul3A_749, %and3A_49 : vector<16xi32>
        %add3A_751 = arith.constant 0 : i32
        %add3A_752 = vector.broadcast %add3A_751 : i32 to vector<16xi32>
        %add3A_753 = arith.addi %mul3A_750, %add3A_752 : vector<16xi32>
        %add3A_754 = arith.addi %shift_left3A_512, %add3A_753 : vector<16xi32>
        %gather3A_755 = tpu.vector_load_idx %arg9[%add3A_499, %add3A_754] : memref<128x128xf32, #tpu.memory_space<vmem>>[vector<16xi32>, vector<16xi32>], vector<16xf32>,
        %add3A_756 = arith.constant 1 : i32
        %add3A_757 = vector.broadcast %add3A_756 : i32 to vector<16xi32>
        %add3A_758 = arith.addi %add3A_754, %add3A_757 : vector<16xi32>
        %gather3A_759 = tpu.vector_load_idx %arg9[%add3A_499, %add3A_758] : memref<128x128xf32, #tpu.memory_space<vmem>>[vector<16xi32>, vector<16xi32>], vector<16xf32>,
        %pack3A_760 = tpu.pack_subelements %gather3A_755, %gather3A_759 {pack_format = #tpu.pack_format<interleaved>, positions = array<i32: 0, 1>} : vector<16xf32>, vector<16xf32> -> vector<32xbf16>
        %bitcast3A_761 = vector.bitcast %pack3A_760 : vector<32xbf16> to vector<16xi32>
        %add3A_762 = arith.constant 0 : i32
        %add3A_763 = vector.broadcast %add3A_762 : i32 to vector<16xi32>
        %add3A_764 = arith.addi %and3A_49, %add3A_763 : vector<16xi32>
        tpu.vector_store_idx %arg11[%add3A_764, %add3A_499], %bitcast3A_761 : memref<32x128xi32, #tpu.memory_space<vmem>>[vector<16xi32>, vector<16xi32>], vector<16xi32>,
        %mul3A_765 = arith.constant 2 : i32
        %mul3A_766 = vector.broadcast %mul3A_765 : i32 to vector<16xi32>
        %mul3A_767 = arith.muli %mul3A_766, %and3A_49 : vector<16xi32>
        %add3A_768 = arith.constant 32 : i32
        %add3A_769 = vector.broadcast %add3A_768 : i32 to vector<16xi32>
        %add3A_770 = arith.addi %mul3A_767, %add3A_769 : vector<16xi32>
        %add3A_771 = arith.addi %shift_left3A_512, %add3A_770 : vector<16xi32>
        %gather3A_772 = tpu.vector_load_idx %arg9[%add3A_499, %add3A_771] : memref<128x128xf32, #tpu.memory_space<vmem>>[vector<16xi32>, vector<16xi32>], vector<16xf32>,
        %add3A_773 = arith.constant 1 : i32
        %add3A_774 = vector.broadcast %add3A_773 : i32 to vector<16xi32>
        %add3A_775 = arith.addi %add3A_771, %add3A_774 : vector<16xi32>
        %gather3A_776 = tpu.vector_load_idx %arg9[%add3A_499, %add3A_775] : memref<128x128xf32, #tpu.memory_space<vmem>>[vector<16xi32>, vector<16xi32>], vector<16xf32>,
        %pack3A_777 = tpu.pack_subelements %gather3A_772, %gather3A_776 {pack_format = #tpu.pack_format<interleaved>, positions = array<i32: 0, 1>} : vector<16xf32>, vector<16xf32> -> vector<32xbf16>
        %bitcast3A_778 = vector.bitcast %pack3A_777 : vector<32xbf16> to vector<16xi32>
        %add3A_779 = arith.constant 16 : i32
        %add3A_780 = vector.broadcast %add3A_779 : i32 to vector<16xi32>
        %add3A_781 = arith.addi %and3A_49, %add3A_780 : vector<16xi32>
        tpu.vector_store_idx %arg11[%add3A_781, %add3A_499], %bitcast3A_778 : memref<32x128xi32, #tpu.memory_space<vmem>>[vector<16xi32>, vector<16xi32>], vector<16xi32>,
        %mul3A_782 = arith.constant 2 : i32
        %mul3A_783 = vector.broadcast %mul3A_782 : i32 to vector<16xi32>
        %mul3A_784 = arith.muli %mul3A_783, %and3A_55 : vector<16xi32>
        %add3A_785 = arith.constant 0 : i32
        %add3A_786 = vector.broadcast %add3A_785 : i32 to vector<16xi32>
        %add3A_787 = arith.addi %mul3A_784, %add3A_786 : vector<16xi32>
        %add3A_788 = arith.addi %shift_left3A_512, %add3A_787 : vector<16xi32>
        %gather3A_789 = tpu.vector_load_idx %arg9[%add3A_499, %add3A_788] : memref<128x128xf32, #tpu.memory_space<vmem>>[vector<16xi32>, vector<16xi32>], vector<16xf32>,
        %add3A_790 = arith.constant 1 : i32
        %add3A_791 = vector.broadcast %add3A_790 : i32 to vector<16xi32>
        %add3A_792 = arith.addi %add3A_788, %add3A_791 : vector<16xi32>
        %gather3A_793 = tpu.vector_load_idx %arg9[%add3A_499, %add3A_792] : memref<128x128xf32, #tpu.memory_space<vmem>>[vector<16xi32>, vector<16xi32>], vector<16xf32>,
        %pack3A_794 = tpu.pack_subelements %gather3A_789, %gather3A_793 {pack_format = #tpu.pack_format<interleaved>, positions = array<i32: 0, 1>} : vector<16xf32>, vector<16xf32> -> vector<32xbf16>
        %bitcast3A_795 = vector.bitcast %pack3A_794 : vector<32xbf16> to vector<16xi32>
        %add3A_796 = arith.constant 0 : i32
        %add3A_797 = vector.broadcast %add3A_796 : i32 to vector<16xi32>
        %add3A_798 = arith.addi %and3A_55, %add3A_797 : vector<16xi32>
        tpu.vector_store_idx %arg11[%add3A_798, %add3A_499], %bitcast3A_795 : memref<32x128xi32, #tpu.memory_space<vmem>>[vector<16xi32>, vector<16xi32>], vector<16xi32>,
        %mul3A_799 = arith.constant 2 : i32
        %mul3A_800 = vector.broadcast %mul3A_799 : i32 to vector<16xi32>
        %mul3A_801 = arith.muli %mul3A_800, %and3A_55 : vector<16xi32>
        %add3A_802 = arith.constant 32 : i32
        %add3A_803 = vector.broadcast %add3A_802 : i32 to vector<16xi32>
        %add3A_804 = arith.addi %mul3A_801, %add3A_803 : vector<16xi32>
        %add3A_805 = arith.addi %shift_left3A_512, %add3A_804 : vector<16xi32>
        %gather3A_806 = tpu.vector_load_idx %arg9[%add3A_499, %add3A_805] : memref<128x128xf32, #tpu.memory_space<vmem>>[vector<16xi32>, vector<16xi32>], vector<16xf32>,
        %add3A_807 = arith.constant 1 : i32
        %add3A_808 = vector.broadcast %add3A_807 : i32 to vector<16xi32>
        %add3A_809 = arith.addi %add3A_805, %add3A_808 : vector<16xi32>
        %gather3A_810 = tpu.vector_load_idx %arg9[%add3A_499, %add3A_809] : memref<128x128xf32, #tpu.memory_space<vmem>>[vector<16xi32>, vector<16xi32>], vector<16xf32>,
        %pack3A_811 = tpu.pack_subelements %gather3A_806, %gather3A_810 {pack_format = #tpu.pack_format<interleaved>, positions = array<i32: 0, 1>} : vector<16xf32>, vector<16xf32> -> vector<32xbf16>
        %bitcast3A_812 = vector.bitcast %pack3A_811 : vector<32xbf16> to vector<16xi32>
        %add3A_813 = arith.constant 16 : i32
        %add3A_814 = vector.broadcast %add3A_813 : i32 to vector<16xi32>
        %add3A_815 = arith.addi %and3A_55, %add3A_814 : vector<16xi32>
        tpu.vector_store_idx %arg11[%add3A_815, %add3A_499], %bitcast3A_812 : memref<32x128xi32, #tpu.memory_space<vmem>>[vector<16xi32>, vector<16xi32>], vector<16xi32>,
        %mul3A_816 = arith.constant 2 : i32
        %mul3A_817 = vector.broadcast %mul3A_816 : i32 to vector<16xi32>
        %mul3A_818 = arith.muli %mul3A_817, %and3A_61 : vector<16xi32>
        %add3A_819 = arith.constant 0 : i32
        %add3A_820 = vector.broadcast %add3A_819 : i32 to vector<16xi32>
        %add3A_821 = arith.addi %mul3A_818, %add3A_820 : vector<16xi32>
        %add3A_822 = arith.addi %shift_left3A_512, %add3A_821 : vector<16xi32>
        %gather3A_823 = tpu.vector_load_idx %arg9[%add3A_499, %add3A_822] : memref<128x128xf32, #tpu.memory_space<vmem>>[vector<16xi32>, vector<16xi32>], vector<16xf32>,
        %add3A_824 = arith.constant 1 : i32
        %add3A_825 = vector.broadcast %add3A_824 : i32 to vector<16xi32>
        %add3A_826 = arith.addi %add3A_822, %add3A_825 : vector<16xi32>
        %gather3A_827 = tpu.vector_load_idx %arg9[%add3A_499, %add3A_826] : memref<128x128xf32, #tpu.memory_space<vmem>>[vector<16xi32>, vector<16xi32>], vector<16xf32>,
        %pack3A_828 = tpu.pack_subelements %gather3A_823, %gather3A_827 {pack_format = #tpu.pack_format<interleaved>, positions = array<i32: 0, 1>} : vector<16xf32>, vector<16xf32> -> vector<32xbf16>
        %bitcast3A_829 = vector.bitcast %pack3A_828 : vector<32xbf16> to vector<16xi32>
        %add3A_830 = arith.constant 0 : i32
        %add3A_831 = vector.broadcast %add3A_830 : i32 to vector<16xi32>
        %add3A_832 = arith.addi %and3A_61, %add3A_831 : vector<16xi32>
        tpu.vector_store_idx %arg11[%add3A_832, %add3A_499], %bitcast3A_829 : memref<32x128xi32, #tpu.memory_space<vmem>>[vector<16xi32>, vector<16xi32>], vector<16xi32>,
        %mul3A_833 = arith.constant 2 : i32
        %mul3A_834 = vector.broadcast %mul3A_833 : i32 to vector<16xi32>
        %mul3A_835 = arith.muli %mul3A_834, %and3A_61 : vector<16xi32>
        %add3A_836 = arith.constant 32 : i32
        %add3A_837 = vector.broadcast %add3A_836 : i32 to vector<16xi32>
        %add3A_838 = arith.addi %mul3A_835, %add3A_837 : vector<16xi32>
        %add3A_839 = arith.addi %shift_left3A_512, %add3A_838 : vector<16xi32>
        %gather3A_840 = tpu.vector_load_idx %arg9[%add3A_499, %add3A_839] : memref<128x128xf32, #tpu.memory_space<vmem>>[vector<16xi32>, vector<16xi32>], vector<16xf32>,
        %add3A_841 = arith.constant 1 : i32
        %add3A_842 = vector.broadcast %add3A_841 : i32 to vector<16xi32>
        %add3A_843 = arith.addi %add3A_839, %add3A_842 : vector<16xi32>
        %gather3A_844 = tpu.vector_load_idx %arg9[%add3A_499, %add3A_843] : memref<128x128xf32, #tpu.memory_space<vmem>>[vector<16xi32>, vector<16xi32>], vector<16xf32>,
        %pack3A_845 = tpu.pack_subelements %gather3A_840, %gather3A_844 {pack_format = #tpu.pack_format<interleaved>, positions = array<i32: 0, 1>} : vector<16xf32>, vector<16xf32> -> vector<32xbf16>
        %bitcast3A_846 = vector.bitcast %pack3A_845 : vector<32xbf16> to vector<16xi32>
        %add3A_847 = arith.constant 16 : i32
        %add3A_848 = vector.broadcast %add3A_847 : i32 to vector<16xi32>
        %add3A_849 = arith.addi %and3A_61, %add3A_848 : vector<16xi32>
        tpu.vector_store_idx %arg11[%add3A_849, %add3A_499], %bitcast3A_846 : memref<32x128xi32, #tpu.memory_space<vmem>>[vector<16xi32>, vector<16xi32>], vector<16xi32>,
        %mul3A_850 = arith.constant 2 : i32
        %mul3A_851 = vector.broadcast %mul3A_850 : i32 to vector<16xi32>
        %mul3A_852 = arith.muli %mul3A_851, %and3A_67 : vector<16xi32>
        %add3A_853 = arith.constant 0 : i32
        %add3A_854 = vector.broadcast %add3A_853 : i32 to vector<16xi32>
        %add3A_855 = arith.addi %mul3A_852, %add3A_854 : vector<16xi32>
        %add3A_856 = arith.addi %shift_left3A_512, %add3A_855 : vector<16xi32>
        %gather3A_857 = tpu.vector_load_idx %arg9[%add3A_499, %add3A_856] : memref<128x128xf32, #tpu.memory_space<vmem>>[vector<16xi32>, vector<16xi32>], vector<16xf32>,
        %add3A_858 = arith.constant 1 : i32
        %add3A_859 = vector.broadcast %add3A_858 : i32 to vector<16xi32>
        %add3A_860 = arith.addi %add3A_856, %add3A_859 : vector<16xi32>
        %gather3A_861 = tpu.vector_load_idx %arg9[%add3A_499, %add3A_860] : memref<128x128xf32, #tpu.memory_space<vmem>>[vector<16xi32>, vector<16xi32>], vector<16xf32>,
        %pack3A_862 = tpu.pack_subelements %gather3A_857, %gather3A_861 {pack_format = #tpu.pack_format<interleaved>, positions = array<i32: 0, 1>} : vector<16xf32>, vector<16xf32> -> vector<32xbf16>
        %bitcast3A_863 = vector.bitcast %pack3A_862 : vector<32xbf16> to vector<16xi32>
        %add3A_864 = arith.constant 0 : i32
        %add3A_865 = vector.broadcast %add3A_864 : i32 to vector<16xi32>
        %add3A_866 = arith.addi %and3A_67, %add3A_865 : vector<16xi32>
        tpu.vector_store_idx %arg11[%add3A_866, %add3A_499], %bitcast3A_863 : memref<32x128xi32, #tpu.memory_space<vmem>>[vector<16xi32>, vector<16xi32>], vector<16xi32>,
        %mul3A_867 = arith.constant 2 : i32
        %mul3A_868 = vector.broadcast %mul3A_867 : i32 to vector<16xi32>
        %mul3A_869 = arith.muli %mul3A_868, %and3A_67 : vector<16xi32>
        %add3A_870 = arith.constant 32 : i32
        %add3A_871 = vector.broadcast %add3A_870 : i32 to vector<16xi32>
        %add3A_872 = arith.addi %mul3A_869, %add3A_871 : vector<16xi32>
        %add3A_873 = arith.addi %shift_left3A_512, %add3A_872 : vector<16xi32>
        %gather3A_874 = tpu.vector_load_idx %arg9[%add3A_499, %add3A_873] : memref<128x128xf32, #tpu.memory_space<vmem>>[vector<16xi32>, vector<16xi32>], vector<16xf32>,
        %add3A_875 = arith.constant 1 : i32
        %add3A_876 = vector.broadcast %add3A_875 : i32 to vector<16xi32>
        %add3A_877 = arith.addi %add3A_873, %add3A_876 : vector<16xi32>
        %gather3A_878 = tpu.vector_load_idx %arg9[%add3A_499, %add3A_877] : memref<128x128xf32, #tpu.memory_space<vmem>>[vector<16xi32>, vector<16xi32>], vector<16xf32>,
        %pack3A_879 = tpu.pack_subelements %gather3A_874, %gather3A_878 {pack_format = #tpu.pack_format<interleaved>, positions = array<i32: 0, 1>} : vector<16xf32>, vector<16xf32> -> vector<32xbf16>
        %bitcast3A_880 = vector.bitcast %pack3A_879 : vector<32xbf16> to vector<16xi32>
        %add3A_881 = arith.constant 16 : i32
        %add3A_882 = vector.broadcast %add3A_881 : i32 to vector<16xi32>
        %add3A_883 = arith.addi %and3A_67, %add3A_882 : vector<16xi32>
        tpu.vector_store_idx %arg11[%add3A_883, %add3A_499], %bitcast3A_880 : memref<32x128xi32, #tpu.memory_space<vmem>>[vector<16xi32>, vector<16xi32>], vector<16xi32>,
        %mul3A_884 = arith.constant 2 : i32
        %mul3A_885 = vector.broadcast %mul3A_884 : i32 to vector<16xi32>
        %mul3A_886 = arith.muli %mul3A_885, %and3A_73 : vector<16xi32>
        %add3A_887 = arith.constant 0 : i32
        %add3A_888 = vector.broadcast %add3A_887 : i32 to vector<16xi32>
        %add3A_889 = arith.addi %mul3A_886, %add3A_888 : vector<16xi32>
        %add3A_890 = arith.addi %shift_left3A_512, %add3A_889 : vector<16xi32>
        %gather3A_891 = tpu.vector_load_idx %arg9[%add3A_499, %add3A_890] : memref<128x128xf32, #tpu.memory_space<vmem>>[vector<16xi32>, vector<16xi32>], vector<16xf32>,
        %add3A_892 = arith.constant 1 : i32
        %add3A_893 = vector.broadcast %add3A_892 : i32 to vector<16xi32>
        %add3A_894 = arith.addi %add3A_890, %add3A_893 : vector<16xi32>
        %gather3A_895 = tpu.vector_load_idx %arg9[%add3A_499, %add3A_894] : memref<128x128xf32, #tpu.memory_space<vmem>>[vector<16xi32>, vector<16xi32>], vector<16xf32>,
        %pack3A_896 = tpu.pack_subelements %gather3A_891, %gather3A_895 {pack_format = #tpu.pack_format<interleaved>, positions = array<i32: 0, 1>} : vector<16xf32>, vector<16xf32> -> vector<32xbf16>
        %bitcast3A_897 = vector.bitcast %pack3A_896 : vector<32xbf16> to vector<16xi32>
        %add3A_898 = arith.constant 0 : i32
        %add3A_899 = vector.broadcast %add3A_898 : i32 to vector<16xi32>
        %add3A_900 = arith.addi %and3A_73, %add3A_899 : vector<16xi32>
        tpu.vector_store_idx %arg11[%add3A_900, %add3A_499], %bitcast3A_897 : memref<32x128xi32, #tpu.memory_space<vmem>>[vector<16xi32>, vector<16xi32>], vector<16xi32>,
        %mul3A_901 = arith.constant 2 : i32
        %mul3A_902 = vector.broadcast %mul3A_901 : i32 to vector<16xi32>
        %mul3A_903 = arith.muli %mul3A_902, %and3A_73 : vector<16xi32>
        %add3A_904 = arith.constant 32 : i32
        %add3A_905 = vector.broadcast %add3A_904 : i32 to vector<16xi32>
        %add3A_906 = arith.addi %mul3A_903, %add3A_905 : vector<16xi32>
        %add3A_907 = arith.addi %shift_left3A_512, %add3A_906 : vector<16xi32>
        %gather3A_908 = tpu.vector_load_idx %arg9[%add3A_499, %add3A_907] : memref<128x128xf32, #tpu.memory_space<vmem>>[vector<16xi32>, vector<16xi32>], vector<16xf32>,
        %add3A_909 = arith.constant 1 : i32
        %add3A_910 = vector.broadcast %add3A_909 : i32 to vector<16xi32>
        %add3A_911 = arith.addi %add3A_907, %add3A_910 : vector<16xi32>
        %gather3A_912 = tpu.vector_load_idx %arg9[%add3A_499, %add3A_911] : memref<128x128xf32, #tpu.memory_space<vmem>>[vector<16xi32>, vector<16xi32>], vector<16xf32>,
        %pack3A_913 = tpu.pack_subelements %gather3A_908, %gather3A_912 {pack_format = #tpu.pack_format<interleaved>, positions = array<i32: 0, 1>} : vector<16xf32>, vector<16xf32> -> vector<32xbf16>
        %bitcast3A_914 = vector.bitcast %pack3A_913 : vector<32xbf16> to vector<16xi32>
        %add3A_915 = arith.constant 16 : i32
        %add3A_916 = vector.broadcast %add3A_915 : i32 to vector<16xi32>
        %add3A_917 = arith.addi %and3A_73, %add3A_916 : vector<16xi32>
        tpu.vector_store_idx %arg11[%add3A_917, %add3A_499], %bitcast3A_914 : memref<32x128xi32, #tpu.memory_space<vmem>>[vector<16xi32>, vector<16xi32>], vector<16xi32>,
        %mul3A_918 = arith.constant 2 : i32
        %mul3A_919 = vector.broadcast %mul3A_918 : i32 to vector<16xi32>
        %mul3A_920 = arith.muli %mul3A_919, %and3A_79 : vector<16xi32>
        %add3A_921 = arith.constant 0 : i32
        %add3A_922 = vector.broadcast %add3A_921 : i32 to vector<16xi32>
        %add3A_923 = arith.addi %mul3A_920, %add3A_922 : vector<16xi32>
        %add3A_924 = arith.addi %shift_left3A_512, %add3A_923 : vector<16xi32>
        %gather3A_925 = tpu.vector_load_idx %arg9[%add3A_499, %add3A_924] : memref<128x128xf32, #tpu.memory_space<vmem>>[vector<16xi32>, vector<16xi32>], vector<16xf32>,
        %add3A_926 = arith.constant 1 : i32
        %add3A_927 = vector.broadcast %add3A_926 : i32 to vector<16xi32>
        %add3A_928 = arith.addi %add3A_924, %add3A_927 : vector<16xi32>
        %gather3A_929 = tpu.vector_load_idx %arg9[%add3A_499, %add3A_928] : memref<128x128xf32, #tpu.memory_space<vmem>>[vector<16xi32>, vector<16xi32>], vector<16xf32>,
        %pack3A_930 = tpu.pack_subelements %gather3A_925, %gather3A_929 {pack_format = #tpu.pack_format<interleaved>, positions = array<i32: 0, 1>} : vector<16xf32>, vector<16xf32> -> vector<32xbf16>
        %bitcast3A_931 = vector.bitcast %pack3A_930 : vector<32xbf16> to vector<16xi32>
        %add3A_932 = arith.constant 0 : i32
        %add3A_933 = vector.broadcast %add3A_932 : i32 to vector<16xi32>
        %add3A_934 = arith.addi %and3A_79, %add3A_933 : vector<16xi32>
        tpu.vector_store_idx %arg11[%add3A_934, %add3A_499], %bitcast3A_931 : memref<32x128xi32, #tpu.memory_space<vmem>>[vector<16xi32>, vector<16xi32>], vector<16xi32>,
        %mul3A_935 = arith.constant 2 : i32
        %mul3A_936 = vector.broadcast %mul3A_935 : i32 to vector<16xi32>
        %mul3A_937 = arith.muli %mul3A_936, %and3A_79 : vector<16xi32>
        %add3A_938 = arith.constant 32 : i32
        %add3A_939 = vector.broadcast %add3A_938 : i32 to vector<16xi32>
        %add3A_940 = arith.addi %mul3A_937, %add3A_939 : vector<16xi32>
        %add3A_941 = arith.addi %shift_left3A_512, %add3A_940 : vector<16xi32>
        %gather3A_942 = tpu.vector_load_idx %arg9[%add3A_499, %add3A_941] : memref<128x128xf32, #tpu.memory_space<vmem>>[vector<16xi32>, vector<16xi32>], vector<16xf32>,
        %add3A_943 = arith.constant 1 : i32
        %add3A_944 = vector.broadcast %add3A_943 : i32 to vector<16xi32>
        %add3A_945 = arith.addi %add3A_941, %add3A_944 : vector<16xi32>
        %gather3A_946 = tpu.vector_load_idx %arg9[%add3A_499, %add3A_945] : memref<128x128xf32, #tpu.memory_space<vmem>>[vector<16xi32>, vector<16xi32>], vector<16xf32>,
        %pack3A_947 = tpu.pack_subelements %gather3A_942, %gather3A_946 {pack_format = #tpu.pack_format<interleaved>, positions = array<i32: 0, 1>} : vector<16xf32>, vector<16xf32> -> vector<32xbf16>
        %bitcast3A_948 = vector.bitcast %pack3A_947 : vector<32xbf16> to vector<16xi32>
        %add3A_949 = arith.constant 16 : i32
        %add3A_950 = vector.broadcast %add3A_949 : i32 to vector<16xi32>
        %add3A_951 = arith.addi %and3A_79, %add3A_950 : vector<16xi32>
        tpu.vector_store_idx %arg11[%add3A_951, %add3A_499], %bitcast3A_948 : memref<32x128xi32, #tpu.memory_space<vmem>>[vector<16xi32>, vector<16xi32>], vector<16xi32>,
        %mul3A_952 = arith.constant 2 : i32
        %mul3A_953 = vector.broadcast %mul3A_952 : i32 to vector<16xi32>
        %mul3A_954 = arith.muli %mul3A_953, %and3A_85 : vector<16xi32>
        %add3A_955 = arith.constant 0 : i32
        %add3A_956 = vector.broadcast %add3A_955 : i32 to vector<16xi32>
        %add3A_957 = arith.addi %mul3A_954, %add3A_956 : vector<16xi32>
        %add3A_958 = arith.addi %shift_left3A_512, %add3A_957 : vector<16xi32>
        %gather3A_959 = tpu.vector_load_idx %arg9[%add3A_499, %add3A_958] : memref<128x128xf32, #tpu.memory_space<vmem>>[vector<16xi32>, vector<16xi32>], vector<16xf32>,
        %add3A_960 = arith.constant 1 : i32
        %add3A_961 = vector.broadcast %add3A_960 : i32 to vector<16xi32>
        %add3A_962 = arith.addi %add3A_958, %add3A_961 : vector<16xi32>
        %gather3A_963 = tpu.vector_load_idx %arg9[%add3A_499, %add3A_962] : memref<128x128xf32, #tpu.memory_space<vmem>>[vector<16xi32>, vector<16xi32>], vector<16xf32>,
        %pack3A_964 = tpu.pack_subelements %gather3A_959, %gather3A_963 {pack_format = #tpu.pack_format<interleaved>, positions = array<i32: 0, 1>} : vector<16xf32>, vector<16xf32> -> vector<32xbf16>
        %bitcast3A_965 = vector.bitcast %pack3A_964 : vector<32xbf16> to vector<16xi32>
        %add3A_966 = arith.constant 0 : i32
        %add3A_967 = vector.broadcast %add3A_966 : i32 to vector<16xi32>
        %add3A_968 = arith.addi %and3A_85, %add3A_967 : vector<16xi32>
        tpu.vector_store_idx %arg11[%add3A_968, %add3A_499], %bitcast3A_965 : memref<32x128xi32, #tpu.memory_space<vmem>>[vector<16xi32>, vector<16xi32>], vector<16xi32>,
        %mul3A_969 = arith.constant 2 : i32
        %mul3A_970 = vector.broadcast %mul3A_969 : i32 to vector<16xi32>
        %mul3A_971 = arith.muli %mul3A_970, %and3A_85 : vector<16xi32>
        %add3A_972 = arith.constant 32 : i32
        %add3A_973 = vector.broadcast %add3A_972 : i32 to vector<16xi32>
        %add3A_974 = arith.addi %mul3A_971, %add3A_973 : vector<16xi32>
        %add3A_975 = arith.addi %shift_left3A_512, %add3A_974 : vector<16xi32>
        %gather3A_976 = tpu.vector_load_idx %arg9[%add3A_499, %add3A_975] : memref<128x128xf32, #tpu.memory_space<vmem>>[vector<16xi32>, vector<16xi32>], vector<16xf32>,
        %add3A_977 = arith.constant 1 : i32
        %add3A_978 = vector.broadcast %add3A_977 : i32 to vector<16xi32>
        %add3A_979 = arith.addi %add3A_975, %add3A_978 : vector<16xi32>
        %gather3A_980 = tpu.vector_load_idx %arg9[%add3A_499, %add3A_979] : memref<128x128xf32, #tpu.memory_space<vmem>>[vector<16xi32>, vector<16xi32>], vector<16xf32>,
        %pack3A_981 = tpu.pack_subelements %gather3A_976, %gather3A_980 {pack_format = #tpu.pack_format<interleaved>, positions = array<i32: 0, 1>} : vector<16xf32>, vector<16xf32> -> vector<32xbf16>
        %bitcast3A_982 = vector.bitcast %pack3A_981 : vector<32xbf16> to vector<16xi32>
        %add3A_983 = arith.constant 16 : i32
        %add3A_984 = vector.broadcast %add3A_983 : i32 to vector<16xi32>
        %add3A_985 = arith.addi %and3A_85, %add3A_984 : vector<16xi32>
        tpu.vector_store_idx %arg11[%add3A_985, %add3A_499], %bitcast3A_982 : memref<32x128xi32, #tpu.memory_space<vmem>>[vector<16xi32>, vector<16xi32>], vector<16xi32>,
        %mul3A_986 = arith.constant 2 : i32
        %mul3A_987 = vector.broadcast %mul3A_986 : i32 to vector<16xi32>
        %mul3A_988 = arith.muli %mul3A_987, %and3A_91 : vector<16xi32>
        %add3A_989 = arith.constant 0 : i32
        %add3A_990 = vector.broadcast %add3A_989 : i32 to vector<16xi32>
        %add3A_991 = arith.addi %mul3A_988, %add3A_990 : vector<16xi32>
        %add3A_992 = arith.addi %shift_left3A_512, %add3A_991 : vector<16xi32>
        %gather3A_993 = tpu.vector_load_idx %arg9[%add3A_499, %add3A_992] : memref<128x128xf32, #tpu.memory_space<vmem>>[vector<16xi32>, vector<16xi32>], vector<16xf32>,
        %add3A_994 = arith.constant 1 : i32
        %add3A_995 = vector.broadcast %add3A_994 : i32 to vector<16xi32>
        %add3A_996 = arith.addi %add3A_992, %add3A_995 : vector<16xi32>
        %gather3A_997 = tpu.vector_load_idx %arg9[%add3A_499, %add3A_996] : memref<128x128xf32, #tpu.memory_space<vmem>>[vector<16xi32>, vector<16xi32>], vector<16xf32>,
        %pack3A_998 = tpu.pack_subelements %gather3A_993, %gather3A_997 {pack_format = #tpu.pack_format<interleaved>, positions = array<i32: 0, 1>} : vector<16xf32>, vector<16xf32> -> vector<32xbf16>
        %bitcast3A_999 = vector.bitcast %pack3A_998 : vector<32xbf16> to vector<16xi32>
        %add3A_1000 = arith.constant 0 : i32
        %add3A_1001 = vector.broadcast %add3A_1000 : i32 to vector<16xi32>
        %add3A_1002 = arith.addi %and3A_91, %add3A_1001 : vector<16xi32>
        tpu.vector_store_idx %arg11[%add3A_1002, %add3A_499], %bitcast3A_999 : memref<32x128xi32, #tpu.memory_space<vmem>>[vector<16xi32>, vector<16xi32>], vector<16xi32>,
        %mul3A_1003 = arith.constant 2 : i32
        %mul3A_1004 = vector.broadcast %mul3A_1003 : i32 to vector<16xi32>
        %mul3A_1005 = arith.muli %mul3A_1004, %and3A_91 : vector<16xi32>
        %add3A_1006 = arith.constant 32 : i32
        %add3A_1007 = vector.broadcast %add3A_1006 : i32 to vector<16xi32>
        %add3A_1008 = arith.addi %mul3A_1005, %add3A_1007 : vector<16xi32>
        %add3A_1009 = arith.addi %shift_left3A_512, %add3A_1008 : vector<16xi32>
        %gather3A_1010 = tpu.vector_load_idx %arg9[%add3A_499, %add3A_1009] : memref<128x128xf32, #tpu.memory_space<vmem>>[vector<16xi32>, vector<16xi32>], vector<16xf32>,
        %add3A_1011 = arith.constant 1 : i32
        %add3A_1012 = vector.broadcast %add3A_1011 : i32 to vector<16xi32>
        %add3A_1013 = arith.addi %add3A_1009, %add3A_1012 : vector<16xi32>
        %gather3A_1014 = tpu.vector_load_idx %arg9[%add3A_499, %add3A_1013] : memref<128x128xf32, #tpu.memory_space<vmem>>[vector<16xi32>, vector<16xi32>], vector<16xf32>,
        %pack3A_1015 = tpu.pack_subelements %gather3A_1010, %gather3A_1014 {pack_format = #tpu.pack_format<interleaved>, positions = array<i32: 0, 1>} : vector<16xf32>, vector<16xf32> -> vector<32xbf16>
        %bitcast3A_1016 = vector.bitcast %pack3A_1015 : vector<32xbf16> to vector<16xi32>
        %add3A_1017 = arith.constant 16 : i32
        %add3A_1018 = vector.broadcast %add3A_1017 : i32 to vector<16xi32>
        %add3A_1019 = arith.addi %and3A_91, %add3A_1018 : vector<16xi32>
        tpu.vector_store_idx %arg11[%add3A_1019, %add3A_499], %bitcast3A_1016 : memref<32x128xi32, #tpu.memory_space<vmem>>[vector<16xi32>, vector<16xi32>], vector<16xi32>,
        %mul3A_1020 = arith.constant 2 : i32
        %mul3A_1021 = vector.broadcast %mul3A_1020 : i32 to vector<16xi32>
        %mul3A_1022 = arith.muli %mul3A_1021, %and3A_97 : vector<16xi32>
        %add3A_1023 = arith.constant 0 : i32
        %add3A_1024 = vector.broadcast %add3A_1023 : i32 to vector<16xi32>
        %add3A_1025 = arith.addi %mul3A_1022, %add3A_1024 : vector<16xi32>
        %add3A_1026 = arith.addi %shift_left3A_512, %add3A_1025 : vector<16xi32>
        %gather3A_1027 = tpu.vector_load_idx %arg9[%add3A_499, %add3A_1026] : memref<128x128xf32, #tpu.memory_space<vmem>>[vector<16xi32>, vector<16xi32>], vector<16xf32>,
        %add3A_1028 = arith.constant 1 : i32
        %add3A_1029 = vector.broadcast %add3A_1028 : i32 to vector<16xi32>
        %add3A_1030 = arith.addi %add3A_1026, %add3A_1029 : vector<16xi32>
        %gather3A_1031 = tpu.vector_load_idx %arg9[%add3A_499, %add3A_1030] : memref<128x128xf32, #tpu.memory_space<vmem>>[vector<16xi32>, vector<16xi32>], vector<16xf32>,
        %pack3A_1032 = tpu.pack_subelements %gather3A_1027, %gather3A_1031 {pack_format = #tpu.pack_format<interleaved>, positions = array<i32: 0, 1>} : vector<16xf32>, vector<16xf32> -> vector<32xbf16>
        %bitcast3A_1033 = vector.bitcast %pack3A_1032 : vector<32xbf16> to vector<16xi32>
        %add3A_1034 = arith.constant 0 : i32
        %add3A_1035 = vector.broadcast %add3A_1034 : i32 to vector<16xi32>
        %add3A_1036 = arith.addi %and3A_97, %add3A_1035 : vector<16xi32>
        tpu.vector_store_idx %arg11[%add3A_1036, %add3A_499], %bitcast3A_1033 : memref<32x128xi32, #tpu.memory_space<vmem>>[vector<16xi32>, vector<16xi32>], vector<16xi32>,
        %mul3A_1037 = arith.constant 2 : i32
        %mul3A_1038 = vector.broadcast %mul3A_1037 : i32 to vector<16xi32>
        %mul3A_1039 = arith.muli %mul3A_1038, %and3A_97 : vector<16xi32>
        %add3A_1040 = arith.constant 32 : i32
        %add3A_1041 = vector.broadcast %add3A_1040 : i32 to vector<16xi32>
        %add3A_1042 = arith.addi %mul3A_1039, %add3A_1041 : vector<16xi32>
        %add3A_1043 = arith.addi %shift_left3A_512, %add3A_1042 : vector<16xi32>
        %gather3A_1044 = tpu.vector_load_idx %arg9[%add3A_499, %add3A_1043] : memref<128x128xf32, #tpu.memory_space<vmem>>[vector<16xi32>, vector<16xi32>], vector<16xf32>,
        %add3A_1045 = arith.constant 1 : i32
        %add3A_1046 = vector.broadcast %add3A_1045 : i32 to vector<16xi32>
        %add3A_1047 = arith.addi %add3A_1043, %add3A_1046 : vector<16xi32>
        %gather3A_1048 = tpu.vector_load_idx %arg9[%add3A_499, %add3A_1047] : memref<128x128xf32, #tpu.memory_space<vmem>>[vector<16xi32>, vector<16xi32>], vector<16xf32>,
        %pack3A_1049 = tpu.pack_subelements %gather3A_1044, %gather3A_1048 {pack_format = #tpu.pack_format<interleaved>, positions = array<i32: 0, 1>} : vector<16xf32>, vector<16xf32> -> vector<32xbf16>
        %bitcast3A_1050 = vector.bitcast %pack3A_1049 : vector<32xbf16> to vector<16xi32>
        %add3A_1051 = arith.constant 16 : i32
        %add3A_1052 = vector.broadcast %add3A_1051 : i32 to vector<16xi32>
        %add3A_1053 = arith.addi %and3A_97, %add3A_1052 : vector<16xi32>
        tpu.vector_store_idx %arg11[%add3A_1053, %add3A_499], %bitcast3A_1050 : memref<32x128xi32, #tpu.memory_space<vmem>>[vector<16xi32>, vector<16xi32>], vector<16xi32>,
      }
      %scan3A_445 = arith.constant 8 : i32
      %jit3A_446 = arith.constant 4 : i32
      %div3A_447 = arith.divsi %add3A_378, %jit3A_446 : i32
      %sign3A_448 = arith.constant 0 : i32
      %sign3A_449 = arith.cmpi sgt, %add3A_378, %sign3A_448 : i32
      %sign3A_450 = arith.extui %sign3A_449 : i1 to i32
      %sign3A_451 = arith.constant 0 : i32
      %sign3A_452 = arith.cmpi slt, %add3A_378, %sign3A_451 : i32
      %sign3A_453 = arith.extui %sign3A_452 : i1 to i32
      %sign3A_454 = arith.subi %sign3A_450, %sign3A_453 : i32
      %sign3A_455 = arith.constant 0 : i32
      %sign3A_456 = arith.cmpi sgt, %jit3A_446, %sign3A_455 : i32
      %sign3A_457 = arith.extui %sign3A_456 : i1 to i32
      %sign3A_458 = arith.constant 0 : i32
      %sign3A_459 = arith.cmpi slt, %jit3A_446, %sign3A_458 : i32
      %sign3A_460 = arith.extui %sign3A_459 : i1 to i32
      %sign3A_461 = arith.subi %sign3A_457, %sign3A_460 : i32
      %ne3A_462 = arith.cmpi ne, %sign3A_454, %sign3A_461 : i32
      %rem3A_463 = arith.remsi %add3A_378, %jit3A_446 : i32
      %ne3A_464 = arith.constant 0 : i32
      %ne3A_465 = arith.cmpi ne, %rem3A_463, %ne3A_464 : i32
      %and3A_466 = arith.andi %ne3A_462, %ne3A_465 : i1
      %sub3A_467 = arith.constant 1 : i32
      %sub3A_468 = arith.subi %div3A_447, %sub3A_467 : i32
      %select_n3A_469 = arith.select %and3A_466, %sub3A_468, %div3A_447 : i32
      %mul3A_470 = arith.constant 4 : i32
      %mul3A_471 = arith.muli %select_n3A_469, %mul3A_470 : i32
      %sub3A_472 = arith.subi %add3A_378, %mul3A_471 : i32
      %mul3A_473 = arith.constant 128 : i32
      %mul3A_474 = arith.muli %sub3A_472, %mul3A_473 : i32
      %add3A_475 = arith.addi %mul3A_2, %mul3A_474 : i32
      %dma_start3A_476 = tpu.memref_bitcast %arg4 : memref<50x64x16384xbf16, #tpu.memory_space<hbm>> -> memref<50x32x16384xi32, #tpu.memory_space<hbm>>
      %dma_start3A_477 = arith.constant 0 : i32
      %dma_start3A_478 = tpu.memref_slice %dma_start3A_476[%select_n3A_469, %dma_start3A_477, %add3A_475] : memref<50x32x16384xi32, #tpu.memory_space<hbm>> -> memref<1x32x128xi32, #tpu.memory_space<hbm>>
      %dma_start3A_479 = tpu.memref_squeeze %dma_start3A_478 : memref<1x32x128xi32, #tpu.memory_space<hbm>> -> memref<32x128xi32, #tpu.memory_space<hbm>>
      %dma_start3A_480 = tpu.memref_bitcast %arg4 : memref<50x64x16384xbf16, #tpu.memory_space<hbm>> -> memref<50x32x16384xi32, #tpu.memory_space<hbm>>
      %dma_start3A_481 = arith.constant 0 : i32
      %dma_start3A_482 = tpu.memref_slice %dma_start3A_480[%select_n3A_469, %dma_start3A_481, %add3A_475] : memref<50x32x16384xi32, #tpu.memory_space<hbm>> -> memref<1x32x128xi32, #tpu.memory_space<hbm>>
      %dma_start3A_483 = tpu.memref_squeeze %dma_start3A_482 : memref<1x32x128xi32, #tpu.memory_space<hbm>> -> memref<32x128xi32, #tpu.memory_space<hbm>>
      tpu.enqueue_dma source(%arg11 : memref<32x128xi32, #tpu.memory_space<vmem>>) target(%dma_start3A_483 : memref<32x128xi32, #tpu.memory_space<hbm>>) target_semaphore(%arg13 : memref<!tpu.dma_semaphore, #tpu.memory_space<semaphore_mem>>)
      %add3A_484 = arith.constant 2 : i32
      %add3A_485 = arith.addi %add3A_378, %add3A_484 : i32
      %lt3A_486 = arith.constant 200 : i32
      %lt3A_487 = arith.cmpi slt, %add3A_485, %lt3A_486 : i32
      %convert_element_type3A_488 = arith.extui %lt3A_487 : i1 to i32
      %cond3A_489 = arith.constant 0 : i32
      %cond3A_490 = arith.cmpi ne, %convert_element_type3A_488, %cond3A_489 : i32
      scf.if %cond3A_490 {
        %add3A_491 = arith.constant 2 : i32
        %add3A_492 = arith.addi %add3A_378, %add3A_491 : i32
        %jit3A_493 = arith.constant 4 : i32
        %div3A_494 = arith.divsi %add3A_492, %jit3A_493 : i32
        %sign3A_495 = arith.constant 0 : i32
        %sign3A_496 = arith.cmpi sgt, %add3A_492, %sign3A_495 : i32
        %sign3A_497 = arith.extui %sign3A_496 : i1 to i32
        %sign3A_498 = arith.constant 0 : i32
        %sign3A_499 = arith.cmpi slt, %add3A_492, %sign3A_498 : i32
        %sign3A_500 = arith.extui %sign3A_499 : i1 to i32
        %sign3A_501 = arith.subi %sign3A_497, %sign3A_500 : i32
        %sign3A_502 = arith.constant 0 : i32
        %sign3A_503 = arith.cmpi sgt, %jit3A_493, %sign3A_502 : i32
        %sign3A_504 = arith.extui %sign3A_503 : i1 to i32
        %sign3A_505 = arith.constant 0 : i32
        %sign3A_506 = arith.cmpi slt, %jit3A_493, %sign3A_505 : i32
        %sign3A_507 = arith.extui %sign3A_506 : i1 to i32
        %sign3A_508 = arith.subi %sign3A_504, %sign3A_507 : i32
        %ne3A_509 = arith.cmpi ne, %sign3A_501, %sign3A_508 : i32
        %rem3A_510 = arith.remsi %add3A_492, %jit3A_493 : i32
        %ne3A_511 = arith.constant 0 : i32
        %ne3A_512 = arith.cmpi ne, %rem3A_510, %ne3A_511 : i32
        %and3A_513 = arith.andi %ne3A_509, %ne3A_512 : i1
        %sub3A_514 = arith.constant 1 : i32
        %sub3A_515 = arith.subi %div3A_494, %sub3A_514 : i32
        %select_n3A_516 = arith.select %and3A_513, %sub3A_515, %div3A_494 : i32
        %mul3A_517 = arith.constant 4 : i32
        %mul3A_518 = arith.muli %select_n3A_516, %mul3A_517 : i32
        %sub3A_519 = arith.subi %add3A_492, %mul3A_518 : i32
        %mul3A_520 = arith.constant 128 : i32
        %mul3A_521 = arith.muli %sub3A_519, %mul3A_520 : i32
        %add3A_522 = arith.constant 0 : i32
        %add3A_523 = arith.addi %mul3A_521, %add3A_522 : i32
        %get3A_524 = arith.index_cast %select_n3A_516 : i32 to index
        %get3A_525 = arith.index_cast %add3A_523 : i32 to index
        %get3A_526 = tpu.vector_load %arg5[%get3A_524, %get3A_525] {strides = array<i32>} : memref<50x512xi32, #tpu.memory_space<vmem>>, vector<16xi32>,
        %shift_right_logical3A_527 = arith.constant 1 : i32
        %shift_right_logical3A_528 = vector.broadcast %shift_right_logical3A_527 : i32 to vector<16xi32>
        %shift_right_logical3A_529 = arith.shrui %get3A_526, %shift_right_logical3A_528 : vector<16xi32>
        %swap3A_530 = arith.constant 0 : index
        %swap3A_531 = tpu.vector_load %arg7[%swap3A_530] {strides = array<i32>} : memref<128xi32, #tpu.memory_space<vmem>>, vector<16xi32>,
        tpu.vector_store %arg7[%swap3A_530], %shift_right_logical3A_529 {strides = array<i32>} : memref<128xi32, #tpu.memory_space<vmem>>, vector<16xi32>,
        %mul3A_532 = arith.constant 128 : i32
        %mul3A_533 = arith.muli %sub3A_519, %mul3A_532 : i32
        %add3A_534 = arith.constant 16 : i32
        %add3A_535 = arith.addi %mul3A_533, %add3A_534 : i32
        %get3A_536 = arith.index_cast %select_n3A_516 : i32 to index
        %get3A_537 = arith.index_cast %add3A_535 : i32 to index
        %get3A_538 = tpu.vector_load %arg5[%get3A_536, %get3A_537] {strides = array<i32>} : memref<50x512xi32, #tpu.memory_space<vmem>>, vector<16xi32>,
        %shift_right_logical3A_539 = arith.constant 1 : i32
        %shift_right_logical3A_540 = vector.broadcast %shift_right_logical3A_539 : i32 to vector<16xi32>
        %shift_right_logical3A_541 = arith.shrui %get3A_538, %shift_right_logical3A_540 : vector<16xi32>
        %swap3A_542 = arith.constant 16 : index
        %swap3A_543 = tpu.vector_load %arg7[%swap3A_542] {strides = array<i32>} : memref<128xi32, #tpu.memory_space<vmem>>, vector<16xi32>,
        tpu.vector_store %arg7[%swap3A_542], %shift_right_logical3A_541 {strides = array<i32>} : memref<128xi32, #tpu.memory_space<vmem>>, vector<16xi32>,
        %mul3A_544 = arith.constant 128 : i32
        %mul3A_545 = arith.muli %sub3A_519, %mul3A_544 : i32
        %add3A_546 = arith.constant 32 : i32
        %add3A_547 = arith.addi %mul3A_545, %add3A_546 : i32
        %get3A_548 = arith.index_cast %select_n3A_516 : i32 to index
        %get3A_549 = arith.index_cast %add3A_547 : i32 to index
        %get3A_550 = tpu.vector_load %arg5[%get3A_548, %get3A_549] {strides = array<i32>} : memref<50x512xi32, #tpu.memory_space<vmem>>, vector<16xi32>,
        %shift_right_logical3A_551 = arith.constant 1 : i32
        %shift_right_logical3A_552 = vector.broadcast %shift_right_logical3A_551 : i32 to vector<16xi32>
        %shift_right_logical3A_553 = arith.shrui %get3A_550, %shift_right_logical3A_552 : vector<16xi32>
        %swap3A_554 = arith.constant 32 : index
        %swap3A_555 = tpu.vector_load %arg7[%swap3A_554] {strides = array<i32>} : memref<128xi32, #tpu.memory_space<vmem>>, vector<16xi32>,
        tpu.vector_store %arg7[%swap3A_554], %shift_right_logical3A_553 {strides = array<i32>} : memref<128xi32, #tpu.memory_space<vmem>>, vector<16xi32>,
        %mul3A_556 = arith.constant 128 : i32
        %mul3A_557 = arith.muli %sub3A_519, %mul3A_556 : i32
        %add3A_558 = arith.constant 48 : i32
        %add3A_559 = arith.addi %mul3A_557, %add3A_558 : i32
        %get3A_560 = arith.index_cast %select_n3A_516 : i32 to index
        %get3A_561 = arith.index_cast %add3A_559 : i32 to index
        %get3A_562 = tpu.vector_load %arg5[%get3A_560, %get3A_561] {strides = array<i32>} : memref<50x512xi32, #tpu.memory_space<vmem>>, vector<16xi32>,
        %shift_right_logical3A_563 = arith.constant 1 : i32
        %shift_right_logical3A_564 = vector.broadcast %shift_right_logical3A_563 : i32 to vector<16xi32>
        %shift_right_logical3A_565 = arith.shrui %get3A_562, %shift_right_logical3A_564 : vector<16xi32>
        %swap3A_566 = arith.constant 48 : index
        %swap3A_567 = tpu.vector_load %arg7[%swap3A_566] {strides = array<i32>} : memref<128xi32, #tpu.memory_space<vmem>>, vector<16xi32>,
        tpu.vector_store %arg7[%swap3A_566], %shift_right_logical3A_565 {strides = array<i32>} : memref<128xi32, #tpu.memory_space<vmem>>, vector<16xi32>,
        %mul3A_568 = arith.constant 128 : i32
        %mul3A_569 = arith.muli %sub3A_519, %mul3A_568 : i32
        %add3A_570 = arith.constant 64 : i32
        %add3A_571 = arith.addi %mul3A_569, %add3A_570 : i32
        %get3A_572 = arith.index_cast %select_n3A_516 : i32 to index
        %get3A_573 = arith.index_cast %add3A_571 : i32 to index
        %get3A_574 = tpu.vector_load %arg5[%get3A_572, %get3A_573] {strides = array<i32>} : memref<50x512xi32, #tpu.memory_space<vmem>>, vector<16xi32>,
        %shift_right_logical3A_575 = arith.constant 1 : i32
        %shift_right_logical3A_576 = vector.broadcast %shift_right_logical3A_575 : i32 to vector<16xi32>
        %shift_right_logical3A_577 = arith.shrui %get3A_574, %shift_right_logical3A_576 : vector<16xi32>
        %swap3A_578 = arith.constant 64 : index
        %swap3A_579 = tpu.vector_load %arg7[%swap3A_578] {strides = array<i32>} : memref<128xi32, #tpu.memory_space<vmem>>, vector<16xi32>,
        tpu.vector_store %arg7[%swap3A_578], %shift_right_logical3A_577 {strides = array<i32>} : memref<128xi32, #tpu.memory_space<vmem>>, vector<16xi32>,
        %mul3A_580 = arith.constant 128 : i32
        %mul3A_581 = arith.muli %sub3A_519, %mul3A_580 : i32
        %add3A_582 = arith.constant 80 : i32
        %add3A_583 = arith.addi %mul3A_581, %add3A_582 : i32
        %get3A_584 = arith.index_cast %select_n3A_516 : i32 to index
        %get3A_585 = arith.index_cast %add3A_583 : i32 to index
        %get3A_586 = tpu.vector_load %arg5[%get3A_584, %get3A_585] {strides = array<i32>} : memref<50x512xi32, #tpu.memory_space<vmem>>, vector<16xi32>,
        %shift_right_logical3A_587 = arith.constant 1 : i32
        %shift_right_logical3A_588 = vector.broadcast %shift_right_logical3A_587 : i32 to vector<16xi32>
        %shift_right_logical3A_589 = arith.shrui %get3A_586, %shift_right_logical3A_588 : vector<16xi32>
        %swap3A_590 = arith.constant 80 : index
        %swap3A_591 = tpu.vector_load %arg7[%swap3A_590] {strides = array<i32>} : memref<128xi32, #tpu.memory_space<vmem>>, vector<16xi32>,
        tpu.vector_store %arg7[%swap3A_590], %shift_right_logical3A_589 {strides = array<i32>} : memref<128xi32, #tpu.memory_space<vmem>>, vector<16xi32>,
        %mul3A_592 = arith.constant 128 : i32
        %mul3A_593 = arith.muli %sub3A_519, %mul3A_592 : i32
        %add3A_594 = arith.constant 96 : i32
        %add3A_595 = arith.addi %mul3A_593, %add3A_594 : i32
        %get3A_596 = arith.index_cast %select_n3A_516 : i32 to index
        %get3A_597 = arith.index_cast %add3A_595 : i32 to index
        %get3A_598 = tpu.vector_load %arg5[%get3A_596, %get3A_597] {strides = array<i32>} : memref<50x512xi32, #tpu.memory_space<vmem>>, vector<16xi32>,
        %shift_right_logical3A_599 = arith.constant 1 : i32
        %shift_right_logical3A_600 = vector.broadcast %shift_right_logical3A_599 : i32 to vector<16xi32>
        %shift_right_logical3A_601 = arith.shrui %get3A_598, %shift_right_logical3A_600 : vector<16xi32>
        %swap3A_602 = arith.constant 96 : index
        %swap3A_603 = tpu.vector_load %arg7[%swap3A_602] {strides = array<i32>} : memref<128xi32, #tpu.memory_space<vmem>>, vector<16xi32>,
        tpu.vector_store %arg7[%swap3A_602], %shift_right_logical3A_601 {strides = array<i32>} : memref<128xi32, #tpu.memory_space<vmem>>, vector<16xi32>,
        %mul3A_604 = arith.constant 128 : i32
        %mul3A_605 = arith.muli %sub3A_519, %mul3A_604 : i32
        %add3A_606 = arith.constant 112 : i32
        %add3A_607 = arith.addi %mul3A_605, %add3A_606 : i32
        %get3A_608 = arith.index_cast %select_n3A_516 : i32 to index
        %get3A_609 = arith.index_cast %add3A_607 : i32 to index
        %get3A_610 = tpu.vector_load %arg5[%get3A_608, %get3A_609] {strides = array<i32>} : memref<50x512xi32, #tpu.memory_space<vmem>>, vector<16xi32>,
        %shift_right_logical3A_611 = arith.constant 1 : i32
        %shift_right_logical3A_612 = vector.broadcast %shift_right_logical3A_611 : i32 to vector<16xi32>
        %shift_right_logical3A_613 = arith.shrui %get3A_610, %shift_right_logical3A_612 : vector<16xi32>
        %swap3A_614 = arith.constant 112 : index
        %swap3A_615 = tpu.vector_load %arg7[%swap3A_614] {strides = array<i32>} : memref<128xi32, #tpu.memory_space<vmem>>, vector<16xi32>,
        tpu.vector_store %arg7[%swap3A_614], %shift_right_logical3A_613 {strides = array<i32>} : memref<128xi32, #tpu.memory_space<vmem>>, vector<16xi32>,
        %dma_start3A_616 = arith.constant 0 : i32
        %dma_start3A_617 = arith.constant 0 : i32
        %dma_start3A_618 = tpu.memref_slice %arg3[%dma_start3A_616, %dma_start3A_617] : memref<500000x128xf32, #tpu.memory_space<hbm>> -> memref<500000x128xf32, #tpu.memory_space<hbm>>
        tpu.enqueue_indirect_dma source(%dma_start3A_618 : memref<500000x128xf32, #tpu.memory_space<hbm>>) target(%arg9 : memref<128x128xf32, #tpu.memory_space<vmem>>) offsets(%arg7 : memref<128xi32, #tpu.memory_space<vmem>>) semaphore(%arg12 : memref<!tpu.dma_semaphore, #tpu.memory_space<semaphore_mem>>)
      } else {
      }
    }
    %scan3A_247 = arith.constant 100 : i32
    %add3A_248 = arith.constant 256 : i32
    %add3A_249 = arith.addi %mul3A_2, %add3A_248 : i32
    %dma_wait3A = arith.constant 49 : i32
    %dma_wait3A_250 = tpu.memref_bitcast %arg4 : memref<50x64x16384xbf16, #tpu.memory_space<hbm>> -> memref<50x32x16384xi32, #tpu.memory_space<hbm>>
    %dma_wait3A_251 = arith.constant 0 : i32
    %dma_wait3A_252 = tpu.memref_slice %dma_wait3A_250[%dma_wait3A, %dma_wait3A_251, %add3A_249] : memref<50x32x16384xi32, #tpu.memory_space<hbm>> -> memref<1x32x128xi32, #tpu.memory_space<hbm>>
    %dma_wait3A_253 = tpu.memref_squeeze %dma_wait3A_252 : memref<1x32x128xi32, #tpu.memory_space<hbm>> -> memref<32x128xi32, #tpu.memory_space<hbm>>
    %dma_wait3A_254 = tpu.memref_bitcast %arg4 : memref<50x64x16384xbf16, #tpu.memory_space<hbm>> -> memref<50x32x16384xi32, #tpu.memory_space<hbm>>
    %dma_wait3A_255 = arith.constant 0 : i32
    %dma_wait3A_256 = tpu.memref_slice %dma_wait3A_254[%dma_wait3A, %dma_wait3A_255, %add3A_249] : memref<50x32x16384xi32, #tpu.memory_space<hbm>> -> memref<1x32x128xi32, #tpu.memory_space<hbm>>
    %dma_wait3A_257 = tpu.memref_squeeze %dma_wait3A_256 : memref<1x32x128xi32, #tpu.memory_space<hbm>> -> memref<32x128xi32, #tpu.memory_space<hbm>>
    tpu.wait_dma2 semaphore(%arg13 : memref<!tpu.dma_semaphore, #tpu.memory_space<semaphore_mem>>) src(%arg10 : memref<32x128xi32, #tpu.memory_space<vmem>>) dst(%dma_wait3A_257 : memref<32x128xi32, #tpu.memory_space<hbm>>)
    %add3A_258 = arith.constant 384 : i32
    %add3A_259 = arith.addi %mul3A_2, %add3A_258 : i32
    %dma_wait3A_260 = arith.constant 49 : i32
    %dma_wait3A_261 = tpu.memref_bitcast %arg4 : memref<50x64x16384xbf16, #tpu.memory_space<hbm>> -> memref<50x32x16384xi32, #tpu.memory_space<hbm>>
    %dma_wait3A_262 = arith.constant 0 : i32
    %dma_wait3A_263 = tpu.memref_slice %dma_wait3A_261[%dma_wait3A_260, %dma_wait3A_262, %add3A_259] : memref<50x32x16384xi32, #tpu.memory_space<hbm>> -> memref<1x32x128xi32, #tpu.memory_space<hbm>>
    %dma_wait3A_264 = tpu.memref_squeeze %dma_wait3A_263 : memref<1x32x128xi32, #tpu.memory_space<hbm>> -> memref<32x128xi32, #tpu.memory_space<hbm>>
    %dma_wait3A_265 = tpu.memref_bitcast %arg4 : memref<50x64x16384xbf16, #tpu.memory_space<hbm>> -> memref<50x32x16384xi32, #tpu.memory_space<hbm>>
    %dma_wait3A_266 = arith.constant 0 : i32
    %dma_wait3A_267 = tpu.memref_slice %dma_wait3A_265[%dma_wait3A_260, %dma_wait3A_266, %add3A_259] : memref<50x32x16384xi32, #tpu.memory_space<hbm>> -> memref<1x32x128xi32, #tpu.memory_space<hbm>>
    %dma_wait3A_268 = tpu.memref_squeeze %dma_wait3A_267 : memref<1x32x128xi32, #tpu.memory_space<hbm>> -> memref<32x128xi32, #tpu.memory_space<hbm>>
    tpu.wait_dma2 semaphore(%arg13 : memref<!tpu.dma_semaphore, #tpu.memory_space<semaphore_mem>>) src(%arg11 : memref<32x128xi32, #tpu.memory_space<vmem>>) dst(%dma_wait3A_268 : memref<32x128xi32, #tpu.memory_space<hbm>>)
    return
  }
}

</mosaic_0001>

<sc_bundles>
// kernel: kernel.3.cloned.1.call-start
scs
__scs_entry_jumppad:
0x0: {  	(pc) =	sbr.rel $0x88, $3  }
0x1: {  	(tag) =	ssettag $0x0;
	lr =	simm.s32 $0x1  }
0x2: {  	[smem:$0x3F9F] =	sst lr;
	_ =	strace $0xD0000000  }
0x3: {  	_ = 	snop  }
0x4: {  	_ = 	snop  }
0x5: {  	_ = 	snop  }
0x6: {  	_ = 	snop  }
0x7: {  	_ = 	snop  }
__scs_overlays_trampoline_lowered:
0x8: {  	[smem:$0x3FAE] =	sst s0  }
0x9: {  	[smem:$0x3FAF] =	sst s1  }
0xa: {  	[smem:$0x3FB0] =	sst s2  }
0xb: {  	[smem:$0x3FB1] =	sst s3  }
0xc: {  	[smem:$0x3FB2] =	sst s4  }
0xd: {  	[smem:$0x3FB3] =	sst s5  }
0xe: {  	[smem:$0x3FB4] =	sst s6  }
0xf: {  	[smem:$0x3FB5] =	sst s7  }
0x10: {  	[smem:$0x3FB6] =	sst s8  }
0x11: {  	[smem:$0x3FB7] =	sst s9;
	s0 =	simm.s32 @!p0 $0x0  }
0x12: {  	s1 =	sld [smem:$0x3F9D];
	s0 =	simm.s32 @p0 $0x1  }
0x13: {  	[smem:$0x3FB8] =	sst s0;
	s0 =	simm.s32 @!p1 $0x0  }
0x14: {  	s2 =	sld [smem:$0x3F9C];
	s0 =	simm.s32 @p1 $0x1  }
0x15: {  	[smem:$0x3FB9] =	sst s0;
	s0 =	simm.s32 @!p2 $0x0  }
0x16: {  	s3 =	sld [smem:$0x3FDB];
	s0 =	simm.s32 @p2 $0x1  }
0x17: {  	s4 =	simm.s32 $0x1BF5;
	[smem:$0x3FBB] =	sst s0  }
0x18: {  	s0 =	sld [smem:$0x3F9E];
	_ =	swait.ge [sflag:s4], $0x0  }
0x19: {  	s7 =	sld [smem:$0x3F9F]  }
0x1a: {  	s8 =	sadd.s32 $0xFFFFE003, lr  }
0x1b: {  	s9 =	sadd.s32 $0xFFFFFEF7, lr;
	s5 =	simm.s32 $0xFFFFFFFF;
	p2 =	slt.u32 s8, $0xFFFFF086  }
0x1c: {  	p1 =	slt.u32 s9, $0xF7A;
	s5 =	simm.s32 @!p2 $0x0  }
0x1d: {  	s5 =	simm.s32 @p1 $0x1;
	p0 =	seq.s32 s7, s2  }
0x1e: {  	s7 =	smul.u32 @!p0 $0xF7A, s2;
	p2 =	seq.s32 @!p0 s5, $0x0  }
0x1f: {  	s9 =	smul.u32 $0xF7A, s1;
	s8 =	simm.s32 @!p0 $0x1BF5;
	p2 =	por !p2, p0  }
0x20: {  	[sflag:s8] =	ssyncset.s32 @!p0 $0xFFFFF086;
	s6 =	sadd.s32 @!p0 s3, s7;
	s7 =	simm.s32 @!p0 $0x108  }
0x21: {  	s3 =	sadd.s32 s3, s9;
	s6 =	sadd.s32 @!p0 $0x88, s6;
	s7 =	simm.s32 @p2 $0x1082  }
0x22: {  	[simem:s7], [sflag:s8] =	dma.local @!p0 [hbm:s6], $0xF7A  }
0x23: {  	s9 =	sor.u32 $0xD0000000, s2;
	s6 =	simm.s32 $0x108;
	_ =	swait.ge @!p0 [sflag:s8], $0x0  }
0x24: {  	s3 =	sadd.s32 $0x88, s3;
	s6 =	simm.s32 @!p1 $0x1082;
	[sflag:s4] =	ssyncset.s32 $0xFFFFF086  }
0x25: {  	[simem:s6], [sflag:s4] =	dma.local [hbm:s3], $0xF7A  }
0x26: {  	[smem:$0x3F9F] =	sst s1;
	(tag) =	ssettag s2;
	_ =	strace s9  }
0x27: {  	s1 =	sld [smem:$0x3FAF]  }
0x28: {  	s2 =	sld [smem:$0x3FB0]  }
0x29: {  	s4 =	sld [smem:$0x3FB2]  }
0x2a: {  	p0 =	seq.s32 s5, $0x0;
	s5 =	sld [smem:$0x3FB3]  }
0x2b: {  	s6 =	sld [smem:$0x3FB4]  }
0x2c: {  	s7 =	sld [smem:$0x3FB5]  }
0x2d: {  	s3 =	simm.s32 $0x108;
	s8 =	sld [smem:$0x3FB6]  }
0x2e: {  	s3 =	simm.s32 @!p0 $0x1082;
	s9 =	sld [smem:$0x3FB7]  }
0x2f: {  	lr =	sadd.s32 s0, s3;
	s0 =	sld [smem:$0x3FAE]  }
0x30: {  	s3 =	sld [smem:$0x3FB1]  }
0x31: {  	[smem:$0x3FBA] =	sst s10  }
0x32: {  	s10 =	sld [smem:$0x3FB8];
	_ =	sdelay $0x3  }
0x33: {  	p0 =	seq.s32 s10, $0x1;
	s10 =	sld [smem:$0x3FBA];
	_ =	sdelay $0x3  }
0x34: {  	[smem:$0x3FBA] =	sst s10  }
0x35: {  	s10 =	sld [smem:$0x3FB9];
	_ =	sdelay $0x3  }
0x36: {  	p1 =	seq.s32 s10, $0x1;
	s10 =	sld [smem:$0x3FBA];
	_ =	sdelay $0x3  }
0x37: {  	[smem:$0x3FBA] =	sst s10  }
0x38: {  	s10 =	sld [smem:$0x3FBB]  }
0x39: {  	_ = 	snop;
	(pc) =	sbr.ind lr, $3  }
0x3a: {  	_ = 	snop  }
0x3b: {  	_ = 	snop  }
0x3c: {  	p2 =	seq.s32 s10, $0x1;
	s10 =	sld [smem:$0x3FBA]  }
0x3d: {  	_ =	shalt  }
0x3e: {  	_ =	shalt  }
0x3f: {  	_ =	shalt  }
0x40: {  	_ =	shalt  }
0x41: {  	_ =	shalt  }
0x42: {  	_ =	shalt  }
0x43: {  	_ =	shalt  }
0x44: {  	_ =	shalt  }
0x45: {  	_ =	shalt  }
0x46: {  	_ =	shalt  }
0x47: {  	_ =	shalt  }
0x48: {  	_ =	shalt  }
0x49: {  	_ =	shalt  }
0x4a: {  	_ =	shalt  }
0x4b: {  	_ =	shalt  }
0x4c: {  	_ =	shalt  }
0x4d: {  	_ =	shalt  }
0x4e: {  	_ =	shalt  }
0x4f: {  	_ =	shalt  }
0x50: {  	_ =	shalt  }
0x51: {  	_ =	shalt  }
0x52: {  	_ =	shalt  }
0x53: {  	_ =	shalt  }
0x54: {  	_ =	shalt  }
0x55: {  	_ =	shalt  }
0x56: {  	_ =	shalt  }
0x57: {  	_ =	shalt  }
0x58: {  	_ =	shalt  }
0x59: {  	_ =	shalt  }
0x5a: {  	_ =	shalt  }
0x5b: {  	_ =	shalt  }
0x5c: {  	_ =	shalt  }
0x5d: {  	_ =	shalt  }
0x5e: {  	_ =	shalt  }
0x5f: {  	_ =	shalt  }
0x60: {  	_ =	shalt  }
0x61: {  	_ =	shalt  }
0x62: {  	_ =	shalt  }
0x63: {  	_ =	shalt  }
0x64: {  	_ =	shalt  }
0x65: {  	_ =	shalt  }
0x66: {  	_ =	shalt  }
0x67: {  	_ =	shalt  }
0x68: {  	_ =	shalt  }
0x69: {  	_ =	shalt  }
0x6a: {  	_ =	shalt  }
0x6b: {  	_ =	shalt  }
0x6c: {  	_ =	shalt  }
0x6d: {  	_ =	shalt  }
0x6e: {  	_ =	shalt  }
0x6f: {  	_ =	shalt  }
0x70: {  	_ =	shalt  }
0x71: {  	_ =	shalt  }
0x72: {  	_ =	shalt  }
0x73: {  	_ =	shalt  }
0x74: {  	_ =	shalt  }
0x75: {  	_ =	shalt  }
0x76: {  	_ =	shalt  }
0x77: {  	_ =	shalt  }
0x78: {  	_ =	shalt  }
0x79: {  	_ =	shalt  }
0x7a: {  	_ =	shalt  }
0x7b: {  	_ =	shalt  }
0x7c: {  	_ =	shalt  }
0x7d: {  	_ =	shalt  }
0x7e: {  	_ =	shalt  }
0x7f: {  	_ =	shalt  }
0x80: {  	_ =	shalt  }
0x81: {  	_ =	shalt  }
0x82: {  	_ =	shalt  }
0x83: {  	_ =	shalt  }
0x84: {  	_ =	shalt  }
0x85: {  	_ =	shalt  }
0x86: {  	_ =	shalt  }
0x87: {  	_ =	shalt  }
.Lfunc_end0:
.L_simem_size_0:
called_computation_lowered:
.L_overlay_start_0:
0x88: {  	s2 =	sld [smem:$0x3FD9]  }
0x89: {  	s3 =	sld [smem:$0x3FFE];
	_ =	sdelay $0x1  }
0x8a: {  	s1 =	srdreg.scid  }
0x8b: {  	s0 =	sand.u32 $0x1, s1  }
0x8c: {  	s17 =	sshll.u32 s0, $0xA;
	s2 =	sadd.s32 s3, s2  }
0x8d: {  	s2 =	sadd.s32 s2, s17  }
0x8e: {  	[smem:$0x3FC6] =	sst s2  }
0x8f: {  	_ = 	snop  }
0x90: {  	s2 =	sld [smem:$0x3FC9]  }
0x91: {  	s18 =	sld [smem:$0x3FD0];
	(tm) =	ssettm $0x1  }
0x92: {  	s4 =	sld [smem:$0x3FFB];
	_ =	sdelay $0x3  }
0x93: {  	_ =	strace s4  }
0x94: {  	s4 =	sld [smem:$0x3FFC];
	_ =	sdelay $0x3  }
0x95: {  	_ =	strace s4  }
0x96: {  	s4 =	sld [smem:$0x3FFD];
	_ =	sdelay $0x3  }
0x97: {  	_ =	strace s4  }
0x98: {  	_ =	strace $0x8FFFFFFF  }
0x99: {  	s19 =	sld [smem:$0x3FDB];
	_ =	sdelay $0x1  }
0x9a: {  	s5 =	simm.s32 $_scs_section_size  }
0x9b: {  	s6 =	simm.s32 $_size__tile_overlayer_lowered;
	s7 =	simm.s32 $_tile_overlayer_lowered  }
0x9c: {  	s22 =	simm.s32 $0x1BFF;
	s21 =	sshll.u32 s7, $0x1;
	s4 =	sadd.s32 s5, s19  }
0x9d: {  	s8 =	simm.s32 $0x0;
	s20 =	sshll.u32 s6, $0x1;
	s6 =	sadd.s32 s21, s4  }
0x9e: {  	[timem:s8], [sflag:s22] =	dma.local [hbm:s6], s20  }
0x9f: {  	_ =	swait.ge [sflag:s22], s20  }
0xa0: {  	s5 =	ssub.s32 $0x0, s20;
	[sflag:s22] =	ssyncset.done $0x0  }
0xa1: {  	[sflag:s22] =	ssyncadd.s32 s5;
	_ =	sdelay $0x1  }
0xa2: {  	s23 =	simm.s32 $0x1B8B  }
0xa3: {  	_ =	swait.ge [sflag:s23], $0x1  }
0xa4: {  	[sflag:s23] =	ssyncset.done $0x0  }
0xa5: {  	s25 =	simm.s32 $0x1B8E;
	s24 =	sld [smem:$0x3FFE];
	[sflag:s23] =	ssyncadd.s32 $0xFFFFFFFF  }
0xa6: {  	s26 =	simm.s32 $execute0_lowered;
	[smem:$0x3FD2] =	sst s25  }
0xa7: {  	s6 =	sshll.u32 s26, $0x1;
	_ =	strace $0x80000046;
	[dreg:$0x1] =	wrdreg $0xFFFFFFFF  }
0xa8: {  	s28 =	simm.s32 $_size_execute0_lowered;
	s4 =	sadd.s32 s4, s6;
	[dreg:$0x0] =	wrdreg $0x0  }
0xa9: {  	s6 =	sshll.u32 s28, $0x1;
	[dreg:$0x2] =	wrdreg s4  }
0xaa: {  	[dreg:$0x3] =	wrdreg s6  }
0xab: {  	[dreg:$0x4] =	wrdreg $0xC0  }
0xac: {  	_ =	task [dreg:s8], $0x5FFFF  }
0xad: {  	[dreg:$0x1] =	wrdreg $0xFFFFFFFF  }
0xae: {  	[dreg:$0x0] =	wrdreg $0x60  }
0xaf: {  	[dreg:$0x2] =	wrdreg s2  }
0xb0: {  	[dreg:$0x3] =	wrdreg s24  }
0xb1: {  	[dreg:$0x4] =	wrdreg s18  }
0xb2: {  	[dreg:$0x5] =	wrdreg $0x9  }
0xb3: {  	_ =	task.clear_ibuf [dreg:s8], $0x6FFFF;
	_ =	strace $0x90000046  }
0xb4: {  	s29 =	simm.s32 $0x9;
	_ =	strace $0x80000048  }
0xb5: {  	_ =	swait.ge [sflag:s29], $0x1  }
0xb6: {  	[sflag:s29] =	ssyncadd.s32 $0xFFFFFFFF  }
0xb7: {  	_ =	strace $0x90000048  }
0xb8: {  	_ =	sfence  }
0xb9: {  	s30 =	sld [smem:$0x0];
	_ =	sdelay $0x2  }
0xba: {  	s31 =	sshll.u32 s1, $0xD;
	s1 =	sshrl.u32 s1, $0x2  }
0xbb: {  	s3 =	sand.u32 $0x4000, s31;
	s1 =	sadd.s32 s1, s30  }
0xbc: {  	s0 =	sor.u32 s3, s0;
	s1 =	sshll.u32 s1, $0x11  }
0xbd: {  	s0 =	sor.u32 s1, s0  }
0xbe: {  	s0 =	sadd.s32 $0x8F2B, s0  }
0xbf: {  	[sflag:s0] =	ssyncadd.remote.s32 $0x1  }
0xc0: {  	_ =	sfence.sel $0xFFFF  }
0xc1: {  	[dreg:$0x0] =	wrdreg $0xFFFFFFFF;
	(pc) =	sbr.abs _section_cstart, $3  }
0xc2: {  	[dreg:$0x1] =	wrdreg $0xFFFFFFFF  }
0xc3: {  	_ =	task.clear_ibuf [dreg:s8], $0x2FFFF;
	_ =	strace $0x9FFFFFFF  }
0xc4: {  	(tm) =	ssettm $0x7FFFFFFF  }
0xc5: {  	_ =	shalt  }
tec
execute0_lowered:
.L_overlay_start_1:
0x0: {  	(tag) =	ssettag $0x1  }
0x1: {  	v0 =	vimm.s32 $0xECA8642;
	vm1 =	vcmask $0x1B00  }
0x2: {  	v47 =	vimm.s32 $0x10161412;
	v48 =	vimm.s32 $0xFDB9753;
	vm2 =	vcmask $0x2B1C  }
0x3: {  	v2 =	vimm.s32 $0x181E1C1A;
	vm0 =	vcmask $0x3B2C;
	vm9 =	vcmask $0x300  }
0x4: {  	v49 =	vimm.s32 $0xF;
	vm12 =	vcmask $0x704;
	vm11 =	vcmask $0xB08  }
0x5: {  	v54 =	vimm.s32 $0x11171513;
	vm10 =	vcmask $0xF0C;
	vm8 =	vcmask $0x1310  }
0x6: {  	vm7 =	vcmask $0x1714;
	vm6 =	vcmask $0x1B18;
	v57 =	vimm.s32 $0x191F1D1B  }
0x7: {  	vm5 =	vcmask $0x1F1C;
	v58 =	vimm.s32 $0xECA864;
	vm3 =	vcmask $0x2320  }
0x8: {  	v4 =	vimm.s32 $0xFDB975;
	vm4 =	vcmask $0x2724;
	v33 =	vimm.s32 $0x80F  }
0x9: {  	v36 =	vimm.s32 $0x12101614;
	v37 =	vimm.s32 $0x1A181E1C;
	v5 =	vimm.s32 $0x13111715  }
0xa: {  	v6 =	vimm.s32 $0xECA86;
	v9 =	vimm.s32 $0x15131117;
	v10 =	vimm.s32 $0x1C1A181E  }
0xb: {  	v13 =	vimm.s32 $0x1E1C1A18;
	v14 =	vimm.s32 $0x16141210;
	v15 =	vimm.s32 $0x1F1D1B19  }
0xc: {  	v16 =	vimm.s32 $0x402001E;
	v17 =	vimm.s32 $0x15131100;
	v18 =	vimm.s32 $0x7531FDB9  }
0xd: {  	v25 =	vimm.s32 $0xD8F;
	v26 =	vimm.s32 $0x60F;
	v27 =	vimm.s32 $0xE0F  }
0xe: {  	v28 =	vimm.s32 $0x68F;
	v29 =	vimm.s32 $0xE8F;
	v30 =	vimm.s32 $0x70F  }
0xf: {  	v31 =	vimm.s32 $0xF0F;
	v0 =	vunpack.c.l.s4.s8 v0;
	v3 =	vunpack.c.0.s8.s32 v47  }
0x10: {  	v2 =	vunpack.c.0.s8.s32 v2;
	v50 =	vsel vm9, $0x80, v49;
	v55 =	vunpack.c.0.s8.s32 v54  }
0x11: {  	v4 =	vunpack.c.l.s4.s8 v4;
	v35 =	vsel vm9, $0x880, v33;
	v7 =	vunpack.c.0.s8.s32 v36  }
0x12: {  	v8 =	vunpack.c.0.s8.s32 v5;
	v5 =	vunpack.c.l.s4.s8 v6;
	v6 =	vimm.s32 $0xFDB97  }
0x13: {  	v9 =	vunpack.c.0.s8.s32 v9;
	v10 =	vunpack.c.0.s8.s32 v10;
	v19 =	vunpack.c.0.s8.s32 v13  }
0x14: {  	v20 =	vunpack.c.0.s8.s32 v14;
	v21 =	vunpack.c.0.s8.s32 v15;
	v13 =	vimm.s32 $0x17151311  }
0x15: {  	v14 =	vimm.s32 $0x14121000;
	v15 =	vimm.s32 $0x6420ECA8;
	v17 =	vunpack.c.0.s8.s32 v17  }
0x16: {  	v18 =	vunpack.c.l.s4.s8 v18;
	v23 =	vunpack.c.0.s8.s32 v16;
	v25 =	vsel vm9, $0xE00, v25  }
0x17: {  	v26 =	vsel vm9, $0x680, v26;
	v27 =	vsel vm9, $0xE80, v27;
	v28 =	vsel vm9, $0x700, v28  }
0x18: {  	v29 =	vsel vm9, $0xF00, v29;
	v30 =	vsel vm9, $0x780, v30;
	v31 =	vsel vm9, $0xF80, v31  }
0x19: {  	v54 =	vimm.s32 $0x302E2C2A;
	v52 =	vsel vm12, $0x101, v50;
	v6 =	vunpack.c.l.s4.s8 v6  }
0x1a: {  	v14 =	vunpack.c.0.s8.s32 v14;
	v15 =	vunpack.c.l.s4.s8 v15;
	v22 =	vunpack.c.0.s8.s32 v13  }
0x1b: {  	v13 =	vimm.s32 $0xCA86000E;
	v25 =	vsel vm12, $0xE81, v25;
	v26 =	vsel vm12, $0x701, v26  }
0x1c: {  	v27 =	vsel vm12, $0xF01, v27;
	v28 =	vsel vm12, $0x781, v28;
	v29 =	vsel vm12, $0xF81, v29  }
0x1d: {  	v30 =	vsel vm12, $0x1, v30;
	v31 =	vsel vm12, $0x801, v31;
	v50 =	vimm.s32 $0x38363432  }
0x1e: {  	v0 =	vunpack.c.0.s8.s32 v0;
	v4 =	vunpack.c.0.s8.s32 v4;
	v5 =	vunpack.c.0.s8.s32 v5  }
0x1f: {  	v13 =	vunpack.c.l.s4.s8 v13;
	v25 =	vsel vm11, $0xF02, v25;
	v26 =	vsel vm11, $0x782, v26  }
0x20: {  	v27 =	vsel vm11, $0xF82, v27;
	v28 =	vsel vm11, $0x2, v28;
	v29 =	vsel vm11, $0x802, v29  }
0x21: {  	v30 =	vsel vm11, $0x82, v30;
	v31 =	vsel vm11, $0x882, v31;
	v6 =	vunpack.c.0.s8.s32 v6  }
0x22: {  	v15 =	vunpack.c.0.s8.s32 v15;
	v25 =	vsel vm10, $0xF83, v25;
	v26 =	vsel vm10, $0x3, v26  }
0x23: {  	v27 =	vsel vm10, $0x803, v27;
	v28 =	vsel vm10, $0x83, v28;
	v29 =	vsel vm10, $0x883, v29  }
0x24: {  	v30 =	vsel vm10, $0x103, v30;
	v31 =	vsel vm10, $0x903, v31;
	v1 =	vand.u32 $0xF, v0  }
0x25: {  	v0 =	vunpack.c.l.s4.s8 v48;
	v4 =	vand.u32 $0xF, v4;
	v5 =	vand.u32 $0xF, v5  }
0x26: {  	v13 =	vunpack.c.0.s8.s32 v13;
	v25 =	vsel vm8, $0x804, v25;
	v26 =	vsel vm8, $0x84, v26  }
0x27: {  	v27 =	vsel vm8, $0x884, v27;
	v28 =	vsel vm8, $0x104, v28;
	v29 =	vsel vm8, $0x904, v29  }
0x28: {  	v30 =	vsel vm8, $0x184, v30;
	v31 =	vsel vm8, $0x984, v31;
	[tilespmem:$0x1F840] =	vst v1;
	v1 =	vnsel vm1, $0x0, v1  }
0x29: {  	v6 =	vand.u32 $0xF, v6;
	v25 =	vsel vm7, $0x885, v25;
	v26 =	vsel vm7, $0x105, v26  }
0x2a: {  	v27 =	vsel vm7, $0x905, v27;
	v28 =	vsel vm7, $0x185, v28;
	v29 =	vsel vm7, $0x985, v29  }
0x2b: {  	v30 =	vsel vm7, $0x205, v30;
	v31 =	vsel vm7, $0xA05, v31;
	v1 =	vsel vm2, v3, v1  }
0x2c: {  	[tilespmem:$0x1F850] =	vst v3;
	v0 =	vunpack.c.0.s8.s32 v0;
	v3 =	vunpack.c.l.s4.s8 v58;
	v25 =	vsel vm6, $0x906, v25  }
0x2d: {  	v26 =	vsel vm6, $0x186, v26;
	v27 =	vsel vm6, $0x986, v27;
	v28 =	vsel vm6, $0x206, v28  }
0x2e: {  	v29 =	vsel vm6, $0xA06, v29;
	v30 =	vsel vm6, $0x286, v30;
	v31 =	vsel vm6, $0xA86, v31  }
0x2f: {  	v53 =	vsel vm0, v2, v1;
	v2 =	vunpack.c.0.s8.s32 v57;
	v25 =	vsel vm5, $0x987, v25  }
0x30: {  	v26 =	vsel vm5, $0x207, v26;
	v27 =	vsel vm5, $0xA07, v27;
	v28 =	vsel vm5, $0x287, v28  }
0x31: {  	v29 =	vsel vm5, $0xA87, v29;
	v30 =	vsel vm5, $0x307, v30;
	v31 =	vsel vm5, $0xB07, v31  }
0x32: {  	v51 =	vand.u32 $0xF, v0;
	v0 =	vsel vm11, $0x182, v52;
	v32 =	vunpack.c.0.s8.s32 v3  }
0x33: {  	v3 =	vsel vm12, $0x901, v35;
	v25 =	vsel vm3, $0xA08, v25;
	v26 =	vsel vm3, $0x288, v26  }
0x34: {  	v27 =	vsel vm3, $0xA88, v27;
	v28 =	vsel vm3, $0x308, v28;
	v29 =	vsel vm3, $0xB08, v29  }
0x35: {  	v30 =	vsel vm3, $0x388, v30;
	v31 =	vsel vm3, $0xB88, v31;
	v52 =	vimm.s32 $0x28262422  }
0x36: {  	v0 =	vsel vm10, $0x203, v0;
	v56 =	vnsel vm1, $0x1, v51;
	vm1 =	vcmask $0x1F10  }
0x37: {  	[tilespmem:$0x1F860] =	vst v51;
	v3 =	vsel vm11, $0x982, v3;
	v51 =	vimm.s32 $0x203E3C3A;
	v48 =	vunpack.c.0.s8.s32 v52  }
0x38: {  	v0 =	vsel vm8, $0x284, v0;
	v1 =	vsel vm2, v55, v56;
	vm2 =	vcmask $0x1700  }
0x39: {  	v3 =	vsel vm10, $0xA03, v3;
	v47 =	vunpack.c.0.s8.s32 v51;
	v56 =	vimm.s32 $0x39373533  }
0x3a: {  	[tilespmem:$0x1F890] =	vst v4;
	v0 =	vsel vm7, $0x305, v0;
	v34 =	vsel vm0, v2, v1;
	v4 =	vnsel vm2, $0x3, v4  }
0x3b: {  	v1 =	vunpack.c.0.s8.s32 v37;
	v3 =	vsel vm8, $0xA84, v3;
	v0 =	vsel vm6, $0x386, v0  }
0x3c: {  	v45 =	vunpack.c.0.s8.s32 v56;
	v3 =	vsel vm7, $0xB05, v3;
	v0 =	vsel vm5, $0x407, v0  }
0x3d: {  	v37 =	vimm.s32 $0x3A383634;
	v3 =	vsel vm6, $0xB86, v3;
	v0 =	vsel vm3, $0x488, v0  }
0x3e: {  	v3 =	vsel vm5, $0xC07, v3;
	v59 =	vsel vm4, $0x509, v0;
	v0 =	vand.u32 $0xF, v32  }
0x3f: {  	v3 =	vsel vm3, $0xC88, v3;
	[tilespmem:$0x1F880] =	vst v0;
	v0 =	vnsel vm2, $0x2, v0;
	vm2 =	vcmask $0x2718  }
0x40: {  	[tilespmem:$0x1F8B0] =	vst v8;
	v32 =	vlaneseq.u32;
	v4 =	vsel vm2, v8, v4;
	v8 =	vimm.s32 $0x14121016  }
0x41: {  	v35 =	vmul.u32 $0x80, v32;
	v62 =	vmul.u32 $0x2, v32;
	v8 =	vunpack.c.0.s8.s32 v8  }
0x42: {  	v58 =	vmul.u32 $0x81, v32;
	v0 =	vsel vm2, v7, v0;
	vm2 =	vcmask $0x2314  }
0x43: {  	[tilespmem:$0x1F870] =	vst v55;
	v12 =	vsel vm2, v9, v6;
	v11 =	vsel vm2, v8, v5;
	vm2 =	vcmask $0x1F14  }
0x44: {  	[tilespmem:$0x1F8A0] =	vst v7;
	v55 =	vsel vm4, $0xD09, v3;
	v7 =	vimm.s32 $0x1B191F1D;
	v5 =	vsel vm2, v14, v5  }
0x45: {  	v14 =	vimm.s32 $0xDB97000F;
	[tilespmem:$0x1F8C0] =	vst v5;
	v5 =	vsel vm2, v17, v6;
	v6 =	vunpack.c.0.s8.s32 v18  }
0x46: {  	v7 =	vunpack.c.0.s8.s32 v7;
	vm2 =	vcmask $0x2F10;
	v14 =	vunpack.c.l.s4.s8 v14  }
0x47: {  	[tilespmem:$0x1F8D0] =	vst v5;
	v5 =	vand.u32 $0xF, v15;
	v15 =	vimm.s32 $0x503011F;
	v6 =	vand.u32 $0xF, v6  }
0x48: {  	v5 =	vsel vm2, v5, v19;
	v6 =	vsel vm2, v6, v21;
	vm2 =	vcmask $0x3F30  }
0x49: {  	v14 =	vunpack.c.0.s8.s32 v14;
	v24 =	vunpack.c.0.s8.s32 v15;
	v5 =	vsel vm2, v20, v5  }
0x4a: {  	v15 =	vimm.s32 $0x19171513;
	[tilespmem:$0x1F8E0] =	vst v5;
	v5 =	vsel vm2, v22, v6;
	vm2 =	vcmask $0x2310  }
0x4b: {  	v6 =	vand.u32 $0xF, v14;
	[tilespmem:$0x1F8F0] =	vst v5;
	v5 =	vand.u32 $0xF, v13;
	v13 =	vimm.s32 $0x1D1B191F  }
0x4c: {  	v6 =	vsel vm2, v6, v24;
	v5 =	vsel vm2, v5, v23;
	vm2 =	vcmask $0x3324  }
0x4d: {  	v14 =	vimm.s32 $0x4020000;
	v13 =	vunpack.c.0.s8.s32 v13;
	v10 =	vsel vm2, v10, v11  }
0x4e: {  	v11 =	vunpack.c.0.s8.s32 v14;
	v14 =	vimm.s32 $0x5030100;
	v5 =	vsel vm2, v8, v5  }
0x4f: {  	v8 =	vimm.s32 $0x1C1A1800;
	v6 =	vsel vm2, v9, v6;
	v9 =	vimm.s32 $0x1D1B1900  }
0x50: {  	v12 =	vsel vm2, v13, v12;
	v13 =	vunpack.c.0.s8.s32 v14;
	vm2 =	vcmask $0x3F34  }
0x51: {  	v8 =	vunpack.c.0.s8.s32 v8;
	v9 =	vunpack.c.0.s8.s32 v9;
	v10 =	vsel vm2, v11, v10  }
0x52: {  	v14 =	vimm.s32 $0x110F0D0B;
	v11 =	vimm.s32 $0x90F;
	[tilespmem:$0x1FD80] =	vst v10;
	v10 =	vsel vm2, v13, v12  }
0x53: {  	v5 =	vsel vm2, v8, v5;
	v8 =	vimm.s32 $0xE0C0A08;
	v11 =	vsel vm9, $0x980, v11  }
0x54: {  	v12 =	vimm.s32 $0x18161412;
	v13 =	vimm.s32 $0x9070503;
	[tilespmem:$0x1F900] =	vst v5;
	v5 =	vsel vm2, v9, v6  }
0x55: {  	vm2 =	vcmask $0x3728;
	v6 =	vimm.s32 $0x6040200;
	v9 =	vimm.s32 $0x7050301  }
0x56: {  	[tilespmem:$0x1FDD0] =	vst v10;
	v10 =	vimm.s32 $0xF0D0B09;
	v8 =	vunpack.c.0.s8.s32 v8;
	v17 =	vunpack.c.0.s8.s32 v12  }
0x57: {  	v12 =	vunpack.c.0.s8.s32 v13;
	v13 =	vimm.s32 $0x11F1D1B;
	v11 =	vsel vm12, $0xA01, v11  }
0x58: {  	v0 =	vsel vm2, v1, v0;
	v38 =	vsel vm2, v7, v4;
	v4 =	vimm.s32 $0x8F  }
0x59: {  	[tilespmem:$0x1F910] =	vst v5;
	v5 =	vimm.s32 $0x88F;
	v7 =	vimm.s32 $0x10F;
	v6 =	vunpack.c.0.s8.s32 v6  }
0x5a: {  	v9 =	vunpack.c.0.s8.s32 v9;
	v10 =	vunpack.c.0.s8.s32 v10;
	v18 =	vunpack.c.0.s8.s32 v13  }
0x5b: {  	v13 =	vunpack.c.0.s8.s32 v14;
	v14 =	vunpack.c.0.s8.s32 v15;
	v15 =	vimm.s32 $0xB090705  }
0x5c: {  	v11 =	vsel vm11, $0xA82, v11;
	v4 =	vsel vm9, $0x100, v4;
	v5 =	vsel vm9, $0x900, v5  }
0x5d: {  	v7 =	vsel vm9, $0x180, v7;
	v8 =	vsel vm1, v20, v8;
	v11 =	vsel vm10, $0xB03, v11  }
0x5e: {  	[tilespmem:$0x1F940] =	vst v21;
	v6 =	vsel vm1, v6, v19;
	v9 =	vsel vm1, v9, v21;
	v10 =	vsel vm1, v22, v10  }
0x5f: {  	v12 =	vsel vm1, v12, v18;
	[tilespmem:$0x1F990] =	vst v14;
	v13 =	vsel vm1, v14, v13;
	v14 =	vimm.s32 $0x1A181614  }
0x60: {  	[tilespmem:$0x1F950] =	vst v22;
	v21 =	vimm.s32 $0xC8F;
	v22 =	vimm.s32 $0x50F;
	v4 =	vsel vm12, $0x181, v4  }
0x61: {  	v5 =	vsel vm12, $0x981, v5;
	v7 =	vsel vm12, $0x201, v7;
	v11 =	vsel vm8, $0xB84, v11  }
0x62: {  	v43 =	vcombine.low v8, v6;
	v6 =	vcombine.low v10, v9;
	v8 =	vimm.s32 $0x8060402  }
0x63: {  	[tilespmem:$0x1F920] =	vst v19;
	v9 =	vimm.s32 $0x1E1C1A;
	v10 =	vimm.s32 $0x98F;
	v19 =	vunpack.c.0.s8.s32 v14  }
0x64: {  	v14 =	vunpack.c.0.s8.s32 v15;
	v15 =	vimm.s32 $0x3011F1D;
	v21 =	vsel vm9, $0xD00, v21  }
0x65: {  	v22 =	vsel vm9, $0x580, v22;
	v4 =	vsel vm11, $0x202, v4;
	v5 =	vsel vm11, $0xA02, v5  }
0x66: {  	v7 =	vsel vm11, $0x282, v7;
	v11 =	vsel vm7, $0xC05, v11;
	v8 =	vunpack.c.0.s8.s32 v8  }
0x67: {  	v16 =	vunpack.c.0.s8.s32 v9;
	v9 =	vimm.s32 $0x100E0C0A;
	v10 =	vsel vm9, $0xA00, v10  }
0x68: {  	[tilespmem:$0x1F930] =	vst v20;
	v20 =	vunpack.c.0.s8.s32 v15;
	v21 =	vsel vm12, $0xD81, v21;
	v22 =	vsel vm12, $0x601, v22  }
0x69: {  	v4 =	vsel vm10, $0x283, v4;
	v5 =	vsel vm10, $0xA83, v5;
	v7 =	vsel vm10, $0x303, v7  }
0x6a: {  	v11 =	vsel vm6, $0xC86, v11;
	[tilespmem:$0x1FB40] =	vst v6;
	v6 =	vimm.s32 $0x18F;
	v9 =	vunpack.c.0.s8.s32 v9  }
0x6b: {  	v10 =	vsel vm12, $0xA81, v10;
	v21 =	vsel vm11, $0xE02, v21;
	v22 =	vsel vm11, $0x682, v22  }
0x6c: {  	v4 =	vsel vm8, $0x304, v4;
	v5 =	vsel vm8, $0xB04, v5;
	v7 =	vsel vm8, $0x384, v7  }
0x6d: {  	v11 =	vsel vm5, $0xD07, v11;
	v6 =	vsel vm9, $0x200, v6;
	v8 =	vsel vm1, v8, v16  }
0x6e: {  	[tilespmem:$0x1F960] =	vst v16;
	v16 =	vimm.s32 $0x13110F0D;
	v10 =	vsel vm11, $0xB02, v10;
	v21 =	vsel vm10, $0xE83, v21  }
0x6f: {  	v22 =	vsel vm10, $0x703, v22;
	v4 =	vsel vm7, $0x385, v4;
	v5 =	vsel vm7, $0xB85, v5  }
0x70: {  	v7 =	vsel vm7, $0x405, v7;
	v11 =	vsel vm3, $0xD88, v11;
	v9 =	vsel vm1, v17, v9  }
0x71: {  	[tilespmem:$0x1F970] =	vst v17;
	v17 =	vimm.s32 $0x1B191715;
	v15 =	vunpack.c.0.s8.s32 v16;
	v6 =	vsel vm12, $0x281, v6  }
0x72: {  	v10 =	vsel vm10, $0xB83, v10;
	v21 =	vsel vm8, $0xF04, v21;
	v22 =	vsel vm8, $0x784, v22  }
0x73: {  	v4 =	vsel vm6, $0x406, v4;
	v5 =	vsel vm6, $0xC06, v5;
	v7 =	vsel vm6, $0x486, v7  }
0x74: {  	v42 =	vsel vm4, $0xE09, v11;
	v8 =	vcombine.low v9, v8;
	v9 =	vimm.s32 $0xA080604  }
0x75: {  	v16 =	vunpack.c.0.s8.s32 v17;
	v17 =	vimm.s32 $0x1513110F;
	v6 =	vsel vm11, $0x302, v6  }
0x76: {  	v10 =	vsel vm8, $0xC04, v10;
	v21 =	vsel vm7, $0xF85, v21;
	v22 =	vsel vm7, $0x5, v22  }
0x77: {  	v4 =	vsel vm5, $0x487, v4;
	v5 =	vsel vm5, $0xC87, v5;
	v7 =	vsel vm5, $0x507, v7  }
0x78: {  	v9 =	vunpack.c.0.s8.s32 v9;
	v17 =	vunpack.c.0.s8.s32 v17;
	v6 =	vsel vm10, $0x383, v6  }
0x79: {  	v10 =	vsel vm7, $0xC85, v10;
	v21 =	vsel vm6, $0x806, v21;
	v22 =	vsel vm6, $0x86, v22  }
0x7a: {  	v4 =	vsel vm3, $0x508, v4;
	v5 =	vsel vm3, $0xD08, v5;
	v7 =	vsel vm3, $0x588, v7  }
0x7b: {  	[tilespmem:$0x1FB30] =	vst v8;
	v8 =	vcombine.low v13, v12;
	v12 =	vimm.s32 $0x2001E1C;
	v13 =	vimm.s32 $0xA0F  }
0x7c: {  	v6 =	vsel vm8, $0x404, v6;
	v10 =	vsel vm6, $0xD06, v10;
	v21 =	vsel vm5, $0x887, v21  }
0x7d: {  	v22 =	vsel vm5, $0x107, v22;
	v60 =	vsel vm4, $0x589, v4;
	v4 =	vimm.s32 $0x312F2D2B  }
0x7e: {  	[tilespmem:$0x1F980] =	vst v18;
	v39 =	vsel vm4, $0xD89, v5;
	v40 =	vsel vm4, $0x609, v7;
	v18 =	vunpack.c.0.s8.s32 v12  }
0x7f: {  	v12 =	vimm.s32 $0x12100E0C;
	v13 =	vsel vm9, $0xA80, v13;
	v6 =	vsel vm7, $0x485, v6  }
0x80: {  	v10 =	vsel vm5, $0xD87, v10;
	v21 =	vsel vm3, $0x908, v21;
	v22 =	vsel vm3, $0x188, v22  }
0x81: {  	v52 =	vunpack.c.0.s8.s32 v4;
	[tilespmem:$0x1FB70] =	vst v8;
	v8 =	vimm.s32 $0x20F;
	v12 =	vunpack.c.0.s8.s32 v12  }
0x82: {  	v13 =	vsel vm12, $0xB01, v13;
	v6 =	vsel vm6, $0x506, v6;
	v10 =	vsel vm3, $0xE08, v10  }
0x83: {  	v8 =	vsel vm9, $0x280, v8;
	[tilespmem:$0x1F9A0] =	vst v18;
	v9 =	vsel vm1, v9, v18;
	v18 =	vimm.s32 $0x1D1B1917  }
0x84: {  	v13 =	vsel vm11, $0xB82, v13;
	v6 =	vsel vm5, $0x587, v6;
	v4 =	vsel vm4, $0xE89, v10  }
0x85: {  	v12 =	vsel vm1, v19, v12;
	v18 =	vunpack.c.0.s8.s32 v18;
	v8 =	vsel vm12, $0x301, v8  }
0x86: {  	v13 =	vsel vm10, $0xC03, v13;
	v6 =	vsel vm3, $0x608, v6;
	v9 =	vcombine.low v12, v9  }
0x87: {  	[tilespmem:$0x1F9D0] =	vst v16;
	v12 =	vsel vm1, v16, v15;
	v15 =	vimm.s32 $0x1412100E;
	v16 =	vimm.s32 $0x1C1A1816  }
0x88: {  	v8 =	vsel vm11, $0x382, v8;
	v13 =	vsel vm8, $0xC84, v13;
	v46 =	vsel vm4, $0x689, v6  }
0x89: {  	[tilespmem:$0x1F9B0] =	vst v19;
	v15 =	vunpack.c.0.s8.s32 v15;
	v19 =	vunpack.c.0.s8.s32 v16;
	v16 =	vimm.s32 $0xD0B0907  }
0x8a: {  	[tilespmem:$0x1FA10] =	vst v18;
	v17 =	vsel vm1, v18, v17;
	v18 =	vimm.s32 $0x40F;
	v8 =	vsel vm10, $0x403, v8  }
0x8b: {  	v13 =	vsel vm7, $0xD05, v13;
	[tilespmem:$0x1FB90] =	vst v9;
	v9 =	vsel vm1, v14, v20;
	v14 =	vimm.s32 $0xC0A0806  }
0x8c: {  	[tilespmem:$0x1F9C0] =	vst v20;
	v16 =	vunpack.c.0.s8.s32 v16;
	v18 =	vsel vm9, $0x480, v18;
	v20 =	vimm.s32 $0x48F  }
0x8d: {  	v8 =	vsel vm8, $0x484, v8;
	v13 =	vsel vm6, $0xD86, v13;
	v61 =	vcombine.low v12, v9  }
0x8e: {  	v9 =	vimm.s32 $0x28F;
	v12 =	vimm.s32 $0xA8F;
	v14 =	vunpack.c.0.s8.s32 v14  }
0x8f: {  	[tilespmem:$0x1F9F0] =	vst v19;
	v15 =	vsel vm1, v19, v15;
	v19 =	vimm.s32 $0xC0F;
	v20 =	vsel vm9, $0x500, v20  }
0x90: {  	v18 =	vsel vm12, $0x501, v18;
	v8 =	vsel vm7, $0x505, v8;
	v13 =	vsel vm5, $0xE07, v13  }
0x91: {  	v9 =	vsel vm9, $0x300, v9;
	v12 =	vsel vm9, $0xB00, v12;
	v16 =	vsel vm1, v16, v24  }
0x92: {  	[tilespmem:$0x1FA00] =	vst v24;
	v19 =	vsel vm9, $0xC80, v19;
	v24 =	vimm.s32 $0x58F;
	v20 =	vsel vm12, $0x581, v20  }
0x93: {  	v18 =	vsel vm11, $0x582, v18;
	v8 =	vsel vm6, $0x586, v8;
	v13 =	vsel vm3, $0xE88, v13  }
0x94: {  	v14 =	vsel vm1, v14, v23;
	v41 =	vcombine.low v17, v16;
	v16 =	vimm.s32 $0x38F  }
0x95: {  	[tilespmem:$0x1F9E0] =	vst v23;
	v17 =	vimm.s32 $0xB8F;
	v23 =	vimm.s32 $0xD0F;
	v24 =	vsel vm9, $0x600, v24  }
0x96: {  	v9 =	vsel vm12, $0x381, v9;
	v12 =	vsel vm12, $0xB81, v12;
	v19 =	vsel vm12, $0xD01, v19  }
0x97: {  	v20 =	vsel vm11, $0x602, v20;
	v18 =	vsel vm10, $0x603, v18;
	v8 =	vsel vm5, $0x607, v8  }
0x98: {  	v6 =	vsel vm4, $0xF09, v13;
	v14 =	vcombine.low v15, v14;
	v15 =	vimm.s32 $0xB0F  }
0x99: {  	v16 =	vsel vm9, $0x400, v16;
	v17 =	vsel vm9, $0xC00, v17;
	v23 =	vsel vm9, $0xD80, v23  }
0x9a: {  	v24 =	vsel vm12, $0x681, v24;
	v9 =	vsel vm11, $0x402, v9;
	v12 =	vsel vm11, $0xC02, v12  }
0x9b: {  	v19 =	vsel vm11, $0xD82, v19;
	v20 =	vsel vm10, $0x683, v20;
	v18 =	vsel vm8, $0x684, v18  }
0x9c: {  	v8 =	vsel vm3, $0x688, v8;
	v15 =	vsel vm9, $0xB80, v15;
	v16 =	vsel vm12, $0x481, v16  }
0x9d: {  	v17 =	vsel vm12, $0xC81, v17;
	v23 =	vsel vm12, $0xE01, v23;
	v24 =	vsel vm11, $0x702, v24  }
0x9e: {  	v9 =	vsel vm10, $0x483, v9;
	v12 =	vsel vm10, $0xC83, v12;
	v19 =	vsel vm10, $0xE03, v19  }
0x9f: {  	v20 =	vsel vm8, $0x704, v20;
	v18 =	vsel vm7, $0x705, v18;
	v32 =	vmovc v41;
	v41 =	vunpack.c.0.s8.s32 v54  }
0xa0: {  	v5 =	vsel vm4, $0x709, v8;
	v54 =	vimm.s32 $0x3C3A3836;
	[tilespmem:$0x1FC90] =	vst v14;
	v14 =	vimm.s32 $0x30F  }
0xa1: {  	v15 =	vsel vm12, $0xC01, v15;
	v16 =	vsel vm11, $0x502, v16;
	v17 =	vsel vm11, $0xD02, v17  }
0xa2: {  	v23 =	vsel vm11, $0xE82, v23;
	v24 =	vsel vm10, $0x783, v24;
	v9 =	vsel vm8, $0x504, v9  }
0xa3: {  	v12 =	vsel vm8, $0xD04, v12;
	v19 =	vsel vm8, $0xE84, v19;
	v20 =	vsel vm7, $0x785, v20  }
0xa4: {  	v18 =	vsel vm6, $0x786, v18;
	v14 =	vsel vm9, $0x380, v14;
	vm9 =	vcmask $0x2B28  }
0xa5: {  	v15 =	vsel vm11, $0xC82, v15;
	v16 =	vsel vm10, $0x583, v16;
	v17 =	vsel vm10, $0xD83, v17  }
0xa6: {  	v23 =	vsel vm10, $0xF03, v23;
	v24 =	vsel vm8, $0x4, v24;
	v9 =	vsel vm7, $0x585, v9  }
0xa7: {  	v12 =	vsel vm7, $0xD85, v12;
	v19 =	vsel vm7, $0xF05, v19;
	v20 =	vsel vm6, $0x6, v20  }
0xa8: {  	v18 =	vsel vm5, $0x7, v18;
	v14 =	vsel vm12, $0x401, v14;
	v2 =	vsel vm9, $0x58A, v59  }
0xa9: {  	v15 =	vsel vm10, $0xD03, v15;
	v16 =	vsel vm8, $0x604, v16;
	v17 =	vsel vm8, $0xE04, v17  }
0xaa: {  	v23 =	vsel vm8, $0xF84, v23;
	v24 =	vsel vm7, $0x85, v24;
	v9 =	vsel vm6, $0x606, v9  }
0xab: {  	v12 =	vsel vm6, $0xE06, v12;
	v19 =	vsel vm6, $0xF86, v19;
	v20 =	vsel vm5, $0x87, v20  }
0xac: {  	v18 =	vsel vm3, $0x88, v18;
	v59 =	vimm.s32 $0x29272523;
	v3 =	vsel vm9, $0x60A, v60  }
0xad: {  	v1 =	vsel vm9, $0x68A, v40;
	v4 =	vsel vm9, $0xF0A, v4;
	v5 =	vsel vm9, $0x78A, v5  }
0xae: {  	v14 =	vsel vm11, $0x482, v14;
	vm11 =	vcmask $0x2F2C;
	v15 =	vsel vm8, $0xD84, v15  }
0xaf: {  	v16 =	vsel vm7, $0x685, v16;
	v17 =	vsel vm7, $0xE85, v17;
	v23 =	vsel vm7, $0x805, v23  }
0xb0: {  	v24 =	vsel vm6, $0x106, v24;
	v9 =	vsel vm5, $0x687, v9;
	v12 =	vsel vm5, $0xE87, v12  }
0xb1: {  	v19 =	vsel vm5, $0x807, v19;
	v20 =	vsel vm3, $0x108, v20;
	v51 =	vunpack.c.0.s8.s32 v59  }
0xb2: {  	v59 =	vunpack.c.0.s8.s32 v37;
	v13 =	vsel vm4, $0x109, v18;
	v14 =	vsel vm10, $0x503, v14  }
0xb3: {  	v2 =	vsel vm11, $0x60B, v2;
	v15 =	vsel vm7, $0xE05, v15;
	v16 =	vsel vm6, $0x706, v16  }
0xb4: {  	v17 =	vsel vm6, $0xF06, v17;
	v23 =	vsel vm6, $0x886, v23;
	v24 =	vsel vm5, $0x187, v24  }
0xb5: {  	v9 =	vsel vm3, $0x708, v9;
	v12 =	vsel vm3, $0xF08, v12;
	v19 =	vsel vm3, $0x888, v19  }
0xb6: {  	v63 =	vsel vm11, $0x68B, v3;
	v1 =	vsel vm11, $0x70B, v1;
	v3 =	vsel vm9, $0x70A, v46  }
0xb7: {  	v4 =	vsel vm11, $0xF8B, v4;
	v5 =	vsel vm11, $0xB, v5;
	v13 =	vsel vm9, $0x18A, v13  }
0xb8: {  	v18 =	vsel vm4, $0x189, v20;
	v20 =	vsel vm4, $0xA89, v25;
	v25 =	vsel vm4, $0x409, v30  }
0xb9: {  	v14 =	vsel vm8, $0x584, v14;
	vm8 =	vcmask $0x3330;
	v15 =	vsel vm6, $0xE86, v15  }
0xba: {  	v16 =	vsel vm5, $0x787, v16;
	v17 =	vsel vm5, $0xF87, v17;
	v23 =	vsel vm5, $0x907, v23  }
0xbb: {  	v24 =	vsel vm3, $0x208, v24;
	v3 =	vsel vm11, $0x78B, v3;
	v7 =	vsel vm4, $0x789, v9  }
0xbc: {  	v8 =	vsel vm4, $0xF89, v12;
	v13 =	vsel vm11, $0x20B, v13;
	v18 =	vsel vm9, $0x20A, v18  }
0xbd: {  	v20 =	vsel vm9, $0xB0A, v20;
	v14 =	vsel vm7, $0x605, v14;
	v2 =	vsel vm8, $0x68C, v2  }
0xbe: {  	v15 =	vsel vm5, $0xF07, v15;
	v16 =	vsel vm3, $0x8, v16;
	v17 =	vsel vm3, $0x808, v17  }
0xbf: {  	v23 =	vsel vm3, $0x988, v23;
	v36 =	vsel vm8, $0x70C, v63;
	v7 =	vsel vm9, $0xA, v7  }
0xc0: {  	v8 =	vsel vm9, $0x80A, v8;
	v20 =	vsel vm11, $0xB8B, v20;
	v1 =	vsel vm8, $0x78C, v1  }
0xc1: {  	v3 =	vsel vm8, $0xC, v3;
	v4 =	vsel vm8, $0x80C, v4;
	v5 =	vsel vm8, $0x8C, v5  }
0xc2: {  	v13 =	vsel vm8, $0x28C, v13;
	v14 =	vsel vm6, $0x686, v14;
	vm6 =	vcmask $0x3734  }
0xc3: {  	v33 =	vsel vm3, $0xF88, v15;
	v7 =	vsel vm11, $0x8B, v7;
	v8 =	vsel vm11, $0x88B, v8  }
0xc4: {  	v11 =	vsel vm4, $0x89, v16;
	v12 =	vsel vm4, $0x889, v17;
	v16 =	vsel vm4, $0x989, v21  }
0xc5: {  	v17 =	vsel vm4, $0x209, v22;
	v21 =	vsel vm4, $0x309, v26;
	v22 =	vsel vm4, $0xB09, v27  }
0xc6: {  	v26 =	vsel vm4, $0xC09, v31;
	v27 =	vimm.s32 $0x2A282624;
	v20 =	vsel vm8, $0xC0C, v20  }
0xc7: {  	v14 =	vsel vm5, $0x707, v14;
	v2 =	vsel vm6, $0x70D, v2;
	v10 =	vsel vm4, $0x809, v33  }
0xc8: {  	v12 =	vsel vm9, $0x90A, v12;
	v16 =	vsel vm9, $0xA0A, v16;
	v17 =	vsel vm9, $0x28A, v17  }
0xc9: {  	v21 =	vsel vm9, $0x38A, v21;
	v22 =	vsel vm9, $0xB8A, v22;
	v26 =	vsel vm9, $0xC8A, v26  }
0xca: {  	v46 =	vunpack.c.0.s8.s32 v27;
	v1 =	vsel vm6, $0xD, v1;
	v3 =	vsel vm6, $0x8D, v3  }
0xcb: {  	v27 =	vsel vm6, $0x88D, v4;
	v30 =	vsel vm6, $0x10D, v5;
	v7 =	vsel vm8, $0x10C, v7  }
0xcc: {  	v8 =	vsel vm8, $0x90C, v8;
	v13 =	vsel vm6, $0x30D, v13;
	v37 =	vsel vm6, $0xC8D, v20  }
0xcd: {  	v5 =	vunpack.c.0.s8.s32 v54;
	v54 =	vimm.s32 $0x3432302E;
	v14 =	vsel vm3, $0x788, v14  }
0xce: {  	vm3 =	vcmask $0x3B38;
	v26 =	vsel vm11, $0xD0B, v26;
	v54 =	vunpack.c.0.s8.s32 v54  }
0xcf: {  	v15 =	vsel vm3, $0x78E, v2;
	v2 =	vunpack.c.0.s8.s32 v50;
	v49 =	vsel vm3, $0x1, v38  }
0xd0: {  	v38 =	vimm.s32 $0x22203E3C;
	v50 =	vsel vm11, $0x28B, v18;
	v18 =	vsel vm4, $0xA09, v23  }
0xd1: {  	v23 =	vsel vm4, $0x389, v28;
	v28 =	vimm.s32 $0x32302E2C;
	v26 =	vsel vm8, $0xD8C, v26  }
0xd2: {  	v60 =	vunpack.c.0.s8.s32 v38;
	v4 =	vsel vm8, $0x30C, v50;
	v38 =	vsel vm6, $0xE0D, v26  }
0xd3: {  	v26 =	vimm.s32 $0x23213F3D;
	[tilespmem:$0x1FCA0] =	vst v2;
	v2 =	vsel vm9, $0xD8A, v55;
	v55 =	vsel vm3, $0x0, v0  }
0xd4: {  	v0 =	vsel vm6, $0x78D, v36;
	v50 =	vsel vm6, $0x38D, v4;
	v33 =	vunpack.c.0.s8.s32 v26  }
0xd5: {  	v26 =	vimm.s32 $0x2422203E;
	v2 =	vsel vm11, $0xE0B, v2;
	v56 =	vsel vm3, $0xE, v0  }
0xd6: {  	v0 =	vsel vm9, $0xE0A, v39;
	v39 =	vunpack.c.0.s8.s32 v28;
	v28 =	vimm.s32 $0x2B292725  }
0xd7: {  	v4 =	vunpack.c.0.s8.s32 v26;
	v26 =	vimm.s32 $0x3D3B3937;
	v2 =	vsel vm8, $0xE8C, v2  }
0xd8: {  	[tilespmem:$0x1FA30] =	vst v54;
	v0 =	vsel vm11, $0xE8B, v0;
	v54 =	vunpack.c.0.s8.s32 v26;
	v2 =	vsel vm6, $0xF0D, v2  }
0xd9: {  	v0 =	vsel vm8, $0xF0C, v0;
	v44 =	vsel vm3, $0xF8E, v2;
	v2 =	vsel vm9, $0xE8A, v42  }
0xda: {  	v0 =	vsel vm6, $0xF8D, v0;
	v42 =	vunpack.c.0.s8.s32 v28;
	[tilespmem:$0x1FA40] =	vst v54;
	v54 =	vimm.s32 $0x2D2B2927  }
0xdb: {  	v28 =	vmovc v35;
	v35 =	vsel vm3, $0x80E, v0;
	v0 =	vimm.s32 $0x2C2A2826;
	v54 =	vunpack.c.0.s8.s32 v54  }
0xdc: {  	v12 =	vsel vm11, $0x98B, v12;
	v16 =	vsel vm11, $0xA8B, v16;
	v0 =	vunpack.c.0.s8.s32 v0  }
0xdd: {  	v17 =	vsel vm11, $0x30B, v17;
	v21 =	vsel vm11, $0x40B, v21;
	v26 =	vimm.s32 $0x3533312F;
	[tilespmem:$0x1FA60] =	vst v54  }
0xde: {  	v22 =	vsel vm11, $0xC0B, v22;
	v54 =	vunpack.c.0.s8.s32 v26;
	[tilespmem:$0x1FA20] =	vst v0;
	v0 =	vimm.s32 $0x2523213F  }
0xdf: {  	v7 =	vsel vm6, $0x18D, v7;
	v8 =	vsel vm6, $0x98D, v8;
	v0 =	vunpack.c.0.s8.s32 v0  }
0xe0: {  	v9 =	vsel vm4, $0x9, v14;
	v14 =	vsel vm4, $0x909, v19;
	[tilespmem:$0x1FA70] =	vst v54;
	v54 =	vimm.s32 $0x3E3C3A38  }
0xe1: {  	v19 =	vsel vm4, $0x289, v24;
	v24 =	vsel vm4, $0xB89, v29;
	[tilespmem:$0x1FA50] =	vst v0;
	v0 =	vunpack.c.0.s8.s32 v54  }
0xe2: {  	v12 =	vsel vm8, $0xA0C, v12;
	v16 =	vsel vm8, $0xB0C, v16;
	v54 =	vimm.s32 $0x2E2C2A28  }
0xe3: {  	v17 =	vsel vm8, $0x38C, v17;
	v54 =	vunpack.c.0.s8.s32 v54;
	[tilespmem:$0x1FA80] =	vst v0;
	v0 =	vimm.s32 $0x26242220  }
0xe4: {  	v21 =	vsel vm8, $0x48C, v21;
	v22 =	vsel vm8, $0xC8C, v22;
	v0 =	vunpack.c.0.s8.s32 v0  }
0xe5: {  	v63 =	vsel vm3, $0x8E, v1;
	v3 =	vsel vm3, $0x10E, v3;
	[tilespmem:$0x1FAA0] =	vst v54;
	v54 =	vimm.s32 $0x36343230  }
0xe6: {  	v20 =	vsel vm3, $0xA0E, v8;
	v9 =	vsel vm9, $0x8A, v9;
	[tilespmem:$0x1FA90] =	vst v0;
	v0 =	vunpack.c.0.s8.s32 v54  }
0xe7: {  	v14 =	vsel vm9, $0x98A, v14;
	v18 =	vsel vm9, $0xA8A, v18;
	v54 =	vimm.s32 $0x27252321  }
0xe8: {  	v19 =	vsel vm9, $0x30A, v19;
	v54 =	vunpack.c.0.s8.s32 v54;
	[tilespmem:$0x1FAB0] =	vst v0;
	v0 =	vimm.s32 $0x3F3D3B39  }
0xe9: {  	v23 =	vsel vm9, $0x40A, v23;
	v12 =	vsel vm6, $0xA8D, v12;
	v0 =	vunpack.c.0.s8.s32 v0  }
0xea: {  	v16 =	vsel vm6, $0xB8D, v16;
	v2 =	vsel vm11, $0xF0B, v2;
	[tilespmem:$0x1FAD0] =	vst v54;
	v54 =	vimm.s32 $0x2F2D2B29  }
0xeb: {  	v2 =	vsel vm8, $0xF8C, v2;
	[tilespmem:$0x1FAC0] =	vst v0;
	v0 =	vunpack.c.0.s8.s32 v54;
	v54 =	vimm.s32 $0xFDB97531  }
0xec: {  	v50 =	vsel vm3, $0x40E, v50;
	v2 =	vsel vm6, $0x80D, v2;
	v1 =	vunpack.c.l.s4.s8 v54  }
0xed: {  	v26 =	vsel vm3, $0x88E, v2;
	v54 =	vimm.s32 $0x37353331;
	[tilespmem:$0x1FAE0] =	vst v0;
	v0 =	vimm.s32 $0xECA86420  }
0xee: {  	v2 =	vunpack.c.0.s8.s32 v54;
	v0 =	vunpack.c.l.s4.s8 v0;
	v1 =	vunpack.c.0.s8.s32 v1  }
0xef: {  	v17 =	vsel vm6, $0x40D, v17;
	v21 =	vsel vm6, $0x50D, v21;
	v22 =	vsel vm6, $0xD0D, v22;
	[tilespmem:$0x1FB80] =	vst v50  }
0xf0: {  	v9 =	vsel vm11, $0x10B, v9;
	[tilespmem:$0x1FAF0] =	vst v2;
	v0 =	vunpack.c.0.s8.s32 v0;
	v54 =	vand.u32 $0xF, v1  }
0xf1: {  	v14 =	vsel vm11, $0xA0B, v14;
	v18 =	vsel vm11, $0xB0B, v18;
	[tilespmem:$0x1FB10] =	vst v54;
	v54 =	vsel vm3, $0xB0E, v12  }
0xf2: {  	v19 =	vsel vm11, $0x38B, v19;
	v14 =	vsel vm8, $0xA8C, v14;
	v0 =	vand.u32 $0xF, v0;
	[tilespmem:$0x1FB20] =	vst v54  }
0xf3: {  	v9 =	vsel vm8, $0x18C, v9;
	v14 =	vsel vm6, $0xB0D, v14;
	v54 =	vsel vm3, $0x38E, v13;
	[tilespmem:$0x1FB00] =	vst v0  }
0xf4: {  	v18 =	vsel vm8, $0xB8C, v18;
	v19 =	vsel vm8, $0x40C, v19;
	[tilespmem:$0x1FB50] =	vst v54;
	v54 =	vsel vm3, $0xB8E, v14  }
0xf5: {  	v31 =	vsel vm6, $0x20D, v9;
	v9 =	vsel vm6, $0xC0D, v18;
	v0 =	vsel vm3, $0xC0E, v16;
	[tilespmem:$0x1FB60] =	vst v54  }
0xf6: {  	v36 =	vsel vm6, $0x48D, v19;
	[tilespmem:$0x1FBA0] =	vst v0;
	v0 =	vsel vm3, $0x48E, v17;
	v17 =	vmovc v62;
	v62 =	vmovc v61;
	v61 =	vimm.s32 $0x97530FDB  }
0xf7: {  	v19 =	vsel vm3, $0x20E, v7;
	[tilespmem:$0x1FBB0] =	vst v0;
	v1 =	vunpack.c.l.s4.s8 v61;
	v61 =	vsel vm3, $0xC8E, v9  }
0xf8: {  	v2 =	vimm.s32 $0xA86400EC;
	v0 =	vimm.s32 $0x86420ECA;
	v9 =	vsel vm3, $0x50E, v36;
	[tilespmem:$0x1FBC0] =	vst v61  }
0xf9: {  	v0 =	vunpack.c.l.s4.s8 v0;
	[tilespmem:$0x1FBD0] =	vst v9;
	v9 =	vsel vm3, $0xD0E, v37;
	v1 =	vunpack.c.0.s8.s32 v1  }
0xfa: {  	v2 =	vunpack.c.l.s4.s8 v2;
	v61 =	vimm.s32 $0xB97500FD;
	v37 =	vsel vm3, $0x58E, v21;
	[tilespmem:$0x1FBE0] =	vst v9  }
0xfb: {  	v7 =	vmovc v3;
	v3 =	vunpack.c.l.s4.s8 v61;
	[tilespmem:$0x1FC10] =	vst v37;
	v0 =	vunpack.c.0.s8.s32 v0;
	v61 =	vand.u32 $0xF, v1  }
0xfc: {  	v24 =	vsel vm9, $0xC0A, v24;
	v2 =	vunpack.c.0.s8.s32 v2;
	v9 =	vmovc v44;
	v44 =	vsel vm3, $0xD8E, v22;
	[tilespmem:$0x1FC00] =	vst v61  }
0xfd: {  	s0 =	rddreg [dreg:$0x0];
	v8 =	vld [tilespmem:$0x1FB40];
	v23 =	vsel vm11, $0x48B, v23;
	v36 =	vunpack.c.0.s8.s32 v3;
	v0 =	vand.u32 $0xF, v0;
	[tilespmem:$0x1FC20] =	vst v44  }
0xfe: {  	s3 =	rddreg [dreg:$0x1];
	s2 =	simm.s32 $0x0;
	v24 =	vsel vm11, $0xC8B, v24;
	v23 =	vsel vm8, $0x50C, v23;
	v50 =	vld [tilespmem:$0x1FB90];
	v61 =	vand.u32 $0xF, v2;
	[tilespmem:$0x1FBF0] =	vst v0  }
0xff: {  	[smem:$0x7FF] =	sst s2;
	v24 =	vsel vm8, $0xD0C, v24;
	v23 =	vsel vm6, $0x58D, v23;
	v13 =	vld [tilespmem:$0x1FB30];
	[tilespmem:$0x1FC30] =	vst v61;
	v0 =	vand.u32 $0xF, v36  }
0x100: {  	s1 =	rddreg [dreg:$0x2];
	v24 =	vsel vm6, $0xD8D, v24;
	v54 =	vld [tilespmem:$0x1FB70];
	v36 =	vsel vm3, $0x60E, v23;
	_ =	strace $0x80000047;
	[tilespmem:$0x1FC40] =	vst v0  }
0x101: {  	v37 =	vsel vm3, $0xE0E, v24;
	[tilespmem:$0x1FC50] =	vst v36  }
0x102: {  	v61 =	vsel vm3, $0xE8E, v38;
	[tilespmem:$0x1FC60] =	vst v37  }
0x103: {  	[tilespmem:$0x1FC80] =	vst v61  }
0x104: {  	[tilespmem:$0x1FCB0] =	vst v47  }
0x105: {  	v57 =	vimm.s32 $0x213F3D3B;
	[tilespmem:$0x1FCC0] =	vst v48  }
0x106: {  	v57 =	vunpack.c.0.s8.s32 v57;
	[tilespmem:$0x1FCD0] =	vst v41  }
0x107: {  	[tilespmem:$0x1FCE0] =	vst v45  }
0x108: {  	[tilespmem:$0x1FCF0] =	vst v57  }
0x109: {  	[tilespmem:$0x1FD00] =	vst v51  }
0x10a: {  	[tilespmem:$0x1FD10] =	vst v52  }
0x10b: {  	[tilespmem:$0x1FD60] =	vst v59  }
0x10c: {  	v29 =	vimm.s32 $0x3B393735;
	[tilespmem:$0x1FD70] =	vst v60  }
0x10d: {  	v40 =	vunpack.c.0.s8.s32 v29;
	[tilespmem:$0x1FD90] =	vst v46  }
0x10e: {  	[tilespmem:$0x1FDA0] =	vst v39  }
0x10f: {  	v29 =	vimm.s32 $0x33312F2D;
	[tilespmem:$0x1FDB0] =	vst v40  }
0x110: {  	v29 =	vunpack.c.0.s8.s32 v29;
	[tilespmem:$0x1FDC0] =	vst v33  }
0x111: {  	[tilespmem:$0x1FDE0] =	vst v42  }
0x112: {  	v38 =	vmov v56;
	v56 =	vsel vm1, v39, v46;
	[tilespmem:$0x1FDF0] =	vst v29  }
0x113: {  	[tilespmem:$0x1FE10] =	vst v56  }
0x114: {  	[tilespmem:$0x1FE40] =	vst v5  }
0x115: {  	[tilespmem:$0x1FE50] =	vst v4  }
0x116: {  	v22 =	vor.u32 $0x1, v17;
	[tilespmem:$0x1FE70] =	vst v15  }
0x117: {  	v24 =	vor.u32 $0x20, v17;
	[tilespmem:$0x1FE80] =	vst v22  }
0x118: {  	[tilespmem:$0x1FE90] =	vst v24  }
0x119: {  	v6 =	vsel vm9, $0xF8A, v6;
	[tilespmem:$0x1FEE0] =	vst v63  }
0x11a: {  	v6 =	vsel vm11, $0x80B, v6;
	[tilespmem:$0x1FEF0] =	vst v55  }
0x11b: {  	v6 =	vsel vm8, $0x88C, v6;
	v30 =	vsel vm3, $0x18E, v30;
	[tilespmem:$0x1FF00] =	vst v49  }
0x11c: {  	v6 =	vsel vm6, $0x90D, v6;
	v14 =	vmov v30;
	[tilespmem:$0x1FF30] =	vst v7  }
0x11d: {  	v18 =	vsel vm3, $0x98E, v6;
	[tilespmem:$0x1FF40] =	vst v14  }
0x11e: {  	v10 =	vsel vm9, $0x88A, v10;
	[tilespmem:$0x1FF50] =	vst v18  }
0x11f: {  	v10 =	vsel vm11, $0x90B, v10;
	v27 =	vsel vm3, $0x90E, v27;
	[tilespmem:$0x1FF60] =	vst v19  }
0x120: {  	v10 =	vsel vm8, $0x98C, v10;
	v31 =	vsel vm3, $0x28E, v31;
	[tilespmem:$0x1FF70] =	vst v27  }
0x121: {  	v11 =	vsel vm9, $0x10A, v11;
	v10 =	vsel vm6, $0xA0D, v10;
	v21 =	vmov v31;
	[tilespmem:$0x1FF80] =	vst v20  }
0x122: {  	v11 =	vsel vm11, $0x18B, v11;
	v10 =	vsel vm3, $0xA8E, v10;
	[tilespmem:$0x1FF90] =	vst v21  }
0x123: {  	v25 =	vsel vm9, $0x48A, v25;
	v11 =	vsel vm8, $0x20C, v11;
	[tilespmem:$0x1FFA0] =	vst v10  }
0x124: {  	v25 =	vsel vm11, $0x50B, v25;
	v11 =	vsel vm6, $0x28D, v11;
	[tilespmem:$0x1FFB0] =	vst v35  }
0x125: {  	v25 =	vsel vm8, $0x58C, v25;
	v11 =	vsel vm3, $0x30E, v11;
	[tilespmem:$0x1FFC0] =	vst v17  }
0x126: {  	v25 =	vsel vm6, $0x60D, v25;
	[tilespmem:$0x1FFE0] =	vst v11  }
0x127: {  	v44 =	vmov v58;
	v58 =	vsel vm3, $0x68E, v25;
	[tilespmem:$0x1FFF0] =	vst v9  }
0x128: {  	v51 =	vsel vm1, v52, v51;
	[tilespmem:$0x1FC70] =	vst v58  }
0x129: {  	v52 =	vsel vm1, v60, v59;
	[tilespmem:$0x1FD50] =	vst v51  }
0x12a: {  	v60 =	vsel vm1, v29, v42;
	v37 =	vld [tilespmem:$0x1FCA0];
	[tilespmem:$0x1FE00] =	vst v52  }
0x12b: {  	v61 =	vsel vm1, v4, v5;
	[tilespmem:$0x1FE30] =	vst v60  }
0x12c: {  	v25 =	vor.u32 $0x21, v17;
	[tilespmem:$0x1FE60] =	vst v61  }
0x12d: {  	[tilespmem:$0x1FEB0] =	vst v25  }
0x12e: {  	s4 =	srdreg.scid;
	v30 =	vor.u32 $0x800, v44;
	[tilespmem:$0x1FFD0] =	vst v44  }
0x12f: {  	s7 =	stileid.u32;
	s9 =	simm.s32 $0x20000;
	s10 =	simm.s32 $0x3;
	[tilespmem:$0x1FF20] =	vst v30;
	v0 =	vsel vm1, v47, v37  }
0x130: {  	s11 =	simm.s32 $0x80;
	s12 =	simm.s32 $0x7000;
	s13 =	simm.s32 $0x7100;
	v47 =	vsel vm1, v41, v48;
	[tilespmem:$0x1FD20] =	vst v0  }
0x131: {  	s14 =	simm.s32 $0x7080;
	s15 =	simm.s32 $0xB100;
	s16 =	simm.s32 $0x1;
	v48 =	vsel vm1, v57, v45;
	[tilespmem:$0x1FD30] =	vst v47  }
0x132: {  	s17 =	simm.s32 $0xF100;
	s18 =	simm.s32 $0x200;
	s19 =	simm.s32 $0x10000;
	v57 =	vsel vm1, v33, v40;
	v37 =	vcombine.low v56, v52;
	[tilespmem:$0x1FD40] =	vst v48  }
.Ltmp0:
0x133: {  	s20 =	simm.s32 $0x10100;
	s4 =	sand.u32 $0x1, s4;
	v31 =	vcombine.low v47, v0;
	[tilespmem:$0x1FE20] =	vst v57;
	(pc) =	sbr.rel .LBB2_1-.Ltmp0, $4  }
0x134: {  	s21 =	simm.s32 $0x2;
	s22 =	simm.s32 $0x0;
	s5 =	ssub.s32 $0x2, s4;
	v36 =	vcombine.low v51, v48;
	[tilespmem:$0x1FF10] =	vst v37  }
0x135: {  	s7 =	sshll.u32 s7, $0xA;
	s8 =	sshll.u32 s4, $0x9;
	s6 =	sshrl.u32 s5, $0x1;
	v58 =	vld [tilespmem:$0x1FC90];
	v40 =	vcombine.low v60, v57;
	[tilespmem:$0x1FEA0] =	vst v31  }
0x136: {  	s4 =	sadd.s32 $0xF42800, s3;
	s31 =	sor.u32 s8, s7;
	s30 =	ssub.s32 s5, s6;
	vm7 =	vcmask $0x2B10;
	vm5 =	vcmask $0x3B20;
	v59 =	vld [tilespmem:$0x1FD80];
	[tilespmem:$0x1FEC0] =	vst v36  }
0x137: {  	s5 =	sadd.s32 s0, s31;
	s6 =	sshrl.u32 s31, $0x7;
	s7 =	smax.u32 s30, $0x1;
	vm4 =	vcmask $0xF00;
	vm8 =	vcmask $0x2710;
	vm6 =	vcmask $0x3720;
	v23 =	vmovc v10;
	v16 =	vld [tilespmem:$0x1FDD0];
	v41 =	vmovc v11;
	[tilespmem:$0x1FED0] =	vst v40  }
.LBB2_8:
0x138: {  	s22 =	sadd.s32 $0x1, s22  }
0x139: {  	_ =	swait.ge [sflag:s21], $0x1000;
	p0 =	sne.s32 s22, s7  }
.Ltmp1:
0x13a: {  	[sflag:s21] =	ssyncset.done $0x0;
	(pc) =	sbr.rel @!p0 .LBB2_9-.Ltmp1, $4  }
0x13b: {  	[sflag:s21] =	ssyncadd.s32 $0xFFFFF000  }
0x13c: {  	v32 =	vmovc v27;
	v55 =	vmov v33;
	v49 =	vmov v35;
	v35 =	vmov v42;
	_ =	swait.ge [sflag:s21], $0x1000  }
0x13d: {  	v63 =	vmovc v5;
	v7 =	vmovc v29;
	v27 =	vmov v14;
	v14 =	vmov v16;
	v59 =	vmov v47;
	[sflag:s21] =	ssyncset.done $0x0  }
0x13e: {  	v16 =	vmovc v48;
	v13 =	vmovc v62;
	v62 =	vmov v43;
	v50 =	vmov v45;
	v43 =	vmov v56;
	[sflag:s21] =	ssyncadd.s32 $0xFFFFF000  }
.LBB2_1:
0x13f: {  	s0 =	simm.s32 $0x1000  }
0x140: {  	[tilespmem:s2], [sflag:$0x3] =	stream.strided.gather [hbm4b:s5+s0], $0x7000, s9, s0, $0x38;
	[tilespmem:$0x11100] =	vst v63  }
0x141: {  	_ =	swait.ge [sflag:s10], $0x7000  }
0x142: {  	[sflag:s10] =	ssyncset.done $0x0  }
0x143: {  	[sflag:s10] =	ssyncadd.s32 $0xFFFF9000  }
0x144: {  	v0 =	vld [tilespmem:$0x0]  }
0x145: {  	v1 =	vld [tilespmem:$0x10]  }
0x146: {  	v2 =	vld [tilespmem:$0x20]  }
0x147: {  	v3 =	vld [tilespmem:$0x30]  }
0x148: {  	v4 =	vld [tilespmem:$0x40]  }
0x149: {  	v5 =	vld [tilespmem:$0x50];
	v0 =	vshrl.u32 v0, $0x1  }
0x14a: {  	v47 =	vld [tilespmem:$0x60];
	v46 =	vshrl.u32 v1, $0x1;
	[tilespmem:$0x7000] =	vst v0  }
0x14b: {  	v51 =	vld [tilespmem:$0x70];
	v48 =	vshrl.u32 v2, $0x1;
	[tilespmem:$0x7010] =	vst v46  }
0x14c: {  	v52 =	vshrl.u32 v3, $0x1;
	[tilespmem:$0x7020] =	vst v48  }
0x14d: {  	v56 =	vshrl.u32 v4, $0x1;
	[tilespmem:$0x7030] =	vst v52  }
0x14e: {  	v57 =	vshrl.u32 v5, $0x1;
	[tilespmem:$0x7040] =	vst v56  }
0x14f: {  	v60 =	vshrl.u32 v47, $0x1;
	[tilespmem:$0x7050] =	vst v57  }
0x150: {  	v61 =	vshrl.u32 v51, $0x1;
	[tilespmem:$0x7060] =	vst v60  }
0x151: {  	[tilespmem:$0x7070] =	vst v61  }
0x152: {  	[tilespmem:s13], [sflag:$0x1] =	stream.indirect.gather [hbm4b:s4+s11], $0x80, s12, s11, $0xb8;
	[tilespmem:$0x11100] =	vst v63  }
0x153: {  	v33 =	vld [tilespmem:$0x400]  }
0x154: {  	v39 =	vld [tilespmem:$0x410]  }
0x155: {  	v42 =	vld [tilespmem:$0x420]  }
0x156: {  	v45 =	vld [tilespmem:$0x430]  }
0x157: {  	v4 =	vld [tilespmem:$0x440]  }
0x158: {  	v5 =	vld [tilespmem:$0x450];
	v0 =	vshrl.u32 v33, $0x1  }
0x159: {  	v47 =	vld [tilespmem:$0x460];
	v46 =	vshrl.u32 v39, $0x1;
	[tilespmem:$0x7080] =	vst v0  }
0x15a: {  	v51 =	vld [tilespmem:$0x470];
	v48 =	vshrl.u32 v42, $0x1;
	[tilespmem:$0x7090] =	vst v46  }
0x15b: {  	v52 =	vshrl.u32 v45, $0x1;
	[tilespmem:$0x70A0] =	vst v48  }
0x15c: {  	v56 =	vshrl.u32 v4, $0x1;
	[tilespmem:$0x70B0] =	vst v52  }
0x15d: {  	v57 =	vshrl.u32 v5, $0x1;
	[tilespmem:$0x70C0] =	vst v56  }
0x15e: {  	v60 =	vshrl.u32 v47, $0x1;
	[tilespmem:$0x70D0] =	vst v57  }
0x15f: {  	v61 =	vshrl.u32 v51, $0x1;
	[tilespmem:$0x70E0] =	vst v60  }
0x160: {  	s23 =	simm.s32 $0x400;
	s24 =	simm.s32 $0x0;
	s25 =	simm.s32 $0x0;
	[tilespmem:$0x70F0] =	vst v61  }
0x161: {  	[tilespmem:s15], [sflag:$0x1] =	stream.indirect.gather [hbm4b:s4+s11], $0x80, s14, s11, $0xb8;
	[tilespmem:$0x11100] =	vst v63  }
.LBB2_2:
0x162: {  	s0 =	sshll.u32 s25, $0xA;
	s3 =	sshll.u32 s25, $0x8;
	_ =	swait.ge [sflag:s16], $0x4000  }
0x163: {  	s26 =	sshll.u32 s25, $0xD;
	p0 =	seq.s32 s25, $0x0;
	s0 =	sand.u32 $0xFFFFC000, s0  }
0x164: {  	s3 =	sand.u32 $0xE00, s3;
	[sflag:s16] =	ssyncset.done $0x0;
	s8 =	simm.s32 @!p0 $0x2  }
0x165: {  	s0 =	sor.u32 s3, s0;
	s3 =	sand.u32 $0xFFFFC000, s26;
	[sflag:s16] =	ssyncadd.s32 $0xFFFFC000  }
0x166: {  	s0 =	ssub.s32 s0, s3;
	_ =	swait.ge @!p0 [sflag:s8], $0x1000  }
0x167: {  	s0 =	sshra.s32 s0, $0x2;
	[sflag:s8] =	ssyncset.done @!p0 $0x0  }
0x168: {  	s29 =	sadd.s32 s0, s24;
	[sflag:s8] =	ssyncadd.s32 @!p0 $0xFFFFF000  }
0x169: {  	v0 =	vld [tilespmem:s29+$0x0];
	_ =	sdelay $0x2  }
0x16a: {  	s8 =	simm.s32 $0x0  }
0x16b: {  	v1 =	vmov s8  }
0x16c: {  	v1 =	vshll.u32 v1, $0x7;
	v0 =	vshll.u32 v0, $0x6  }
0x16d: {  	v1 =	vor.u32 v28, v1;
	v0 =	vand.u32 $0x40, v0  }
0x16e: {  	v51 =	vor.u32 v1, v0  }
0x16f: {  	v0 =	vor.u32 v17, v51  }
0x170: {  	v1 =	vor.u32 v22, v51;
	_ =	sdelay $0x3  }
0x171: {  	v0 =	vld.idx.msk [tilespmem:v0+s13+$0x0], $0xffff  }
0x172: {  	v1 =	vld.idx.msk [tilespmem:v1+s13+$0x0], $0xffff  }
0x173: {  	v2 =	vor.u32 s8, v44  }
0x174: {  	v3 =	vor.u32 v24, v51  }
0x175: {  	v4 =	vor.u32 v25, v51;
	_ =	sdelay $0x1  }
0x176: {  	v0 =	vpack.i.f32.bf16 v1, v0  }
0x177: {  	[tilespmem:v2+s17+$0x0] =	vst.idx.msk $0xffff, v0  }
0x178: {  	v0 =	vld.idx.msk [tilespmem:v3+s13+$0x0], $0xffff  }
0x179: {  	v1 =	vld.idx.msk [tilespmem:v4+s13+$0x0], $0xffff  }
0x17a: {  	v2 =	vor.u32 s8, v30  }
0x17b: {  	v3 =	vor.u32 v53, v51  }
0x17c: {  	v4 =	vor.u32 v34, v51;
	_ =	sdelay $0x1  }
0x17d: {  	v0 =	vpack.i.f32.bf16 v1, v0  }
0x17e: {  	[tilespmem:v2+s17+$0x0] =	vst.idx.msk $0xffff, v0  }
0x17f: {  	v0 =	vld.idx.msk [tilespmem:v3+s13+$0x0], $0xffff  }
0x180: {  	v1 =	vld.idx.msk [tilespmem:v4+s13+$0x0], $0xffff  }
0x181: {  	v2 =	vor.u32 s8, v15  }
0x182: {  	v3 =	vor.u32 v31, v51  }
0x183: {  	v4 =	vor.u32 v36, v51;
	_ =	sdelay $0x1  }
0x184: {  	v0 =	vpack.i.f32.bf16 v1, v0  }
0x185: {  	[tilespmem:v2+s17+$0x0] =	vst.idx.msk $0xffff, v0  }
0x186: {  	v0 =	vld.idx.msk [tilespmem:v3+s13+$0x0], $0xffff  }
0x187: {  	v1 =	vld.idx.msk [tilespmem:v4+s13+$0x0], $0xffff  }
0x188: {  	v2 =	vor.u32 s8, v9  }
0x189: {  	v3 =	vor.u32 v55, v51  }
0x18a: {  	v4 =	vor.u32 v49, v51;
	_ =	sdelay $0x1  }
0x18b: {  	v0 =	vpack.i.f32.bf16 v1, v0  }
0x18c: {  	[tilespmem:v2+s17+$0x0] =	vst.idx.msk $0xffff, v0  }
0x18d: {  	v0 =	vld.idx.msk [tilespmem:v3+s13+$0x0], $0xffff  }
0x18e: {  	v1 =	vld.idx.msk [tilespmem:v4+s13+$0x0], $0xffff  }
0x18f: {  	v2 =	vor.u32 s8, v38  }
0x190: {  	v3 =	vor.u32 v37, v51  }
0x191: {  	v10 =	vld [tilespmem:$0x1FA30];
	v4 =	vor.u32 v40, v51  }
0x192: {  	v11 =	vld [tilespmem:$0x1FA40]  }
0x193: {  	v12 =	vld [tilespmem:$0x1FA50];
	v0 =	vpack.i.f32.bf16 v1, v0  }
0x194: {  	v29 =	vld [tilespmem:$0x1FE60];
	[tilespmem:v2+s17+$0x0] =	vst.idx.msk $0xffff, v0  }
0x195: {  	v0 =	vld.idx.msk [tilespmem:v3+s13+$0x0], $0xffff  }
0x196: {  	v1 =	vld.idx.msk [tilespmem:v4+s13+$0x0], $0xffff  }
0x197: {  	v42 =	vmov v17;
	v17 =	vld [tilespmem:$0x1FA70];
	v2 =	vor.u32 s8, v35  }
0x198: {  	v9 =	vld [tilespmem:$0x1FA20];
	v3 =	vor.u32 v59, v51  }
0x199: {  	v15 =	vld [tilespmem:$0x1FA60];
	v4 =	vor.u32 v16, v51;
	_ =	sdelay $0x1  }
0x19a: {  	v0 =	vpack.i.f32.bf16 v1, v0  }
0x19b: {  	[tilespmem:v2+s17+$0x0] =	vst.idx.msk $0xffff, v0  }
0x19c: {  	v45 =	vsel vm1, v10, v9;
	v0 =	vld.idx.msk [tilespmem:v3+s13+$0x0], $0xffff  }
0x19d: {  	v5 =	vcombine.low v45, v29;
	v1 =	vld.idx.msk [tilespmem:v4+s13+$0x0], $0xffff;
	v3 =	vsel vm1, v12, v11;
	v4 =	vsel vm1, v17, v15  }
0x19e: {  	v2 =	vor.u32 s8, v63;
	v22 =	vcombine.low v4, v3  }
0x19f: {  	v39 =	vld [tilespmem:$0x1FAE0];
	[tilespmem:$0x1F6C0] =	vst v5;
	v5 =	vor.u32 v5, v51  }
0x1a0: {  	v25 =	vld [tilespmem:$0x1FA80];
	v6 =	vor.u32 v22, v51  }
0x1a1: {  	v30 =	vld [tilespmem:$0x1FA90]  }
0x1a2: {  	v31 =	vld [tilespmem:$0x1FAA0];
	v0 =	vpack.i.f32.bf16 v1, v0  }
0x1a3: {  	v36 =	vld [tilespmem:$0x1FAB0];
	[tilespmem:v2+s17+$0x0] =	vst.idx.msk $0xffff, v0  }
0x1a4: {  	v0 =	vld.idx.msk [tilespmem:v5+s13+$0x0], $0xffff  }
0x1a5: {  	v1 =	vld.idx.msk [tilespmem:v6+s13+$0x0], $0xffff  }
0x1a6: {  	v57 =	vmov v38;
	v38 =	vld [tilespmem:$0x1FAD0];
	v2 =	vor.u32 s8, v26  }
0x1a7: {  	v40 =	vld [tilespmem:$0x1FAF0];
	v5 =	vor.u32 v43, v51  }
0x1a8: {  	v37 =	vld [tilespmem:$0x1FAC0];
	v6 =	vor.u32 v8, v51;
	_ =	sdelay $0x1  }
0x1a9: {  	v0 =	vpack.i.f32.bf16 v1, v0  }
0x1aa: {  	[tilespmem:v2+s17+$0x0] =	vst.idx.msk $0xffff, v0  }
0x1ab: {  	v52 =	vsel vm1, v30, v25;
	v55 =	vsel vm1, v36, v31;
	v0 =	vld.idx.msk [tilespmem:v5+s13+$0x0], $0xffff  }
0x1ac: {  	v48 =	vsel vm1, v40, v39;
	v56 =	vsel vm1, v38, v37;
	v1 =	vld.idx.msk [tilespmem:v6+s13+$0x0], $0xffff;
	v5 =	vcombine.low v55, v52  }
0x1ad: {  	v2 =	vor.u32 s8, v7;
	v6 =	vcombine.low v48, v56  }
0x1ae: {  	[tilespmem:$0x1F6E0] =	vst v5;
	v5 =	vor.u32 v5, v51  }
0x1af: {  	[tilespmem:$0x1F6F0] =	vst v6;
	v6 =	vor.u32 v6, v51;
	_ =	sdelay $0x1  }
0x1b0: {  	v0 =	vpack.i.f32.bf16 v1, v0  }
0x1b1: {  	[tilespmem:v2+s17+$0x0] =	vst.idx.msk $0xffff, v0  }
0x1b2: {  	v0 =	vld.idx.msk [tilespmem:v5+s13+$0x0], $0xffff  }
0x1b3: {  	v1 =	vld.idx.msk [tilespmem:v6+s13+$0x0], $0xffff  }
0x1b4: {  	v2 =	vor.u32 s8, v27;
	_ =	sdelay $0x3  }
0x1b5: {  	v0 =	vpack.i.f32.bf16 v1, v0;
	v1 =	vld [tilespmem:$0x1FCB0]  }
0x1b6: {  	[tilespmem:v2+s17+$0x0] =	vst.idx.msk $0xffff, v0;
	v2 =	vld [tilespmem:$0x1FCC0];
	_ =	sdelay $0x4  }
0x1b7: {  	v7 =	vsel vm1, v2, v1;
	v1 =	vld [tilespmem:$0x1FCA0]  }
0x1b8: {  	v2 =	vld [tilespmem:$0x1FCD0];
	_ =	sdelay $0x3  }
0x1b9: {  	v5 =	vor.u32 v13, v51  }
0x1ba: {  	v47 =	vsel vm1, v1, v2;
	v1 =	vld [tilespmem:$0x1FCE0]  }
0x1bb: {  	v2 =	vld [tilespmem:$0x1FD10];
	_ =	sdelay $0x2  }
0x1bc: {  	v0 =	vld.idx.msk [tilespmem:v5+s13+$0x0], $0xffff  }
0x1bd: {  	v5 =	vld [tilespmem:$0x1FD00]  }
0x1be: {  	v6 =	vor.u32 v54, v51;
	v61 =	vsel vm1, v1, v2;
	v2 =	vld [tilespmem:$0x1FCF0];
	_ =	sdelay $0x4  }
0x1bf: {  	v1 =	vld.idx.msk [tilespmem:v6+s13+$0x0], $0xffff;
	v46 =	vsel vm1, v5, v2;
	v2 =	vcombine.low v47, v7  }
0x1c0: {  	[tilespmem:$0x1F820] =	vst v7;
	v5 =	vor.u32 s8, v14;
	v7 =	vcombine.low v61, v46  }
0x1c1: {  	v6 =	vor.u32 v2, v51  }
0x1c2: {  	[tilespmem:$0x1F710] =	vst v7;
	v7 =	vor.u32 v7, v51;
	_ =	sdelay $0x1  }
0x1c3: {  	v0 =	vpack.i.f32.bf16 v1, v0  }
0x1c4: {  	[tilespmem:v5+s17+$0x0] =	vst.idx.msk $0xffff, v0  }
0x1c5: {  	v0 =	vld.idx.msk [tilespmem:v6+s13+$0x0], $0xffff  }
0x1c6: {  	v1 =	vld.idx.msk [tilespmem:v7+s13+$0x0], $0xffff  }
0x1c7: {  	v5 =	vor.u32 s8, v18;
	_ =	sdelay $0x3  }
0x1c8: {  	v0 =	vpack.i.f32.bf16 v1, v0;
	v1 =	vld [tilespmem:$0x1FD70]  }
0x1c9: {  	[tilespmem:v5+s17+$0x0] =	vst.idx.msk $0xffff, v0;
	v5 =	vld [tilespmem:$0x1FD90];
	_ =	sdelay $0x4  }
0x1ca: {  	[tilespmem:$0x1F700] =	vst v2;
	v2 =	vsel vm1, v5, v1;
	v1 =	vld [tilespmem:$0x1FD60]  }
0x1cb: {  	v5 =	vld [tilespmem:$0x1FDA0];
	_ =	sdelay $0x3  }
0x1cc: {  	v6 =	vor.u32 v50, v51  }
0x1cd: {  	v49 =	vsel vm1, v1, v5;
	v1 =	vld [tilespmem:$0x1FDB0]  }
0x1ce: {  	v5 =	vld [tilespmem:$0x1FDF0];
	_ =	sdelay $0x2  }
0x1cf: {  	v0 =	vld.idx.msk [tilespmem:v6+s13+$0x0], $0xffff  }
0x1d0: {  	v6 =	vld [tilespmem:$0x1FDE0]  }
0x1d1: {  	v7 =	vor.u32 v62, v51;
	v50 =	vsel vm1, v1, v5;
	v5 =	vld [tilespmem:$0x1FDC0];
	_ =	sdelay $0x4  }
0x1d2: {  	[tilespmem:$0x1F830] =	vst v2;
	v2 =	vcombine.low v49, v2;
	v1 =	vld.idx.msk [tilespmem:v7+s13+$0x0], $0xffff;
	v60 =	vsel vm1, v6, v5  }
0x1d3: {  	v6 =	vor.u32 s8, v19;
	v5 =	vcombine.low v50, v60  }
0x1d4: {  	v7 =	vor.u32 v2, v51  }
0x1d5: {  	v19 =	vor.u32 v5, v51;
	_ =	sdelay $0x1  }
0x1d6: {  	v0 =	vpack.i.f32.bf16 v1, v0  }
0x1d7: {  	[tilespmem:v6+s17+$0x0] =	vst.idx.msk $0xffff, v0  }
0x1d8: {  	v0 =	vld.idx.msk [tilespmem:v7+s13+$0x0], $0xffff  }
0x1d9: {  	v1 =	vld.idx.msk [tilespmem:v19+s13+$0x0], $0xffff  }
0x1da: {  	v6 =	vor.u32 s8, v20;
	_ =	sdelay $0x3  }
0x1db: {  	v7 =	vor.u32 v58, v51;
	v0 =	vpack.i.f32.bf16 v1, v0  }
0x1dc: {  	[tilespmem:v6+s17+$0x0] =	vst.idx.msk $0xffff, v0;
	v0 =	vld [tilespmem:$0x1FE50]  }
0x1dd: {  	v19 =	vor.u32 v32, v51;
	_ =	sdelay $0x2  }
0x1de: {  	v1 =	vld.idx.msk [tilespmem:v7+s13+$0x0], $0xffff  }
0x1df: {  	v27 =	vsel vm1, v9, v0;
	v0 =	vld [tilespmem:$0x1FE40]  }
0x1e0: {  	v6 =	vld.idx.msk [tilespmem:v19+s13+$0x0], $0xffff;
	_ =	sdelay $0x2  }
0x1e1: {  	v13 =	vmovc v59;
	v59 =	vsel vm1, v15, v12;
	v18 =	vmov v62;
	v62 =	vsel vm1, v11, v17  }
0x1e2: {  	v14 =	vsel vm1, v0, v10;
	v0 =	vcombine.low v62, v59  }
0x1e3: {  	[tilespmem:$0x1F6D0] =	vst v22;
	v1 =	vpack.i.f32.bf16 v6, v1;
	v6 =	vld [tilespmem:$0x1F930]  }
0x1e4: {  	[tilespmem:$0x1F750] =	vst v0;
	v22 =	vor.u32 v0, v51;
	v0 =	vld [tilespmem:$0x1F920];
	_ =	sdelay $0x2  }
0x1e5: {  	v7 =	vor.u32 s8, v21  }
0x1e6: {  	v8 =	vld [tilespmem:$0x1F950]  }
0x1e7: {  	v6 =	vsel vm1, v0, v6;
	v0 =	vld [tilespmem:$0x1F940];
	_ =	sdelay $0x2  }
0x1e8: {  	[tilespmem:v7+s17+$0x0] =	vst.idx.msk $0xffff, v1  }
0x1e9: {  	v7 =	vld.idx.msk [tilespmem:v22+s13+$0x0], $0xffff  }
0x1ea: {  	v22 =	vsel vm1, v0, v8;
	v0 =	vld [tilespmem:$0x1FB00];
	_ =	sdelay $0x1  }
0x1eb: {  	[tilespmem:$0x1F720] =	vst v2;
	v2 =	vcombine.low v14, v27;
	_ =	sdelay $0x1  }
0x1ec: {  	v21 =	vor.u32 v2, v51  }
0x1ed: {  	[tilespmem:$0x1F740] =	vst v2;
	v2 =	vcombine.low v6, v0;
	v0 =	vld [tilespmem:$0x1FB10];
	_ =	sdelay $0x3  }
0x1ee: {  	v1 =	vld.idx.msk [tilespmem:v21+s13+$0x0], $0xffff  }
0x1ef: {  	v6 =	vor.u32 s8, v23;
	v0 =	vcombine.low v22, v0  }
0x1f0: {  	v23 =	vor.u32 v2, v51  }
0x1f1: {  	v24 =	vor.u32 v0, v51;
	_ =	sdelay $0x1  }
0x1f2: {  	v1 =	vpack.i.f32.bf16 v7, v1  }
0x1f3: {  	v7 =	vsel vm1, v25, v36;
	[tilespmem:v6+s17+$0x0] =	vst.idx.msk $0xffff, v1;
	v6 =	vsel vm1, v31, v30  }
0x1f4: {  	[tilespmem:$0x1F770] =	vst v0;
	v1 =	vld.idx.msk [tilespmem:v23+s13+$0x0], $0xffff;
	v0 =	vcombine.low v7, v6  }
0x1f5: {  	v33 =	vmov v41;
	v30 =	vld.idx.msk [tilespmem:v24+s13+$0x0], $0xffff  }
0x1f6: {  	v6 =	vor.u32 s8, v33;
	[tilespmem:$0x1F780] =	vst v0;
	v7 =	vor.u32 v0, v51;
	v0 =	vld [tilespmem:$0x1F970]  }
0x1f7: {  	v25 =	vsel vm1, v37, v40;
	v24 =	vsel vm1, v39, v38  }
0x1f8: {  	[tilespmem:$0x1F760] =	vst v2;
	v2 =	vcombine.low v25, v24;
	_ =	sdelay $0x1  }
0x1f9: {  	v25 =	vor.u32 v2, v51;
	v1 =	vpack.i.f32.bf16 v30, v1  }
0x1fa: {  	[tilespmem:v6+s17+$0x0] =	vst.idx.msk $0xffff, v1;
	v6 =	vnsel vm4, $0x10, v0;
	v0 =	vld [tilespmem:$0x1F990];
	_ =	sdelay $0x2  }
0x1fb: {  	v1 =	vld.idx.msk [tilespmem:v7+s13+$0x0], $0xffff  }
0x1fc: {  	v7 =	vld.idx.msk [tilespmem:v25+s13+$0x0], $0xffff  }
0x1fd: {  	v25 =	vnsel vm4, $0x11, v0;
	v0 =	vld [tilespmem:$0x1FB20];
	_ =	sdelay $0x3  }
0x1fe: {  	v8 =	vld [tilespmem:$0x1F960]  }
0x1ff: {  	v31 =	vor.u32 s8, v0;
	v0 =	vld [tilespmem:$0x1F840];
	_ =	sdelay $0x3  }
0x200: {  	v11 =	vld [tilespmem:$0x1F980];
	v6 =	vsel vm1, v8, v6  }
0x201: {  	[tilespmem:$0x1F790] =	vst v2;
	v2 =	vsel vm5, v0, v6;
	v0 =	vld [tilespmem:$0x1F860];
	_ =	sdelay $0x3  }
0x202: {  	v30 =	vsel vm1, v11, v25  }
0x203: {  	[tilespmem:$0x1F7A0] =	vst v2;
	v6 =	vor.u32 v2, v51;
	v2 =	vld [tilespmem:$0x1FD30];
	v0 =	vsel vm5, v0, v30  }
0x204: {  	v41 =	vmov v54;
	[tilespmem:$0x1F7B0] =	vst v0;
	v54 =	vor.u32 v0, v51;
	v0 =	vld [tilespmem:$0x1FD20];
	_ =	sdelay $0x4  }
0x205: {  	[tilespmem:$0x1F730] =	vst v5;
	v5 =	vcombine.low v0, v2;
	v0 =	vld [tilespmem:$0x1FB50];
	_ =	sdelay $0x3  }
0x206: {  	v2 =	vld [tilespmem:$0x1FD50]  }
0x207: {  	v1 =	vpack.i.f32.bf16 v7, v1;
	v7 =	vor.u32 s8, v0;
	v0 =	vld [tilespmem:$0x1FD40];
	_ =	sdelay $0x3  }
0x208: {  	[tilespmem:v31+s17+$0x0] =	vst.idx.msk $0xffff, v1  }
0x209: {  	v1 =	vld.idx.msk [tilespmem:v6+s13+$0x0], $0xffff;
	v0 =	vcombine.low v0, v2  }
0x20a: {  	v6 =	vld.idx.msk [tilespmem:v54+s13+$0x0], $0xffff  }
0x20b: {  	[tilespmem:$0x1F7D0] =	vst v0;
	v33 =	vor.u32 v0, v51;
	v0 =	vld [tilespmem:$0x1F9B0];
	_ =	sdelay $0x3  }
0x20c: {  	v1 =	vpack.i.f32.bf16 v6, v1  }
0x20d: {  	[tilespmem:v7+s17+$0x0] =	vst.idx.msk $0xffff, v1;
	v1 =	vnsel vm4, $0x12, v0;
	v0 =	vld [tilespmem:$0x1F9D0];
	_ =	sdelay $0x3  }
0x20e: {  	v12 =	vld [tilespmem:$0x1F9A0]  }
0x20f: {  	v7 =	vnsel vm4, $0x13, v0;
	v0 =	vld [tilespmem:$0x1F880];
	_ =	sdelay $0x1  }
0x210: {  	v63 =	vor.u32 v5, v51;
	_ =	sdelay $0x1  }
0x211: {  	v1 =	vsel vm1, v12, v1  }
0x212: {  	v1 =	vsel vm6, v0, v1;
	v0 =	vld [tilespmem:$0x1FB60];
	_ =	sdelay $0x1  }
0x213: {  	v6 =	vld.idx.msk [tilespmem:v63+s13+$0x0], $0xffff  }
0x214: {  	v63 =	vld [tilespmem:$0x1F9C0]  }
0x215: {  	v2 =	vld.idx.msk [tilespmem:v33+s13+$0x0], $0xffff  }
0x216: {  	v9 =	vor.u32 s8, v0;
	v0 =	vld [tilespmem:$0x1F890];
	_ =	sdelay $0x3  }
0x217: {  	v7 =	vsel vm1, v63, v7  }
0x218: {  	v6 =	vpack.i.f32.bf16 v2, v6;
	v2 =	vld [tilespmem:$0x1FE10];
	v7 =	vsel vm6, v0, v7;
	v0 =	vsel vm3, $0x10, v1  }
0x219: {  	[tilespmem:$0x1F7E0] =	vst v0;
	v1 =	vor.u32 v0, v51;
	v0 =	vld [tilespmem:$0x1FE00];
	_ =	sdelay $0x2  }
0x21a: {  	v7 =	vsel vm3, $0x11, v7  }
0x21b: {  	[tilespmem:$0x1F7F0] =	vst v7;
	v7 =	vor.u32 v7, v51  }
0x21c: {  	[tilespmem:v9+s17+$0x0] =	vst.idx.msk $0xffff, v6;
	v9 =	vcombine.low v0, v2;
	v0 =	vld [tilespmem:$0x1FB80];
	_ =	sdelay $0x2  }
0x21d: {  	v2 =	vld [tilespmem:$0x1FE30]  }
0x21e: {  	v6 =	vld.idx.msk [tilespmem:v7+s13+$0x0], $0xffff  }
0x21f: {  	v7 =	vor.u32 s8, v0;
	v0 =	vld [tilespmem:$0x1FE20]  }
0x220: {  	v1 =	vld.idx.msk [tilespmem:v1+s13+$0x0], $0xffff;
	_ =	sdelay $0x3  }
0x221: {  	v0 =	vcombine.low v0, v2  }
0x222: {  	v1 =	vpack.i.f32.bf16 v6, v1;
	v6 =	vld [tilespmem:$0x1F9F0]  }
0x223: {  	v10 =	vmov v0;
	v37 =	vor.u32 v0, v51;
	v0 =	vld [tilespmem:$0x1F9E0];
	_ =	sdelay $0x3  }
0x224: {  	v39 =	vmov v26;
	v26 =	vld [tilespmem:$0x1FA10]  }
0x225: {  	v6 =	vsel vm1, v0, v6;
	v0 =	vld [tilespmem:$0x1FA00];
	_ =	sdelay $0x4  }
0x226: {  	v38 =	vsel vm1, v0, v26;
	v0 =	vld [tilespmem:$0x1F8C0];
	_ =	sdelay $0x2  }
0x227: {  	v36 =	vor.u32 v9, v51  }
0x228: {  	v21 =	vld [tilespmem:$0x1FBA0]  }
0x229: {  	v2 =	vcombine.low v6, v0;
	v0 =	vld [tilespmem:$0x1F8D0];
	_ =	sdelay $0x1  }
0x22a: {  	[tilespmem:v7+s17+$0x0] =	vst.idx.msk $0xffff, v1  }
0x22b: {  	v1 =	vld.idx.msk [tilespmem:v36+s13+$0x0], $0xffff  }
0x22c: {  	v7 =	vld.idx.msk [tilespmem:v37+s13+$0x0], $0xffff  }
0x22d: {  	v6 =	vor.u32 s8, v21;
	v0 =	vcombine.low v38, v0  }
0x22e: {  	v15 =	vmov v43;
	v43 =	vor.u32 v2, v51  }
0x22f: {  	v17 =	vmov v44;
	v44 =	vor.u32 v0, v51  }
0x230: {  	v22 =	vld [tilespmem:$0x1FBB0]  }
0x231: {  	v1 =	vpack.i.f32.bf16 v7, v1  }
0x232: {  	[tilespmem:v6+s17+$0x0] =	vst.idx.msk $0xffff, v1  }
0x233: {  	v1 =	vld.idx.msk [tilespmem:v43+s13+$0x0], $0xffff  }
0x234: {  	v45 =	vcombine.low v29, v45;
	v6 =	vld.idx.msk [tilespmem:v44+s13+$0x0], $0xffff  }
0x235: {  	v54 =	vcombine.low v3, v4;
	v3 =	vor.u32 s8, v22  }
0x236: {  	v4 =	vor.u32 v45, v51  }
0x237: {  	v7 =	vor.u32 v54, v51  }
0x238: {  	v29 =	vld [tilespmem:$0x1FBC0]  }
0x239: {  	v36 =	vld [tilespmem:$0x1F8E0];
	v1 =	vpack.i.f32.bf16 v6, v1  }
0x23a: {  	v33 =	vmov v0;
	v0 =	vld [tilespmem:$0x1F8F0];
	[tilespmem:v3+s17+$0x0] =	vst.idx.msk $0xffff, v1  }
0x23b: {  	v1 =	vld.idx.msk [tilespmem:v4+s13+$0x0], $0xffff  }
0x23c: {  	v3 =	vld.idx.msk [tilespmem:v7+s13+$0x0], $0xffff  }
0x23d: {  	v4 =	vor.u32 s8, v29  }
0x23e: {  	v6 =	vor.u32 v36, v51  }
0x23f: {  	v7 =	vor.u32 v0, v51;
	_ =	sdelay $0x1  }
0x240: {  	v1 =	vpack.i.f32.bf16 v3, v1  }
0x241: {  	v31 =	vmov v18;
	v18 =	vld [tilespmem:$0x1FBD0];
	[tilespmem:v4+s17+$0x0] =	vst.idx.msk $0xffff, v1  }
0x242: {  	v1 =	vld.idx.msk [tilespmem:v6+s13+$0x0], $0xffff  }
0x243: {  	v3 =	vld.idx.msk [tilespmem:v7+s13+$0x0], $0xffff  }
0x244: {  	v0 =	vld [tilespmem:$0x1FBF0];
	_ =	sdelay $0x1  }
0x245: {  	v55 =	vcombine.low v52, v55  }
0x246: {  	v4 =	vor.u32 s8, v18  }
0x247: {  	v6 =	vor.u32 v55, v51;
	v1 =	vpack.i.f32.bf16 v3, v1;
	v3 =	vnsel vm4, $0x18, v8  }
0x248: {  	v3 =	vsel vm7, v0, v3;
	v0 =	vld [tilespmem:$0x1FC00];
	_ =	sdelay $0x2  }
0x249: {  	[tilespmem:v4+s17+$0x0] =	vst.idx.msk $0xffff, v1  }
0x24a: {  	v1 =	vld.idx.msk [tilespmem:v6+s13+$0x0], $0xffff;
	v6 =	vnsel vm4, $0x19, v11  }
0x24b: {  	v6 =	vsel vm7, v0, v6;
	v0 =	vld [tilespmem:$0x1F850]  }
0x24c: {  	v56 =	vcombine.low v56, v48;
	_ =	sdelay $0x1  }
0x24d: {  	v7 =	vor.u32 v56, v51  }
0x24e: {  	v23 =	vld [tilespmem:$0x1FBE0]  }
0x24f: {  	v38 =	vmov v57;
	v57 =	vsel vm0, v0, v3;
	v0 =	vld [tilespmem:$0x1F870];
	_ =	sdelay $0x2  }
0x250: {  	v4 =	vld.idx.msk [tilespmem:v7+s13+$0x0], $0xffff  }
0x251: {  	v7 =	vor.u32 s8, v23  }
0x252: {  	v3 =	vsel vm0, v0, v6;
	v6 =	vor.u32 v57, v51  }
0x253: {  	v52 =	vor.u32 v3, v51  }
0x254: {  	v24 =	vld [tilespmem:$0x1FC10]  }
0x255: {  	v1 =	vpack.i.f32.bf16 v4, v1;
	v0 =	vld [tilespmem:$0x1F820]  }
0x256: {  	[tilespmem:v7+s17+$0x0] =	vst.idx.msk $0xffff, v1  }
0x257: {  	v1 =	vld.idx.msk [tilespmem:v6+s13+$0x0], $0xffff  }
0x258: {  	v6 =	vld.idx.msk [tilespmem:v52+s13+$0x0], $0xffff  }
0x259: {  	v7 =	vor.u32 s8, v24  }
0x25a: {  	v4 =	vcombine.low v0, v47;
	v0 =	vld [tilespmem:$0x1FC30];
	_ =	sdelay $0x2  }
0x25b: {  	v1 =	vpack.i.f32.bf16 v6, v1  }
0x25c: {  	[tilespmem:v7+s17+$0x0] =	vst.idx.msk $0xffff, v1;
	v1 =	vnsel vm4, $0x1A, v12  }
0x25d: {  	v1 =	vsel vm8, v0, v1;
	v0 =	vld [tilespmem:$0x1FC40];
	_ =	sdelay $0x1  }
0x25e: {  	[tilespmem:$0x1F7C0] =	vst v5;
	v5 =	vmov v16;
	v16 =	vcombine.low v46, v61  }
0x25f: {  	v40 =	vmov v35;
	v35 =	vmov v58;
	v58 =	vor.u32 v4, v51  }
0x260: {  	v61 =	vor.u32 v16, v51;
	[tilespmem:$0x1F810] =	vst v2;
	v2 =	vld [tilespmem:$0x1FC20];
	v7 =	vnsel vm4, $0x1B, v63  }
0x261: {  	v7 =	vsel vm8, v0, v7;
	v0 =	vld [tilespmem:$0x1F8A0];
	_ =	sdelay $0x2  }
0x262: {  	v6 =	vld.idx.msk [tilespmem:v58+s13+$0x0], $0xffff  }
0x263: {  	v63 =	vld.idx.msk [tilespmem:v61+s13+$0x0], $0xffff  }
0x264: {  	v1 =	vsel vm2, v0, v1;
	v0 =	vor.u32 s8, v2;
	_ =	sdelay $0x1  }
0x265: {  	v8 =	vld [tilespmem:$0x1F8B0];
	_ =	sdelay $0x1  }
0x266: {  	v20 =	vmov v42;
	v42 =	vld [tilespmem:$0x1FB30];
	v6 =	vpack.i.f32.bf16 v63, v6  }
0x267: {  	[tilespmem:v0+s17+$0x0] =	vst.idx.msk $0xffff, v6;
	v0 =	vld [tilespmem:$0x1FC50]  }
0x268: {  	v25 =	vld [tilespmem:$0x1FC60]  }
0x269: {  	v7 =	vsel vm2, v8, v7;
	v8 =	vld [tilespmem:$0x1F830]  }
0x26a: {  	v30 =	vld [tilespmem:$0x1FC80];
	v48 =	vsel vm3, $0x19, v7  }
0x26b: {  	[tilespmem:$0x1F800] =	vst v9;
	v9 =	vld [tilespmem:$0x1FFF0];
	v7 =	vor.u32 v48, v51;
	v47 =	vsel vm3, $0x18, v1  }
0x26c: {  	v1 =	vor.u32 v47, v51;
	v6 =	vor.u32 s8, v0;
	v0 =	vld [tilespmem:$0x1FC70]  }
0x26d: {  	v46 =	vcombine.low v59, v62;
	v37 =	vmov v13;
	v13 =	vcombine.low v27, v14;
	v14 =	vld [tilespmem:$0x1F910]  }
0x26e: {  	v50 =	vcombine.low v60, v50;
	v11 =	vld [tilespmem:$0x1FB40];
	v49 =	vcombine.low v8, v49  }
0x26f: {  	s31 =	sshrl.u32 s25, $0x1;
	v60 =	vor.u32 v46, v51;
	v12 =	vld [tilespmem:$0x1F900]  }
0x270: {  	s30 =	sshll.u32 s31, $0x2;
	s26 =	sshll.u32 s25, $0x1;
	v52 =	vor.u32 v50, v51;
	v61 =	vor.u32 v13, v51;
	v59 =	vor.u32 v49, v51;
	v7 =	vld.idx.msk [tilespmem:v7+s13+$0x0], $0xffff  }
0x271: {  	s3 =	simm.s32 $0x10;
	s28 =	sadd.s32 s0, s23;
	s0 =	ssub.s32 s26, s30;
	v43 =	vmovc v15;
	v44 =	vmovc v28;
	v63 =	vld.idx.msk [tilespmem:v1+s13+$0x0], $0xffff;
	v1 =	vor.u32 s8, v25;
	v62 =	vor.u32 s8, v0;
	v0 =	vor.u32 s8, v30  }
.LBB2_3:
0x272: {  	_ =	sdelay $0x3  }
0x273: {  	v7 =	vpack.i.f32.bf16 v7, v63  }
0x274: {  	[tilespmem:v6+s17+$0x0] =	vst.idx.msk $0xffff, v7  }
0x275: {  	v6 =	vld.idx.msk [tilespmem:v59+s13+$0x0], $0xffff  }
0x276: {  	v7 =	vld.idx.msk [tilespmem:v52+s13+$0x0], $0xffff;
	_ =	sdelay $0x1  }
0x277: {  	v58 =	vor.u32 v12, v51  }
0x278: {  	v59 =	vor.u32 v14, v51;
	_ =	sdelay $0x1  }
0x279: {  	v6 =	vpack.i.f32.bf16 v7, v6  }
0x27a: {  	[tilespmem:v1+s17+$0x0] =	vst.idx.msk $0xffff, v6  }
0x27b: {  	v1 =	vld.idx.msk [tilespmem:v58+s13+$0x0], $0xffff  }
0x27c: {  	v6 =	vld.idx.msk [tilespmem:v59+s13+$0x0], $0xffff;
	_ =	sdelay $0x4  }
0x27d: {  	v1 =	vpack.i.f32.bf16 v6, v1  }
0x27e: {  	[tilespmem:v62+s17+$0x0] =	vst.idx.msk $0xffff, v1  }
0x27f: {  	v1 =	vld.idx.msk [tilespmem:v61+s13+$0x0], $0xffff  }
0x280: {  	v6 =	vld.idx.msk [tilespmem:v60+s13+$0x0], $0xffff;
	_ =	sdelay $0x4  }
0x281: {  	v1 =	vpack.i.f32.bf16 v6, v1  }
0x282: {  	s29 =	sadd.s32 $0x10, s29;
	[tilespmem:v0+s17+$0x0] =	vst.idx.msk $0xffff, v1  }
0x283: {  	v0 =	vld [tilespmem:s29+$0x0];
	_ =	sdelay $0x2  }
0x284: {  	s8 =	smov.u32 s3  }
0x285: {  	v1 =	vmov s8  }
0x286: {  	v1 =	vshll.u32 v1, $0x7;
	v0 =	vshll.u32 v0, $0x6  }
0x287: {  	v1 =	vor.u32 v44, v1;
	v0 =	vand.u32 $0x40, v0  }
0x288: {  	v51 =	vor.u32 v1, v0;
	v1 =	vld [tilespmem:$0x1FE80];
	_ =	sdelay $0x3  }
0x289: {  	v0 =	vor.u32 v20, v51  }
0x28a: {  	v1 =	vor.u32 v1, v51;
	_ =	sdelay $0x1  }
0x28b: {  	v8 =	vld [tilespmem:$0x1FEB0]  }
0x28c: {  	v7 =	vld [tilespmem:$0x1FE90]  }
0x28d: {  	v0 =	vld.idx.msk [tilespmem:v0+s13+$0x0], $0xffff  }
0x28e: {  	v1 =	vld.idx.msk [tilespmem:v1+s13+$0x0], $0xffff  }
0x28f: {  	v6 =	vor.u32 s8, v17;
	_ =	sdelay $0x2  }
0x290: {  	v7 =	vor.u32 v7, v51  }
0x291: {  	v63 =	vor.u32 v8, v51;
	v0 =	vpack.i.f32.bf16 v1, v0  }
0x292: {  	[tilespmem:v6+s17+$0x0] =	vst.idx.msk $0xffff, v0;
	v6 =	vld [tilespmem:$0x1FF20];
	_ =	sdelay $0x2  }
0x293: {  	v0 =	vld.idx.msk [tilespmem:v7+s13+$0x0], $0xffff  }
0x294: {  	v1 =	vld.idx.msk [tilespmem:v63+s13+$0x0], $0xffff  }
0x295: {  	v6 =	vor.u32 s8, v6  }
0x296: {  	v7 =	vor.u32 v53, v51;
	_ =	sdelay $0x2  }
0x297: {  	v0 =	vpack.i.f32.bf16 v1, v0  }
0x298: {  	v58 =	vor.u32 v34, v51;
	v1 =	vld [tilespmem:$0x1FE70];
	[tilespmem:v6+s17+$0x0] =	vst.idx.msk $0xffff, v0  }
0x299: {  	v0 =	vld.idx.msk [tilespmem:v7+s13+$0x0], $0xffff  }
0x29a: {  	v7 =	vld [tilespmem:$0x1FEA0];
	_ =	sdelay $0x2  }
0x29b: {  	v6 =	vld.idx.msk [tilespmem:v58+s13+$0x0], $0xffff  }
0x29c: {  	v8 =	vld [tilespmem:$0x1FEC0];
	v1 =	vor.u32 s8, v1  }
0x29d: {  	v7 =	vor.u32 v7, v51;
	_ =	sdelay $0x2  }
0x29e: {  	v0 =	vpack.i.f32.bf16 v6, v0  }
0x29f: {  	v59 =	vor.u32 v8, v51;
	[tilespmem:v1+s17+$0x0] =	vst.idx.msk $0xffff, v0  }
0x2a0: {  	v1 =	vld.idx.msk [tilespmem:v7+s13+$0x0], $0xffff  }
0x2a1: {  	v7 =	vld [tilespmem:$0x1FEF0];
	_ =	sdelay $0x1  }
0x2a2: {  	v8 =	vld [tilespmem:$0x1FF00]  }
0x2a3: {  	v6 =	vld.idx.msk [tilespmem:v59+s13+$0x0], $0xffff  }
0x2a4: {  	v0 =	vor.u32 s8, v9  }
0x2a5: {  	v7 =	vor.u32 v7, v51;
	_ =	sdelay $0x2  }
0x2a6: {  	v60 =	vor.u32 v8, v51;
	v1 =	vpack.i.f32.bf16 v6, v1  }
0x2a7: {  	v8 =	vld [tilespmem:$0x1FED0];
	[tilespmem:v0+s17+$0x0] =	vst.idx.msk $0xffff, v1  }
0x2a8: {  	v0 =	vld.idx.msk [tilespmem:v7+s13+$0x0], $0xffff  }
0x2a9: {  	v7 =	vld [tilespmem:$0x1FF10];
	_ =	sdelay $0x1  }
0x2aa: {  	v1 =	vld.idx.msk [tilespmem:v60+s13+$0x0], $0xffff  }
0x2ab: {  	v6 =	vor.u32 s8, v38  }
0x2ac: {  	v61 =	vor.u32 v8, v51  }
0x2ad: {  	v7 =	vor.u32 v7, v51;
	_ =	sdelay $0x1  }
0x2ae: {  	v0 =	vpack.i.f32.bf16 v1, v0  }
0x2af: {  	[tilespmem:v6+s17+$0x0] =	vst.idx.msk $0xffff, v0  }
0x2b0: {  	v1 =	vld.idx.msk [tilespmem:v61+s13+$0x0], $0xffff  }
0x2b1: {  	v0 =	vld.idx.msk [tilespmem:v7+s13+$0x0], $0xffff  }
0x2b2: {  	v62 =	vor.u32 s8, v40  }
0x2b3: {  	v6 =	vor.u32 v37, v51  }
0x2b4: {  	v7 =	vor.u32 v5, v51;
	_ =	sdelay $0x1  }
0x2b5: {  	v0 =	vpack.i.f32.bf16 v1, v0  }
0x2b6: {  	v8 =	vld [tilespmem:$0x1FEE0];
	[tilespmem:v62+s17+$0x0] =	vst.idx.msk $0xffff, v0  }
0x2b7: {  	v0 =	vld.idx.msk [tilespmem:v6+s13+$0x0], $0xffff  }
0x2b8: {  	v1 =	vld.idx.msk [tilespmem:v7+s13+$0x0], $0xffff  }
0x2b9: {  	v6 =	vld [tilespmem:$0x1F6C0]  }
0x2ba: {  	v7 =	vld [tilespmem:$0x1F6D0];
	_ =	sdelay $0x2  }
0x2bb: {  	v52 =	vor.u32 s8, v8  }
0x2bc: {  	v6 =	vor.u32 v6, v51  }
0x2bd: {  	v7 =	vor.u32 v7, v51;
	_ =	sdelay $0x1  }
0x2be: {  	v0 =	vpack.i.f32.bf16 v1, v0  }
0x2bf: {  	[tilespmem:v52+s17+$0x0] =	vst.idx.msk $0xffff, v0  }
0x2c0: {  	v0 =	vld.idx.msk [tilespmem:v6+s13+$0x0], $0xffff  }
0x2c1: {  	v1 =	vld.idx.msk [tilespmem:v7+s13+$0x0], $0xffff  }
0x2c2: {  	v59 =	vor.u32 s8, v39;
	_ =	sdelay $0x3  }
0x2c3: {  	v0 =	vpack.i.f32.bf16 v1, v0  }
0x2c4: {  	[tilespmem:v59+s17+$0x0] =	vst.idx.msk $0xffff, v0;
	v0 =	vld [tilespmem:$0x1FF70];
	_ =	sdelay $0x4  }
0x2c5: {  	v52 =	vor.u32 s8, v0;
	v0 =	vld [tilespmem:$0x1F6E0]  }
0x2c6: {  	v7 =	vor.u32 v43, v51  }
0x2c7: {  	v63 =	vor.u32 v11, v51  }
0x2c8: {  	v6 =	vld [tilespmem:$0x1FF30];
	_ =	sdelay $0x1  }
0x2c9: {  	v59 =	vor.u32 v0, v51;
	v0 =	vld [tilespmem:$0x1F6F0]  }
0x2ca: {  	v1 =	vld.idx.msk [tilespmem:v7+s13+$0x0], $0xffff  }
0x2cb: {  	v7 =	vld.idx.msk [tilespmem:v63+s13+$0x0], $0xffff  }
0x2cc: {  	v6 =	vor.u32 s8, v6;
	_ =	sdelay $0x1  }
0x2cd: {  	v58 =	vor.u32 v0, v51;
	_ =	sdelay $0x1  }
0x2ce: {  	v1 =	vpack.i.f32.bf16 v7, v1  }
0x2cf: {  	[tilespmem:v6+s17+$0x0] =	vst.idx.msk $0xffff, v1  }
0x2d0: {  	v1 =	vld.idx.msk [tilespmem:v59+s13+$0x0], $0xffff  }
0x2d1: {  	v6 =	vld.idx.msk [tilespmem:v58+s13+$0x0], $0xffff;
	_ =	sdelay $0x1  }
0x2d2: {  	v59 =	vor.u32 v42, v51  }
0x2d3: {  	v8 =	vld [tilespmem:$0x1F700];
	_ =	sdelay $0x1  }
0x2d4: {  	v58 =	vor.u32 v41, v51;
	v1 =	vpack.i.f32.bf16 v6, v1  }
0x2d5: {  	v7 =	vld [tilespmem:$0x1FF40];
	[tilespmem:v52+s17+$0x0] =	vst.idx.msk $0xffff, v1  }
0x2d6: {  	v1 =	vld.idx.msk [tilespmem:v59+s13+$0x0], $0xffff  }
0x2d7: {  	v59 =	vor.u32 v8, v51;
	v8 =	vld [tilespmem:$0x1F710];
	_ =	sdelay $0x1  }
0x2d8: {  	v52 =	vld.idx.msk [tilespmem:v58+s13+$0x0], $0xffff  }
0x2d9: {  	v7 =	vor.u32 s8, v7;
	_ =	sdelay $0x1  }
0x2da: {  	v58 =	vor.u32 v8, v51  }
0x2db: {  	v8 =	vld [tilespmem:$0x1FB90]  }
0x2dc: {  	v6 =	vld [tilespmem:$0x1FF50];
	v1 =	vpack.i.f32.bf16 v52, v1  }
0x2dd: {  	[tilespmem:v7+s17+$0x0] =	vst.idx.msk $0xffff, v1  }
0x2de: {  	v7 =	vld.idx.msk [tilespmem:v59+s13+$0x0], $0xffff  }
0x2df: {  	v52 =	vld.idx.msk [tilespmem:v58+s13+$0x0], $0xffff  }
0x2e0: {  	v59 =	vor.u32 v8, v51;
	v8 =	vld [tilespmem:$0x1FF80]  }
0x2e1: {  	v6 =	vor.u32 s8, v6;
	_ =	sdelay $0x1  }
0x2e2: {  	v58 =	vor.u32 v31, v51  }
0x2e3: {  	v1 =	vld [tilespmem:$0x1FF60]  }
0x2e4: {  	v7 =	vpack.i.f32.bf16 v52, v7;
	v61 =	vor.u32 s8, v8;
	v8 =	vld [tilespmem:$0x1F720]  }
0x2e5: {  	v26 =	vld [tilespmem:$0x1F730];
	[tilespmem:v6+s17+$0x0] =	vst.idx.msk $0xffff, v7  }
0x2e6: {  	v6 =	vld.idx.msk [tilespmem:v59+s13+$0x0], $0xffff  }
0x2e7: {  	v7 =	vld.idx.msk [tilespmem:v58+s13+$0x0], $0xffff  }
0x2e8: {  	v1 =	vor.u32 s8, v1  }
0x2e9: {  	v60 =	vor.u32 v8, v51  }
0x2ea: {  	v8 =	vmov v34;
	v34 =	vmov v53;
	v53 =	vor.u32 v26, v51;
	_ =	sdelay $0x1  }
0x2eb: {  	v6 =	vpack.i.f32.bf16 v7, v6  }
0x2ec: {  	v19 =	vld [tilespmem:$0x1FFA0];
	[tilespmem:v1+s17+$0x0] =	vst.idx.msk $0xffff, v6  }
0x2ed: {  	v1 =	vld.idx.msk [tilespmem:v60+s13+$0x0], $0xffff  }
0x2ee: {  	v6 =	vld.idx.msk [tilespmem:v53+s13+$0x0], $0xffff  }
0x2ef: {  	v26 =	vld [tilespmem:$0x1FF90]  }
0x2f0: {  	v7 =	vor.u32 v35, v51  }
0x2f1: {  	v60 =	vor.u32 v32, v51;
	_ =	sdelay $0x1  }
0x2f2: {  	v1 =	vpack.i.f32.bf16 v6, v1  }
0x2f3: {  	v58 =	vor.u32 s8, v26;
	v26 =	vor.u32 s8, v19;
	v19 =	vld [tilespmem:$0x1F750];
	[tilespmem:v61+s17+$0x0] =	vst.idx.msk $0xffff, v1  }
0x2f4: {  	v1 =	vld.idx.msk [tilespmem:v7+s13+$0x0], $0xffff  }
0x2f5: {  	v6 =	vld.idx.msk [tilespmem:v60+s13+$0x0], $0xffff  }
0x2f6: {  	v7 =	vld [tilespmem:$0x1F740];
	_ =	sdelay $0x1  }
0x2f7: {  	v53 =	vor.u32 v19, v51  }
0x2f8: {  	v19 =	vld [tilespmem:$0x1F760];
	_ =	sdelay $0x1  }
0x2f9: {  	v7 =	vor.u32 v7, v51;
	v1 =	vpack.i.f32.bf16 v6, v1  }
0x2fa: {  	[tilespmem:v58+s17+$0x0] =	vst.idx.msk $0xffff, v1  }
0x2fb: {  	v6 =	vld.idx.msk [tilespmem:v53+s13+$0x0], $0xffff  }
0x2fc: {  	v53 =	vor.u32 v19, v51;
	v19 =	vld [tilespmem:$0x1F770];
	_ =	sdelay $0x1  }
0x2fd: {  	v1 =	vld.idx.msk [tilespmem:v7+s13+$0x0], $0xffff;
	_ =	sdelay $0x2  }
0x2fe: {  	v58 =	vor.u32 v19, v51;
	v19 =	vld [tilespmem:$0x1F780];
	_ =	sdelay $0x1  }
0x2ff: {  	v1 =	vpack.i.f32.bf16 v6, v1  }
0x300: {  	v15 =	vld [tilespmem:$0x1FFE0];
	[tilespmem:v26+s17+$0x0] =	vst.idx.msk $0xffff, v1  }
0x301: {  	v1 =	vld.idx.msk [tilespmem:v53+s13+$0x0], $0xffff  }
0x302: {  	v53 =	vor.u32 v19, v51;
	v19 =	vld [tilespmem:$0x1F790];
	_ =	sdelay $0x3  }
0x303: {  	v6 =	vld.idx.msk [tilespmem:v58+s13+$0x0], $0xffff  }
0x304: {  	v28 =	vor.u32 s8, v15;
	v58 =	vor.u32 v19, v51;
	v19 =	vld [tilespmem:$0x1FB60];
	_ =	sdelay $0x3  }
0x305: {  	v1 =	vpack.i.f32.bf16 v6, v1  }
0x306: {  	[tilespmem:v28+s17+$0x0] =	vst.idx.msk $0xffff, v1;
	v28 =	vor.u32 s8, v19;
	v19 =	vld [tilespmem:$0x1F7A0];
	_ =	sdelay $0x2  }
0x307: {  	v7 =	vld [tilespmem:$0x1FB20]  }
0x308: {  	v1 =	vld.idx.msk [tilespmem:v53+s13+$0x0], $0xffff  }
0x309: {  	v53 =	vor.u32 v19, v51;
	v19 =	vld [tilespmem:$0x1F7B0]  }
0x30a: {  	v15 =	vld [tilespmem:$0x1FB50]  }
0x30b: {  	v6 =	vld.idx.msk [tilespmem:v58+s13+$0x0], $0xffff  }
0x30c: {  	v7 =	vor.u32 s8, v7;
	_ =	sdelay $0x1  }
0x30d: {  	v58 =	vor.u32 v19, v51;
	_ =	sdelay $0x1  }
0x30e: {  	v26 =	vor.u32 s8, v15;
	v15 =	vld [tilespmem:$0x1F7C0];
	v1 =	vpack.i.f32.bf16 v6, v1  }
0x30f: {  	[tilespmem:v7+s17+$0x0] =	vst.idx.msk $0xffff, v1;
	v19 =	vld [tilespmem:$0x1F7D0]  }
0x310: {  	v1 =	vld.idx.msk [tilespmem:v53+s13+$0x0], $0xffff  }
0x311: {  	v7 =	vld.idx.msk [tilespmem:v58+s13+$0x0], $0xffff;
	_ =	sdelay $0x1  }
0x312: {  	v53 =	vor.u32 v15, v51  }
0x313: {  	v58 =	vor.u32 v19, v51;
	v19 =	vld [tilespmem:$0x1F7E0];
	_ =	sdelay $0x1  }
0x314: {  	v1 =	vpack.i.f32.bf16 v7, v1  }
0x315: {  	[tilespmem:v26+s17+$0x0] =	vst.idx.msk $0xffff, v1  }
0x316: {  	v7 =	vld.idx.msk [tilespmem:v53+s13+$0x0], $0xffff  }
0x317: {  	v53 =	vor.u32 v19, v51;
	v19 =	vld [tilespmem:$0x1F7F0];
	_ =	sdelay $0x1  }
0x318: {  	v26 =	vld.idx.msk [tilespmem:v58+s13+$0x0], $0xffff;
	_ =	sdelay $0x2  }
0x319: {  	v58 =	vor.u32 v19, v51  }
0x31a: {  	v6 =	vld [tilespmem:$0x1FB80]  }
0x31b: {  	v15 =	vld [tilespmem:$0x1F800];
	v7 =	vpack.i.f32.bf16 v26, v7  }
0x31c: {  	[tilespmem:v28+s17+$0x0] =	vst.idx.msk $0xffff, v7  }
0x31d: {  	v7 =	vld.idx.msk [tilespmem:v53+s13+$0x0], $0xffff  }
0x31e: {  	v28 =	vld.idx.msk [tilespmem:v58+s13+$0x0], $0xffff  }
0x31f: {  	v6 =	vor.u32 s8, v6  }
0x320: {  	v53 =	vor.u32 v15, v51  }
0x321: {  	v58 =	vor.u32 v10, v51;
	_ =	sdelay $0x1  }
0x322: {  	v15 =	vld [tilespmem:$0x1F810];
	v7 =	vpack.i.f32.bf16 v28, v7  }
0x323: {  	[tilespmem:v6+s17+$0x0] =	vst.idx.msk $0xffff, v7  }
0x324: {  	v6 =	vld.idx.msk [tilespmem:v53+s13+$0x0], $0xffff  }
0x325: {  	v7 =	vld.idx.msk [tilespmem:v58+s13+$0x0], $0xffff  }
0x326: {  	v1 =	vor.u32 s8, v21  }
0x327: {  	v28 =	vor.u32 v15, v51  }
0x328: {  	v53 =	vor.u32 v33, v51;
	_ =	sdelay $0x1  }
0x329: {  	v6 =	vpack.i.f32.bf16 v7, v6  }
0x32a: {  	[tilespmem:v1+s17+$0x0] =	vst.idx.msk $0xffff, v6  }
0x32b: {  	v1 =	vld.idx.msk [tilespmem:v28+s13+$0x0], $0xffff  }
0x32c: {  	v6 =	vld.idx.msk [tilespmem:v53+s13+$0x0], $0xffff  }
0x32d: {  	v26 =	vor.u32 s8, v22  }
0x32e: {  	v7 =	vor.u32 v45, v51  }
0x32f: {  	v62 =	vor.u32 v54, v51;
	_ =	sdelay $0x1  }
0x330: {  	v1 =	vpack.i.f32.bf16 v6, v1  }
0x331: {  	v15 =	vld [tilespmem:$0x1F8F0];
	[tilespmem:v26+s17+$0x0] =	vst.idx.msk $0xffff, v1  }
0x332: {  	v1 =	vld.idx.msk [tilespmem:v7+s13+$0x0], $0xffff  }
0x333: {  	v6 =	vld.idx.msk [tilespmem:v62+s13+$0x0], $0xffff  }
0x334: {  	v27 =	vmov v32;
	v32 =	vor.u32 s8, v29  }
0x335: {  	v26 =	vor.u32 v36, v51  }
0x336: {  	v62 =	vor.u32 v15, v51;
	_ =	sdelay $0x1  }
0x337: {  	v1 =	vpack.i.f32.bf16 v6, v1  }
0x338: {  	[tilespmem:v32+s17+$0x0] =	vst.idx.msk $0xffff, v1  }
0x339: {  	v1 =	vld.idx.msk [tilespmem:v26+s13+$0x0], $0xffff  }
0x33a: {  	v6 =	vld.idx.msk [tilespmem:v62+s13+$0x0], $0xffff  }
0x33b: {  	v58 =	vor.u32 s8, v18  }
0x33c: {  	v0 =	vor.u32 v55, v51  }
0x33d: {  	v53 =	vor.u32 v56, v51;
	_ =	sdelay $0x1  }
0x33e: {  	v1 =	vpack.i.f32.bf16 v6, v1  }
0x33f: {  	[tilespmem:v58+s17+$0x0] =	vst.idx.msk $0xffff, v1  }
0x340: {  	v0 =	vld.idx.msk [tilespmem:v0+s13+$0x0], $0xffff  }
0x341: {  	v1 =	vld.idx.msk [tilespmem:v53+s13+$0x0], $0xffff  }
0x342: {  	v28 =	vor.u32 s8, v23  }
0x343: {  	v32 =	vor.u32 v57, v51  }
0x344: {  	v62 =	vor.u32 v3, v51;
	_ =	sdelay $0x1  }
0x345: {  	v0 =	vpack.i.f32.bf16 v1, v0  }
0x346: {  	[tilespmem:v28+s17+$0x0] =	vst.idx.msk $0xffff, v0  }
0x347: {  	v0 =	vld.idx.msk [tilespmem:v32+s13+$0x0], $0xffff  }
0x348: {  	v28 =	vld.idx.msk [tilespmem:v62+s13+$0x0], $0xffff  }
0x349: {  	v7 =	vor.u32 s8, v24  }
0x34a: {  	v32 =	vor.u32 v4, v51  }
0x34b: {  	v63 =	vor.u32 v16, v51;
	_ =	sdelay $0x1  }
0x34c: {  	v0 =	vpack.i.f32.bf16 v28, v0  }
0x34d: {  	[tilespmem:v7+s17+$0x0] =	vst.idx.msk $0xffff, v0  }
0x34e: {  	v0 =	vld.idx.msk [tilespmem:v32+s13+$0x0], $0xffff  }
0x34f: {  	v7 =	vld.idx.msk [tilespmem:v63+s13+$0x0], $0xffff  }
0x350: {  	v26 =	vor.u32 s8, v2  }
0x351: {  	v58 =	vld [tilespmem:$0x1FC50];
	v28 =	vor.u32 v47, v51  }
0x352: {  	p1 =	sne.s32 s3, $0x70;
	v53 =	vmov v34;
	v34 =	vmov v8;
	v8 =	vld [tilespmem:$0x1FC70];
	v32 =	vor.u32 v48, v51  }
.Ltmp2:
0x353: {  	_ = 	snop;
	(pc) =	sbr.rel @p1 .LBB2_3-.Ltmp2, $4  }
0x354: {  	v7 =	vpack.i.f32.bf16 v7, v0  }
0x355: {  	v52 =	vor.u32 v50, v51;
	v59 =	vor.u32 v49, v51;
	[tilespmem:v26+s17+$0x0] =	vst.idx.msk $0xffff, v7  }
0x356: {  	v61 =	vor.u32 v13, v51;
	v60 =	vor.u32 v46, v51;
	v6 =	vor.u32 s8, v58;
	v63 =	vld.idx.msk [tilespmem:v28+s13+$0x0], $0xffff  }
0x357: {  	s3 =	sadd.s32 $0x10, s3;
	v1 =	vor.u32 s8, v25;
	v62 =	vor.u32 s8, v8;
	v0 =	vor.u32 s8, v30;
	v7 =	vld.idx.msk [tilespmem:v32+s13+$0x0], $0xffff;
	v32 =	vmovc v27  }
0x358: {  	_ =	sdelay $0x3  }
0x359: {  	v7 =	vpack.i.f32.bf16 v7, v63  }
0x35a: {  	[tilespmem:v6+s17+$0x0] =	vst.idx.msk $0xffff, v7  }
0x35b: {  	v6 =	vld.idx.msk [tilespmem:v59+s13+$0x0], $0xffff  }
0x35c: {  	v7 =	vld.idx.msk [tilespmem:v52+s13+$0x0], $0xffff;
	_ =	sdelay $0x1  }
0x35d: {  	v26 =	vor.u32 v12, v51  }
0x35e: {  	v28 =	vor.u32 v14, v51;
	_ =	sdelay $0x1  }
0x35f: {  	v6 =	vpack.i.f32.bf16 v7, v6  }
0x360: {  	[tilespmem:v1+s17+$0x0] =	vst.idx.msk $0xffff, v6  }
0x361: {  	v1 =	vld.idx.msk [tilespmem:v26+s13+$0x0], $0xffff  }
0x362: {  	v6 =	vld.idx.msk [tilespmem:v28+s13+$0x0], $0xffff;
	_ =	sdelay $0x4  }
0x363: {  	v1 =	vpack.i.f32.bf16 v6, v1  }
0x364: {  	[tilespmem:v62+s17+$0x0] =	vst.idx.msk $0xffff, v1  }
0x365: {  	v1 =	vld.idx.msk [tilespmem:v61+s13+$0x0], $0xffff  }
0x366: {  	v6 =	vld.idx.msk [tilespmem:v60+s13+$0x0], $0xffff;
	_ =	sdelay $0x1  }
0x367: {  	s0 =	sadd.s32 s6, s0  }
0x368: {  	s29 =	sshll.u32 s31, $0x13;
	s0 =	sshll.u32 s0, $0x9  }
0x369: {  	s0 =	sadd.s32 s29, s0  }
0x36a: {  	s0 =	sshrl.u32 s0, $0x3;
	v1 =	vpack.i.f32.bf16 v6, v1  }
0x36b: {  	p1 =	seq.s32 s25, $0x63;
	s0 =	sadd.s32 s1, s0;
	[tilespmem:v0+s17+$0x0] =	vst.idx.msk $0xffff, v1  }
0x36c: {  	[hbm4b:s0+s18] =	stream.strided.scatter [tilespmem:s17], [sflag:$0x2], $0x1000, s19, s18, $0x38;
	[tilespmem:$0x11100] =	vst v63  }
0x36d: {  	s0 =	sadd.s32 @!p1 $0x2, s26  }
0x36e: {  	s3 =	sshll.u32 @!p1 s0, $0x7;
	s8 =	sshll.u32 @!p1 s0, $0xA  }
0x36f: {  	s0 =	sshll.u32 @!p1 s0, $0x5;
	s3 =	sand.u32 @!p1 $0xF000, s3;
	s8 =	sand.u32 @!p1 $0xC00, s8  }
0x370: {  	s0 =	sand.u32 @!p1 $0x380, s0;
	s3 =	sor.u32 @!p1 s8, s3  }
0x371: {  	s0 =	sor.u32 @!p1 s0, s3  }
0x372: {  	v0 =	vld @!p1 [tilespmem:s0+$0x0];
	_ =	sdelay $0x4  }
0x373: {  	v0 =	vshrl.u32 @!p1 v0, $0x1  }
0x374: {  	[tilespmem:$0x7000] =	vst @!p1 v0  }
0x375: {  	v0 =	vld @!p1 [tilespmem:s0+$0x10];
	_ =	sdelay $0x4  }
0x376: {  	v0 =	vshrl.u32 @!p1 v0, $0x1  }
0x377: {  	[tilespmem:$0x7010] =	vst @!p1 v0  }
0x378: {  	v0 =	vld @!p1 [tilespmem:s0+$0x20];
	_ =	sdelay $0x4  }
0x379: {  	v0 =	vshrl.u32 @!p1 v0, $0x1  }
0x37a: {  	[tilespmem:$0x7020] =	vst @!p1 v0  }
0x37b: {  	v0 =	vld @!p1 [tilespmem:s0+$0x30];
	_ =	sdelay $0x4  }
0x37c: {  	v0 =	vshrl.u32 @!p1 v0, $0x1  }
0x37d: {  	[tilespmem:$0x7030] =	vst @!p1 v0  }
0x37e: {  	v0 =	vld @!p1 [tilespmem:s0+$0x40];
	_ =	sdelay $0x4  }
0x37f: {  	v0 =	vshrl.u32 @!p1 v0, $0x1  }
0x380: {  	[tilespmem:$0x7040] =	vst @!p1 v0  }
0x381: {  	v0 =	vld @!p1 [tilespmem:s0+$0x50];
	_ =	sdelay $0x4  }
0x382: {  	v0 =	vshrl.u32 @!p1 v0, $0x1  }
0x383: {  	[tilespmem:$0x7050] =	vst @!p1 v0  }
0x384: {  	v0 =	vld @!p1 [tilespmem:s0+$0x60];
	_ =	sdelay $0x4  }
0x385: {  	v0 =	vshrl.u32 @!p1 v0, $0x1  }
0x386: {  	[tilespmem:$0x7060] =	vst @!p1 v0  }
0x387: {  	v0 =	vld @!p1 [tilespmem:s0+$0x70];
	_ =	sdelay $0x4  }
0x388: {  	v0 =	vshrl.u32 @!p1 v0, $0x1  }
0x389: {  	s8 =	simm.s32 @!p1 $0x7100;
	s3 =	simm.s32 @!p1 $0x7000;
	s0 =	simm.s32 @!p1 $0x80;
	[tilespmem:$0x7070] =	vst @!p1 v0  }
0x38a: {  	[tilespmem:s8], [sflag:$0x1] =	stream.indirect.gather @!p1 [hbm4b:s4+s0], $0x80, s3, s0, $0xb8;
	[tilespmem:$0x11100] =	vst v63  }
0x38b: {  	_ =	swait.ge [sflag:s16], $0x4000  }
0x38c: {  	[sflag:s16] =	ssyncset.done $0x0  }
0x38d: {  	s0 =	simm.s32 @!p0 $0x2;
	[sflag:s16] =	ssyncadd.s32 $0xFFFFC000  }
0x38e: {  	_ =	swait.ge @!p0 [sflag:s0], $0x1000  }
0x38f: {  	[sflag:s0] =	ssyncset.done @!p0 $0x0  }
0x390: {  	[sflag:s0] =	ssyncadd.s32 @!p0 $0xFFFFF000  }
0x391: {  	v0 =	vld [tilespmem:s28+$0x0];
	_ =	sdelay $0x2  }
0x392: {  	s8 =	simm.s32 $0x0  }
0x393: {  	v1 =	vmov s8  }
0x394: {  	v1 =	vshll.u32 v1, $0x7;
	v0 =	vshll.u32 v0, $0x6  }
0x395: {  	v1 =	vor.u32 v44, v1;
	v0 =	vand.u32 $0x40, v0  }
0x396: {  	v51 =	vor.u32 v1, v0;
	v1 =	vld [tilespmem:$0x1FE80];
	_ =	sdelay $0x3  }
0x397: {  	v0 =	vor.u32 v20, v51  }
0x398: {  	v1 =	vor.u32 v1, v51;
	_ =	sdelay $0x1  }
0x399: {  	v7 =	vld [tilespmem:$0x1FE90]  }
0x39a: {  	v26 =	vld [tilespmem:$0x1FEB0]  }
0x39b: {  	v0 =	vld.idx.msk [tilespmem:v0+s15+$0x0], $0xffff  }
0x39c: {  	v1 =	vld.idx.msk [tilespmem:v1+s15+$0x0], $0xffff  }
0x39d: {  	v6 =	vor.u32 s8, v17;
	_ =	sdelay $0x2  }
0x39e: {  	v7 =	vor.u32 v7, v51  }
0x39f: {  	v26 =	vor.u32 v26, v51;
	v0 =	vpack.i.f32.bf16 v1, v0  }
0x3a0: {  	[tilespmem:v6+s20+$0x0] =	vst.idx.msk $0xffff, v0;
	v6 =	vld [tilespmem:$0x1FF20];
	_ =	sdelay $0x2  }
0x3a1: {  	v0 =	vld.idx.msk [tilespmem:v7+s15+$0x0], $0xffff  }
0x3a2: {  	v1 =	vld.idx.msk [tilespmem:v26+s15+$0x0], $0xffff  }
0x3a3: {  	v6 =	vor.u32 s8, v6  }
0x3a4: {  	v7 =	vor.u32 v53, v51  }
0x3a5: {  	v26 =	vor.u32 v34, v51;
	_ =	sdelay $0x1  }
0x3a6: {  	v0 =	vpack.i.f32.bf16 v1, v0  }
0x3a7: {  	[tilespmem:v6+s20+$0x0] =	vst.idx.msk $0xffff, v0;
	v6 =	vld [tilespmem:$0x1FE70]  }
0x3a8: {  	v0 =	vld.idx.msk [tilespmem:v7+s15+$0x0], $0xffff  }
0x3a9: {  	v1 =	vld.idx.msk [tilespmem:v26+s15+$0x0], $0xffff  }
0x3aa: {  	v7 =	vld [tilespmem:$0x1FEA0]  }
0x3ab: {  	v26 =	vld [tilespmem:$0x1FEC0];
	_ =	sdelay $0x2  }
0x3ac: {  	v6 =	vor.u32 s8, v6  }
0x3ad: {  	v7 =	vor.u32 v7, v51  }
0x3ae: {  	v26 =	vor.u32 v26, v51;
	_ =	sdelay $0x1  }
0x3af: {  	v0 =	vpack.i.f32.bf16 v1, v0  }
0x3b0: {  	[tilespmem:v6+s20+$0x0] =	vst.idx.msk $0xffff, v0  }
0x3b1: {  	v0 =	vld.idx.msk [tilespmem:v7+s15+$0x0], $0xffff  }
0x3b2: {  	v1 =	vld.idx.msk [tilespmem:v26+s15+$0x0], $0xffff  }
0x3b3: {  	v7 =	vld [tilespmem:$0x1FEF0]  }
0x3b4: {  	v26 =	vld [tilespmem:$0x1FF00];
	_ =	sdelay $0x2  }
0x3b5: {  	v6 =	vor.u32 s8, v9  }
0x3b6: {  	v7 =	vor.u32 v7, v51  }
0x3b7: {  	v26 =	vor.u32 v26, v51;
	_ =	sdelay $0x1  }
0x3b8: {  	v0 =	vpack.i.f32.bf16 v1, v0  }
0x3b9: {  	[tilespmem:v6+s20+$0x0] =	vst.idx.msk $0xffff, v0  }
0x3ba: {  	v0 =	vld.idx.msk [tilespmem:v7+s15+$0x0], $0xffff  }
0x3bb: {  	v1 =	vld.idx.msk [tilespmem:v26+s15+$0x0], $0xffff  }
0x3bc: {  	v7 =	vld [tilespmem:$0x1FF10]  }
0x3bd: {  	v26 =	vld [tilespmem:$0x1FED0];
	_ =	sdelay $0x2  }
0x3be: {  	v6 =	vor.u32 s8, v38  }
0x3bf: {  	v7 =	vor.u32 v7, v51  }
0x3c0: {  	v26 =	vor.u32 v26, v51;
	_ =	sdelay $0x1  }
0x3c1: {  	v0 =	vpack.i.f32.bf16 v1, v0  }
0x3c2: {  	[tilespmem:v6+s20+$0x0] =	vst.idx.msk $0xffff, v0  }
0x3c3: {  	v0 =	vld.idx.msk [tilespmem:v7+s15+$0x0], $0xffff  }
0x3c4: {  	v1 =	vld.idx.msk [tilespmem:v26+s15+$0x0], $0xffff  }
0x3c5: {  	v6 =	vor.u32 s8, v40  }
0x3c6: {  	v7 =	vor.u32 v37, v51  }
0x3c7: {  	v26 =	vor.u32 v5, v51;
	_ =	sdelay $0x1  }
0x3c8: {  	v0 =	vpack.i.f32.bf16 v1, v0  }
0x3c9: {  	[tilespmem:v6+s20+$0x0] =	vst.idx.msk $0xffff, v0;
	v6 =	vld [tilespmem:$0x1FEE0]  }
0x3ca: {  	v0 =	vld.idx.msk [tilespmem:v7+s15+$0x0], $0xffff  }
0x3cb: {  	v1 =	vld.idx.msk [tilespmem:v26+s15+$0x0], $0xffff  }
0x3cc: {  	v7 =	vld [tilespmem:$0x1F6C0]  }
0x3cd: {  	v26 =	vld [tilespmem:$0x1F6D0];
	_ =	sdelay $0x2  }
0x3ce: {  	v6 =	vor.u32 s8, v6  }
0x3cf: {  	v7 =	vor.u32 v7, v51  }
0x3d0: {  	v26 =	vor.u32 v26, v51;
	_ =	sdelay $0x1  }
0x3d1: {  	v0 =	vpack.i.f32.bf16 v1, v0  }
0x3d2: {  	[tilespmem:v6+s20+$0x0] =	vst.idx.msk $0xffff, v0  }
0x3d3: {  	v0 =	vld.idx.msk [tilespmem:v7+s15+$0x0], $0xffff  }
0x3d4: {  	v1 =	vld.idx.msk [tilespmem:v26+s15+$0x0], $0xffff  }
0x3d5: {  	v6 =	vor.u32 s8, v39  }
0x3d6: {  	v7 =	vor.u32 v43, v51  }
0x3d7: {  	v26 =	vor.u32 v11, v51;
	_ =	sdelay $0x1  }
0x3d8: {  	v0 =	vpack.i.f32.bf16 v1, v0  }
0x3d9: {  	[tilespmem:v6+s20+$0x0] =	vst.idx.msk $0xffff, v0;
	v6 =	vld [tilespmem:$0x1FF30]  }
0x3da: {  	v0 =	vld.idx.msk [tilespmem:v7+s15+$0x0], $0xffff  }
0x3db: {  	v1 =	vld.idx.msk [tilespmem:v26+s15+$0x0], $0xffff  }
0x3dc: {  	v7 =	vld [tilespmem:$0x1F6E0]  }
0x3dd: {  	v26 =	vld [tilespmem:$0x1F6F0]  }
0x3de: {  	v6 =	vor.u32 s8, v6;
	_ =	sdelay $0x2  }
0x3df: {  	v7 =	vor.u32 v7, v51  }
0x3e0: {  	v26 =	vor.u32 v26, v51;
	v0 =	vpack.i.f32.bf16 v1, v0  }
0x3e1: {  	[tilespmem:v6+s20+$0x0] =	vst.idx.msk $0xffff, v0;
	v6 =	vld [tilespmem:$0x1FF70];
	_ =	sdelay $0x2  }
0x3e2: {  	v0 =	vld.idx.msk [tilespmem:v7+s15+$0x0], $0xffff  }
0x3e3: {  	v1 =	vld.idx.msk [tilespmem:v26+s15+$0x0], $0xffff  }
0x3e4: {  	v6 =	vor.u32 s8, v6  }
0x3e5: {  	v7 =	vor.u32 v42, v51  }
0x3e6: {  	v26 =	vor.u32 v41, v51;
	_ =	sdelay $0x1  }
0x3e7: {  	v0 =	vpack.i.f32.bf16 v1, v0  }
0x3e8: {  	[tilespmem:v6+s20+$0x0] =	vst.idx.msk $0xffff, v0;
	v6 =	vld [tilespmem:$0x1FF40]  }
0x3e9: {  	v0 =	vld.idx.msk [tilespmem:v7+s15+$0x0], $0xffff  }
0x3ea: {  	v1 =	vld.idx.msk [tilespmem:v26+s15+$0x0], $0xffff  }
0x3eb: {  	v7 =	vld [tilespmem:$0x1F700]  }
0x3ec: {  	v26 =	vld [tilespmem:$0x1F710]  }
0x3ed: {  	v6 =	vor.u32 s8, v6;
	_ =	sdelay $0x2  }
0x3ee: {  	v7 =	vor.u32 v7, v51  }
0x3ef: {  	v26 =	vor.u32 v26, v51;
	v0 =	vpack.i.f32.bf16 v1, v0  }
0x3f0: {  	[tilespmem:v6+s20+$0x0] =	vst.idx.msk $0xffff, v0;
	v6 =	vld [tilespmem:$0x1FF50]  }
0x3f1: {  	v20 =	vld [tilespmem:$0x1FB90];
	_ =	sdelay $0x1  }
0x3f2: {  	v0 =	vld.idx.msk [tilespmem:v7+s15+$0x0], $0xffff  }
0x3f3: {  	v1 =	vld.idx.msk [tilespmem:v26+s15+$0x0], $0xffff  }
0x3f4: {  	v6 =	vor.u32 s8, v6  }
0x3f5: {  	v7 =	vor.u32 v20, v51  }
0x3f6: {  	v26 =	vor.u32 v31, v51;
	_ =	sdelay $0x1  }
0x3f7: {  	v0 =	vpack.i.f32.bf16 v1, v0  }
0x3f8: {  	[tilespmem:v6+s20+$0x0] =	vst.idx.msk $0xffff, v0;
	v6 =	vld [tilespmem:$0x1FF60]  }
0x3f9: {  	v0 =	vld.idx.msk [tilespmem:v7+s15+$0x0], $0xffff  }
0x3fa: {  	v1 =	vld.idx.msk [tilespmem:v26+s15+$0x0], $0xffff  }
0x3fb: {  	v7 =	vld [tilespmem:$0x1F720]  }
0x3fc: {  	v26 =	vld [tilespmem:$0x1F730]  }
0x3fd: {  	v6 =	vor.u32 s8, v6;
	_ =	sdelay $0x2  }
0x3fe: {  	v7 =	vor.u32 v7, v51  }
0x3ff: {  	v26 =	vor.u32 v26, v51;
	v0 =	vpack.i.f32.bf16 v1, v0  }
0x400: {  	[tilespmem:v6+s20+$0x0] =	vst.idx.msk $0xffff, v0;
	v6 =	vld [tilespmem:$0x1FF80];
	_ =	sdelay $0x2  }
0x401: {  	v0 =	vld.idx.msk [tilespmem:v7+s15+$0x0], $0xffff  }
0x402: {  	v1 =	vld.idx.msk [tilespmem:v26+s15+$0x0], $0xffff  }
0x403: {  	v6 =	vor.u32 s8, v6  }
0x404: {  	v7 =	vor.u32 v35, v51  }
0x405: {  	v17 =	vmov v5;
	v5 =	vld [tilespmem:$0x1F740];
	_ =	sdelay $0x1  }
0x406: {  	v0 =	vpack.i.f32.bf16 v1, v0  }
0x407: {  	[tilespmem:v6+s20+$0x0] =	vst.idx.msk $0xffff, v0;
	v6 =	vld [tilespmem:$0x1FF90]  }
0x408: {  	v26 =	vor.u32 v32, v51;
	v0 =	vld.idx.msk [tilespmem:v7+s15+$0x0], $0xffff  }
0x409: {  	v19 =	vmov v5;
	v7 =	vor.u32 v5, v51;
	v5 =	vld [tilespmem:$0x1F750];
	_ =	sdelay $0x3  }
0x40a: {  	v1 =	vld.idx.msk [tilespmem:v26+s15+$0x0], $0xffff  }
0x40b: {  	v6 =	vor.u32 s8, v6;
	v26 =	vor.u32 v5, v51;
	v5 =	vld [tilespmem:$0x1FFA0];
	_ =	sdelay $0x3  }
0x40c: {  	v0 =	vpack.i.f32.bf16 v1, v0  }
0x40d: {  	[tilespmem:v6+s20+$0x0] =	vst.idx.msk $0xffff, v0;
	v6 =	vor.u32 s8, v5;
	v5 =	vld [tilespmem:$0x1F760];
	_ =	sdelay $0x3  }
0x40e: {  	v0 =	vld.idx.msk [tilespmem:v7+s15+$0x0], $0xffff  }
0x40f: {  	v7 =	vor.u32 v5, v51;
	v5 =	vld [tilespmem:$0x1F770];
	_ =	sdelay $0x3  }
0x410: {  	v1 =	vld.idx.msk [tilespmem:v26+s15+$0x0], $0xffff  }
0x411: {  	v26 =	vor.u32 v5, v51;
	v5 =	vld [tilespmem:$0x1FFE0];
	_ =	sdelay $0x3  }
0x412: {  	v0 =	vpack.i.f32.bf16 v1, v0  }
0x413: {  	v62 =	vmov v41;
	[tilespmem:v6+s20+$0x0] =	vst.idx.msk $0xffff, v0;
	v41 =	vmov v5;
	v6 =	vor.u32 s8, v5;
	v5 =	vld [tilespmem:$0x1F780];
	_ =	sdelay $0x3  }
0x414: {  	v0 =	vld.idx.msk [tilespmem:v7+s15+$0x0], $0xffff  }
0x415: {  	v7 =	vor.u32 v5, v51;
	v5 =	vld [tilespmem:$0x1F790];
	_ =	sdelay $0x3  }
0x416: {  	v1 =	vld.idx.msk [tilespmem:v26+s15+$0x0], $0xffff  }
0x417: {  	v26 =	vor.u32 v5, v51;
	v5 =	vld [tilespmem:$0x1FB20];
	_ =	sdelay $0x3  }
0x418: {  	v0 =	vpack.i.f32.bf16 v1, v0  }
0x419: {  	[tilespmem:v6+s20+$0x0] =	vst.idx.msk $0xffff, v0;
	v6 =	vor.u32 s8, v5;
	v5 =	vld [tilespmem:$0x1F7A0];
	_ =	sdelay $0x3  }
0x41a: {  	v0 =	vld.idx.msk [tilespmem:v7+s15+$0x0], $0xffff  }
0x41b: {  	v7 =	vor.u32 v5, v51;
	v5 =	vld [tilespmem:$0x1F7B0];
	_ =	sdelay $0x3  }
0x41c: {  	v1 =	vld.idx.msk [tilespmem:v26+s15+$0x0], $0xffff  }
0x41d: {  	v26 =	vor.u32 v5, v51;
	v5 =	vld [tilespmem:$0x1FB50];
	_ =	sdelay $0x3  }
0x41e: {  	v0 =	vpack.i.f32.bf16 v1, v0  }
0x41f: {  	[tilespmem:v6+s20+$0x0] =	vst.idx.msk $0xffff, v0;
	v40 =	vmov v5;
	v6 =	vor.u32 s8, v5;
	v5 =	vld [tilespmem:$0x1F7C0];
	_ =	sdelay $0x3  }
0x420: {  	v0 =	vld.idx.msk [tilespmem:v7+s15+$0x0], $0xffff  }
0x421: {  	v11 =	vmov v37;
	v37 =	vmov v5;
	v7 =	vor.u32 v5, v51;
	v5 =	vld [tilespmem:$0x1F7D0];
	_ =	sdelay $0x3  }
0x422: {  	v1 =	vld.idx.msk [tilespmem:v26+s15+$0x0], $0xffff  }
0x423: {  	v26 =	vor.u32 v5, v51;
	v5 =	vld [tilespmem:$0x1FB60];
	_ =	sdelay $0x3  }
0x424: {  	v0 =	vpack.i.f32.bf16 v1, v0  }
0x425: {  	[tilespmem:v6+s20+$0x0] =	vst.idx.msk $0xffff, v0;
	v6 =	vor.u32 s8, v5;
	v5 =	vld [tilespmem:$0x1F7E0];
	_ =	sdelay $0x3  }
0x426: {  	v0 =	vld.idx.msk [tilespmem:v7+s15+$0x0], $0xffff  }
0x427: {  	v7 =	vor.u32 v5, v51;
	v5 =	vld [tilespmem:$0x1F7F0];
	_ =	sdelay $0x3  }
0x428: {  	v1 =	vld.idx.msk [tilespmem:v26+s15+$0x0], $0xffff  }
0x429: {  	v26 =	vor.u32 v5, v51;
	v5 =	vld [tilespmem:$0x1FB80];
	_ =	sdelay $0x3  }
0x42a: {  	v0 =	vpack.i.f32.bf16 v1, v0  }
0x42b: {  	[tilespmem:v6+s20+$0x0] =	vst.idx.msk $0xffff, v0;
	v6 =	vor.u32 s8, v5;
	v5 =	vld [tilespmem:$0x1F800]  }
0x42c: {  	v0 =	vld.idx.msk [tilespmem:v7+s15+$0x0], $0xffff  }
0x42d: {  	v1 =	vld.idx.msk [tilespmem:v26+s15+$0x0], $0xffff;
	_ =	sdelay $0x1  }
0x42e: {  	v26 =	vor.u32 v10, v51  }
0x42f: {  	v7 =	vor.u32 v5, v51;
	_ =	sdelay $0x1  }
0x430: {  	v0 =	vpack.i.f32.bf16 v1, v0;
	v5 =	vld [tilespmem:$0x1F810]  }
0x431: {  	[tilespmem:v6+s20+$0x0] =	vst.idx.msk $0xffff, v0  }
0x432: {  	v1 =	vld.idx.msk [tilespmem:v26+s15+$0x0], $0xffff  }
0x433: {  	v0 =	vld.idx.msk [tilespmem:v7+s15+$0x0], $0xffff  }
0x434: {  	v6 =	vor.u32 s8, v21  }
0x435: {  	v7 =	vor.u32 v5, v51  }
0x436: {  	v26 =	vor.u32 v33, v51;
	_ =	sdelay $0x1  }
0x437: {  	v0 =	vpack.i.f32.bf16 v1, v0  }
0x438: {  	[tilespmem:v6+s20+$0x0] =	vst.idx.msk $0xffff, v0  }
0x439: {  	v0 =	vld.idx.msk [tilespmem:v7+s15+$0x0], $0xffff  }
0x43a: {  	v1 =	vld.idx.msk [tilespmem:v26+s15+$0x0], $0xffff  }
0x43b: {  	v6 =	vor.u32 s8, v22  }
0x43c: {  	v7 =	vor.u32 v45, v51  }
0x43d: {  	v26 =	vor.u32 v54, v51;
	_ =	sdelay $0x1  }
0x43e: {  	v0 =	vpack.i.f32.bf16 v1, v0  }
0x43f: {  	v15 =	vmov v42;
	v42 =	vld [tilespmem:$0x1F8F0];
	[tilespmem:v6+s20+$0x0] =	vst.idx.msk $0xffff, v0  }
0x440: {  	v0 =	vld.idx.msk [tilespmem:v7+s15+$0x0], $0xffff  }
0x441: {  	v1 =	vld.idx.msk [tilespmem:v26+s15+$0x0], $0xffff  }
0x442: {  	v6 =	vor.u32 s8, v29  }
0x443: {  	v7 =	vor.u32 v36, v51  }
0x444: {  	v26 =	vor.u32 v42, v51;
	_ =	sdelay $0x1  }
0x445: {  	v0 =	vpack.i.f32.bf16 v1, v0  }
0x446: {  	[tilespmem:v6+s20+$0x0] =	vst.idx.msk $0xffff, v0  }
0x447: {  	v0 =	vld.idx.msk [tilespmem:v7+s15+$0x0], $0xffff  }
0x448: {  	v1 =	vld.idx.msk [tilespmem:v26+s15+$0x0], $0xffff  }
0x449: {  	v6 =	vor.u32 s8, v18  }
0x44a: {  	v7 =	vor.u32 v55, v51  }
0x44b: {  	v26 =	vor.u32 v56, v51;
	_ =	sdelay $0x1  }
0x44c: {  	v0 =	vpack.i.f32.bf16 v1, v0  }
0x44d: {  	[tilespmem:v6+s20+$0x0] =	vst.idx.msk $0xffff, v0  }
0x44e: {  	v0 =	vld.idx.msk [tilespmem:v7+s15+$0x0], $0xffff  }
0x44f: {  	v1 =	vld.idx.msk [tilespmem:v26+s15+$0x0], $0xffff  }
0x450: {  	v6 =	vor.u32 s8, v23  }
0x451: {  	v7 =	vor.u32 v57, v51  }
0x452: {  	v26 =	vor.u32 v3, v51;
	_ =	sdelay $0x1  }
0x453: {  	v0 =	vpack.i.f32.bf16 v1, v0  }
0x454: {  	[tilespmem:v6+s20+$0x0] =	vst.idx.msk $0xffff, v0  }
0x455: {  	v0 =	vld.idx.msk [tilespmem:v7+s15+$0x0], $0xffff  }
0x456: {  	v1 =	vld.idx.msk [tilespmem:v26+s15+$0x0], $0xffff  }
0x457: {  	v6 =	vor.u32 s8, v24  }
0x458: {  	v7 =	vor.u32 v4, v51  }
0x459: {  	v26 =	vor.u32 v16, v51;
	_ =	sdelay $0x1  }
0x45a: {  	v0 =	vpack.i.f32.bf16 v1, v0  }
0x45b: {  	[tilespmem:v6+s20+$0x0] =	vst.idx.msk $0xffff, v0  }
0x45c: {  	v0 =	vld.idx.msk [tilespmem:v7+s15+$0x0], $0xffff  }
0x45d: {  	v1 =	vld.idx.msk [tilespmem:v26+s15+$0x0], $0xffff  }
0x45e: {  	v6 =	vor.u32 s8, v2  }
0x45f: {  	v7 =	vor.u32 v47, v51  }
0x460: {  	v63 =	vmov v12;
	v26 =	vor.u32 v48, v51  }
0x461: {  	v12 =	vmov v14;
	v14 =	vmov v44;
	v60 =	vor.u32 s8, v58  }
0x462: {  	v28 =	vmovc v35;
	v61 =	vmovc v31;
	v59 =	vor.u32 s8, v25;
	v52 =	vor.u32 s8, v8;
	v0 =	vpack.i.f32.bf16 v1, v0  }
0x463: {  	v31 =	vmovc v36;
	v35 =	vmovc v15;
	v36 =	vmov v11;
	v11 =	vmov v63;
	v63 =	vmov v8;
	v8 =	vld [tilespmem:$0x1FB40];
	[tilespmem:v6+s20+$0x0] =	vst.idx.msk $0xffff, v0  }
0x464: {  	s31 =	sor.u32 $0x1, s26;
	v15 =	vmovc v62;
	v62 =	vmovc v32;
	v44 =	vmov v5;
	v5 =	vmov v17;
	v17 =	vmov v43;
	v1 =	vld.idx.msk [tilespmem:v7+s15+$0x0], $0xffff  }
0x465: {  	s30 =	ssub.s32 s31, s30;
	s0 =	simm.s32 $0x10;
	v43 =	vmovc v61;
	v61 =	vmovc v58;
	v58 =	vmov v28;
	v28 =	vmov v14;
	v0 =	vor.u32 s8, v30;
	v6 =	vld.idx.msk [tilespmem:v26+s15+$0x0], $0xffff  }
.LBB2_5:
0x466: {  	_ = 	snop  }
0x467: {  	v7 =	vor.u32 v49, v51  }
0x468: {  	v26 =	vor.u32 v50, v51;
	_ =	sdelay $0x1  }
0x469: {  	v1 =	vpack.i.f32.bf16 v6, v1  }
0x46a: {  	[tilespmem:v60+s20+$0x0] =	vst.idx.msk $0xffff, v1  }
0x46b: {  	v1 =	vld.idx.msk [tilespmem:v7+s15+$0x0], $0xffff  }
0x46c: {  	v6 =	vld.idx.msk [tilespmem:v26+s15+$0x0], $0xffff;
	_ =	sdelay $0x1  }
0x46d: {  	v7 =	vor.u32 v11, v51  }
0x46e: {  	v26 =	vor.u32 v12, v51;
	_ =	sdelay $0x1  }
0x46f: {  	v1 =	vpack.i.f32.bf16 v6, v1  }
0x470: {  	[tilespmem:v59+s20+$0x0] =	vst.idx.msk $0xffff, v1  }
0x471: {  	v1 =	vld.idx.msk [tilespmem:v7+s15+$0x0], $0xffff  }
0x472: {  	v6 =	vld.idx.msk [tilespmem:v26+s15+$0x0], $0xffff;
	_ =	sdelay $0x1  }
0x473: {  	v7 =	vor.u32 v13, v51  }
0x474: {  	v26 =	vor.u32 v46, v51;
	_ =	sdelay $0x1  }
0x475: {  	v1 =	vpack.i.f32.bf16 v6, v1  }
0x476: {  	[tilespmem:v52+s20+$0x0] =	vst.idx.msk $0xffff, v1  }
0x477: {  	v1 =	vld.idx.msk [tilespmem:v7+s15+$0x0], $0xffff  }
0x478: {  	v6 =	vld.idx.msk [tilespmem:v26+s15+$0x0], $0xffff;
	_ =	sdelay $0x4  }
0x479: {  	v1 =	vpack.i.f32.bf16 v6, v1  }
0x47a: {  	s28 =	sadd.s32 $0x10, s28;
	[tilespmem:v0+s20+$0x0] =	vst.idx.msk $0xffff, v1  }
0x47b: {  	v0 =	vld [tilespmem:s28+$0x0];
	_ =	sdelay $0x2  }
0x47c: {  	s3 =	smov.u32 s0  }
0x47d: {  	v1 =	vmov s3  }
0x47e: {  	v1 =	vshll.u32 v1, $0x7;
	v0 =	vshll.u32 v0, $0x6  }
0x47f: {  	v1 =	vor.u32 v28, v1;
	v0 =	vand.u32 $0x40, v0  }
0x480: {  	v51 =	vor.u32 v1, v0;
	v0 =	vld [tilespmem:$0x1FFC0]  }
0x481: {  	v1 =	vld [tilespmem:$0x1FE80];
	_ =	sdelay $0x3  }
0x482: {  	v0 =	vor.u32 v0, v51  }
0x483: {  	v1 =	vor.u32 v1, v51  }
0x484: {  	v6 =	vld [tilespmem:$0x1FFD0]  }
0x485: {  	v14 =	vld [tilespmem:$0x1FEB0]  }
0x486: {  	v7 =	vld [tilespmem:$0x1FE90]  }
0x487: {  	v0 =	vld.idx.msk [tilespmem:v0+s15+$0x0], $0xffff  }
0x488: {  	v1 =	vld.idx.msk [tilespmem:v1+s15+$0x0], $0xffff  }
0x489: {  	v6 =	vor.u32 s3, v6;
	_ =	sdelay $0x2  }
0x48a: {  	v7 =	vor.u32 v7, v51  }
0x48b: {  	v26 =	vor.u32 v14, v51;
	v0 =	vpack.i.f32.bf16 v1, v0  }
0x48c: {  	[tilespmem:v6+s20+$0x0] =	vst.idx.msk $0xffff, v0;
	v6 =	vld [tilespmem:$0x1FF20];
	_ =	sdelay $0x2  }
0x48d: {  	v0 =	vld.idx.msk [tilespmem:v7+s15+$0x0], $0xffff  }
0x48e: {  	v1 =	vld.idx.msk [tilespmem:v26+s15+$0x0], $0xffff  }
0x48f: {  	v6 =	vor.u32 s3, v6  }
0x490: {  	v7 =	vor.u32 v53, v51;
	_ =	sdelay $0x2  }
0x491: {  	v0 =	vpack.i.f32.bf16 v1, v0  }
0x492: {  	v26 =	vor.u32 v34, v51;
	v1 =	vld [tilespmem:$0x1FE70];
	[tilespmem:v6+s20+$0x0] =	vst.idx.msk $0xffff, v0  }
0x493: {  	v0 =	vld.idx.msk [tilespmem:v7+s15+$0x0], $0xffff  }
0x494: {  	v7 =	vld [tilespmem:$0x1FEA0];
	_ =	sdelay $0x2  }
0x495: {  	v6 =	vld.idx.msk [tilespmem:v26+s15+$0x0], $0xffff  }
0x496: {  	v14 =	vld [tilespmem:$0x1FEC0];
	v1 =	vor.u32 s3, v1  }
0x497: {  	v7 =	vor.u32 v7, v51;
	_ =	sdelay $0x2  }
0x498: {  	v0 =	vpack.i.f32.bf16 v6, v0  }
0x499: {  	v26 =	vor.u32 v14, v51;
	[tilespmem:v1+s20+$0x0] =	vst.idx.msk $0xffff, v0  }
0x49a: {  	v1 =	vld.idx.msk [tilespmem:v7+s15+$0x0], $0xffff  }
0x49b: {  	v7 =	vld [tilespmem:$0x1FEF0];
	_ =	sdelay $0x1  }
0x49c: {  	v14 =	vld [tilespmem:$0x1FF00]  }
0x49d: {  	v6 =	vld.idx.msk [tilespmem:v26+s15+$0x0], $0xffff  }
0x49e: {  	v0 =	vor.u32 s3, v9  }
0x49f: {  	v7 =	vor.u32 v7, v51;
	_ =	sdelay $0x2  }
0x4a0: {  	v26 =	vor.u32 v14, v51;
	v1 =	vpack.i.f32.bf16 v6, v1  }
0x4a1: {  	v14 =	vld [tilespmem:$0x1FED0];
	[tilespmem:v0+s20+$0x0] =	vst.idx.msk $0xffff, v1  }
0x4a2: {  	v0 =	vld.idx.msk [tilespmem:v7+s15+$0x0], $0xffff  }
0x4a3: {  	v7 =	vld [tilespmem:$0x1FF10];
	_ =	sdelay $0x1  }
0x4a4: {  	v1 =	vld.idx.msk [tilespmem:v26+s15+$0x0], $0xffff  }
0x4a5: {  	v6 =	vor.u32 s3, v38  }
0x4a6: {  	v26 =	vor.u32 v14, v51  }
0x4a7: {  	v7 =	vor.u32 v7, v51  }
0x4a8: {  	v14 =	vmov v28;
	v28 =	vld [tilespmem:$0x1FFB0]  }
0x4a9: {  	v0 =	vpack.i.f32.bf16 v1, v0  }
0x4aa: {  	[tilespmem:v6+s20+$0x0] =	vst.idx.msk $0xffff, v0  }
0x4ab: {  	v1 =	vld.idx.msk [tilespmem:v26+s15+$0x0], $0xffff  }
0x4ac: {  	v0 =	vld.idx.msk [tilespmem:v7+s15+$0x0], $0xffff  }
0x4ad: {  	v28 =	vor.u32 s3, v28  }
0x4ae: {  	v6 =	vor.u32 v36, v51  }
0x4af: {  	v7 =	vor.u32 v5, v51;
	_ =	sdelay $0x1  }
0x4b0: {  	v0 =	vpack.i.f32.bf16 v1, v0  }
0x4b1: {  	v26 =	vld [tilespmem:$0x1FEE0];
	[tilespmem:v28+s20+$0x0] =	vst.idx.msk $0xffff, v0  }
0x4b2: {  	v0 =	vld.idx.msk [tilespmem:v6+s15+$0x0], $0xffff  }
0x4b3: {  	v1 =	vld.idx.msk [tilespmem:v7+s15+$0x0], $0xffff  }
0x4b4: {  	v6 =	vld [tilespmem:$0x1F6C0]  }
0x4b5: {  	v7 =	vld [tilespmem:$0x1F6D0];
	_ =	sdelay $0x2  }
0x4b6: {  	v26 =	vor.u32 s3, v26  }
0x4b7: {  	v6 =	vor.u32 v6, v51  }
0x4b8: {  	v7 =	vor.u32 v7, v51;
	_ =	sdelay $0x1  }
0x4b9: {  	v0 =	vpack.i.f32.bf16 v1, v0  }
0x4ba: {  	[tilespmem:v26+s20+$0x0] =	vst.idx.msk $0xffff, v0  }
0x4bb: {  	v0 =	vld.idx.msk [tilespmem:v6+s15+$0x0], $0xffff  }
0x4bc: {  	v1 =	vld.idx.msk [tilespmem:v7+s15+$0x0], $0xffff  }
0x4bd: {  	v28 =	vor.u32 s3, v39  }
0x4be: {  	v26 =	vor.u32 v8, v51;
	_ =	sdelay $0x2  }
0x4bf: {  	v6 =	vld [tilespmem:$0x1FF30];
	v7 =	vor.u32 v17, v51;
	v0 =	vpack.i.f32.bf16 v1, v0  }
0x4c0: {  	[tilespmem:v28+s20+$0x0] =	vst.idx.msk $0xffff, v0;
	v28 =	vld [tilespmem:$0x1F6F0]  }
0x4c1: {  	v1 =	vld.idx.msk [tilespmem:v26+s15+$0x0], $0xffff  }
0x4c2: {  	v26 =	vld [tilespmem:$0x1F6E0];
	_ =	sdelay $0x1  }
0x4c3: {  	v0 =	vld.idx.msk [tilespmem:v7+s15+$0x0], $0xffff  }
0x4c4: {  	v6 =	vor.u32 s3, v6  }
0x4c5: {  	v28 =	vor.u32 v28, v51  }
0x4c6: {  	v26 =	vor.u32 v26, v51  }
0x4c7: {  	v7 =	vld [tilespmem:$0x1FF70]  }
0x4c8: {  	v0 =	vpack.i.f32.bf16 v1, v0  }
0x4c9: {  	[tilespmem:v6+s20+$0x0] =	vst.idx.msk $0xffff, v0  }
0x4ca: {  	v1 =	vld.idx.msk [tilespmem:v28+s15+$0x0], $0xffff  }
0x4cb: {  	v0 =	vld.idx.msk [tilespmem:v26+s15+$0x0], $0xffff  }
0x4cc: {  	v7 =	vor.u32 s3, v7  }
0x4cd: {  	v26 =	vor.u32 v35, v51  }
0x4ce: {  	v28 =	vor.u32 v15, v51;
	_ =	sdelay $0x1  }
0x4cf: {  	v0 =	vpack.i.f32.bf16 v1, v0  }
0x4d0: {  	v6 =	vld [tilespmem:$0x1FF40];
	[tilespmem:v7+s20+$0x0] =	vst.idx.msk $0xffff, v0  }
0x4d1: {  	v0 =	vld.idx.msk [tilespmem:v26+s15+$0x0], $0xffff  }
0x4d2: {  	v7 =	vld.idx.msk [tilespmem:v28+s15+$0x0], $0xffff  }
0x4d3: {  	v26 =	vld [tilespmem:$0x1F700]  }
0x4d4: {  	v28 =	vld [tilespmem:$0x1F710];
	_ =	sdelay $0x2  }
0x4d5: {  	v6 =	vor.u32 s3, v6  }
0x4d6: {  	v26 =	vor.u32 v26, v51  }
0x4d7: {  	v28 =	vor.u32 v28, v51  }
0x4d8: {  	v1 =	vld [tilespmem:$0x1FF50]  }
0x4d9: {  	v0 =	vpack.i.f32.bf16 v7, v0  }
0x4da: {  	[tilespmem:v6+s20+$0x0] =	vst.idx.msk $0xffff, v0  }
0x4db: {  	v6 =	vld.idx.msk [tilespmem:v26+s15+$0x0], $0xffff  }
0x4dc: {  	v7 =	vld.idx.msk [tilespmem:v28+s15+$0x0], $0xffff  }
0x4dd: {  	v1 =	vor.u32 s3, v1  }
0x4de: {  	v26 =	vor.u32 v20, v51  }
0x4df: {  	v28 =	vor.u32 v43, v51;
	_ =	sdelay $0x1  }
0x4e0: {  	v6 =	vpack.i.f32.bf16 v7, v6  }
0x4e1: {  	v0 =	vld [tilespmem:$0x1FF60];
	[tilespmem:v1+s20+$0x0] =	vst.idx.msk $0xffff, v6  }
0x4e2: {  	v1 =	vld.idx.msk [tilespmem:v26+s15+$0x0], $0xffff  }
0x4e3: {  	v6 =	vld.idx.msk [tilespmem:v28+s15+$0x0], $0xffff  }
0x4e4: {  	v26 =	vld [tilespmem:$0x1F720]  }
0x4e5: {  	v28 =	vld [tilespmem:$0x1F730];
	_ =	sdelay $0x2  }
0x4e6: {  	v0 =	vor.u32 s3, v0  }
0x4e7: {  	v26 =	vor.u32 v26, v51  }
0x4e8: {  	v28 =	vor.u32 v28, v51  }
0x4e9: {  	v7 =	vld [tilespmem:$0x1FF80]  }
0x4ea: {  	v1 =	vpack.i.f32.bf16 v6, v1  }
0x4eb: {  	[tilespmem:v0+s20+$0x0] =	vst.idx.msk $0xffff, v1  }
0x4ec: {  	v0 =	vld.idx.msk [tilespmem:v26+s15+$0x0], $0xffff  }
0x4ed: {  	v1 =	vld.idx.msk [tilespmem:v28+s15+$0x0], $0xffff  }
0x4ee: {  	v7 =	vor.u32 s3, v7;
	_ =	sdelay $0x1  }
0x4ef: {  	v6 =	vor.u32 v58, v51  }
0x4f0: {  	v26 =	vor.u32 v62, v51  }
0x4f1: {  	v32 =	vld [tilespmem:$0x1FF90];
	v0 =	vpack.i.f32.bf16 v1, v0  }
0x4f2: {  	[tilespmem:v7+s20+$0x0] =	vst.idx.msk $0xffff, v0;
	v7 =	vld [tilespmem:$0x1F750];
	_ =	sdelay $0x1  }
0x4f3: {  	v0 =	vld.idx.msk [tilespmem:v6+s15+$0x0], $0xffff  }
0x4f4: {  	v1 =	vld.idx.msk [tilespmem:v26+s15+$0x0], $0xffff  }
0x4f5: {  	v32 =	vor.u32 s3, v32  }
0x4f6: {  	v7 =	vor.u32 v7, v51;
	_ =	sdelay $0x1  }
0x4f7: {  	v6 =	vor.u32 v19, v51  }
0x4f8: {  	v28 =	vld [tilespmem:$0x1FFA0];
	v0 =	vpack.i.f32.bf16 v1, v0  }
0x4f9: {  	v60 =	vld [tilespmem:$0x1F770];
	[tilespmem:v32+s20+$0x0] =	vst.idx.msk $0xffff, v0  }
0x4fa: {  	v1 =	vld.idx.msk [tilespmem:v7+s15+$0x0], $0xffff  }
0x4fb: {  	v7 =	vld [tilespmem:$0x1F760]  }
0x4fc: {  	v0 =	vld.idx.msk [tilespmem:v6+s15+$0x0], $0xffff  }
0x4fd: {  	v28 =	vor.u32 s3, v28;
	_ =	sdelay $0x1  }
0x4fe: {  	v32 =	vor.u32 v60, v51  }
0x4ff: {  	v7 =	vor.u32 v7, v51  }
0x500: {  	v0 =	vpack.i.f32.bf16 v1, v0  }
0x501: {  	[tilespmem:v28+s20+$0x0] =	vst.idx.msk $0xffff, v0;
	v28 =	vld [tilespmem:$0x1F780]  }
0x502: {  	v52 =	vld [tilespmem:$0x1F790]  }
0x503: {  	v1 =	vld.idx.msk [tilespmem:v32+s15+$0x0], $0xffff  }
0x504: {  	v0 =	vld.idx.msk [tilespmem:v7+s15+$0x0], $0xffff  }
0x505: {  	v26 =	vor.u32 s3, v41  }
0x506: {  	v28 =	vor.u32 v28, v51;
	_ =	sdelay $0x2  }
0x507: {  	v59 =	vld [tilespmem:$0x1F7B0];
	v32 =	vor.u32 v52, v51;
	v0 =	vpack.i.f32.bf16 v1, v0  }
0x508: {  	v6 =	vld [tilespmem:$0x1FB20];
	[tilespmem:v26+s20+$0x0] =	vst.idx.msk $0xffff, v0  }
0x509: {  	v0 =	vld.idx.msk [tilespmem:v28+s15+$0x0], $0xffff  }
0x50a: {  	v28 =	vld [tilespmem:$0x1F7A0];
	_ =	sdelay $0x1  }
0x50b: {  	v1 =	vld.idx.msk [tilespmem:v32+s15+$0x0], $0xffff  }
0x50c: {  	v6 =	vor.u32 s3, v6  }
0x50d: {  	v32 =	vor.u32 v59, v51  }
0x50e: {  	v28 =	vor.u32 v28, v51;
	_ =	sdelay $0x1  }
0x50f: {  	v0 =	vpack.i.f32.bf16 v1, v0  }
0x510: {  	[tilespmem:v6+s20+$0x0] =	vst.idx.msk $0xffff, v0  }
0x511: {  	v6 =	vld.idx.msk [tilespmem:v32+s15+$0x0], $0xffff  }
0x512: {  	v0 =	vld.idx.msk [tilespmem:v28+s15+$0x0], $0xffff  }
0x513: {  	v60 =	vld [tilespmem:$0x1F7D0];
	v7 =	vor.u32 s3, v40  }
0x514: {  	v28 =	vor.u32 v37, v51;
	_ =	sdelay $0x2  }
0x515: {  	v0 =	vpack.i.f32.bf16 v6, v0  }
0x516: {  	v26 =	vld [tilespmem:$0x1FB60];
	v32 =	vor.u32 v60, v51;
	[tilespmem:v7+s20+$0x0] =	vst.idx.msk $0xffff, v0  }
0x517: {  	v6 =	vld.idx.msk [tilespmem:v28+s15+$0x0], $0xffff  }
0x518: {  	v28 =	vld [tilespmem:$0x1F7E0];
	_ =	sdelay $0x1  }
0x519: {  	v52 =	vld [tilespmem:$0x1F7F0]  }
0x51a: {  	v7 =	vld.idx.msk [tilespmem:v32+s15+$0x0], $0xffff  }
0x51b: {  	v26 =	vor.u32 s3, v26  }
0x51c: {  	v28 =	vor.u32 v28, v51;
	_ =	sdelay $0x2  }
0x51d: {  	v32 =	vor.u32 v52, v51;
	v6 =	vpack.i.f32.bf16 v7, v6  }
0x51e: {  	v1 =	vld [tilespmem:$0x1FB80];
	[tilespmem:v26+s20+$0x0] =	vst.idx.msk $0xffff, v6  }
0x51f: {  	v6 =	vld.idx.msk [tilespmem:v28+s15+$0x0], $0xffff  }
0x520: {  	v28 =	vld [tilespmem:$0x1F800];
	_ =	sdelay $0x1  }
0x521: {  	v26 =	vld.idx.msk [tilespmem:v32+s15+$0x0], $0xffff  }
0x522: {  	v1 =	vor.u32 s3, v1  }
0x523: {  	v59 =	vor.u32 v10, v51  }
0x524: {  	v28 =	vor.u32 v28, v51;
	_ =	sdelay $0x1  }
0x525: {  	v6 =	vpack.i.f32.bf16 v26, v6  }
0x526: {  	[tilespmem:v1+s20+$0x0] =	vst.idx.msk $0xffff, v6  }
0x527: {  	v6 =	vld.idx.msk [tilespmem:v59+s15+$0x0], $0xffff  }
0x528: {  	v1 =	vld.idx.msk [tilespmem:v28+s15+$0x0], $0xffff  }
0x529: {  	v0 =	vor.u32 s3, v21  }
0x52a: {  	v26 =	vor.u32 v44, v51  }
0x52b: {  	v28 =	vor.u32 v33, v51;
	_ =	sdelay $0x1  }
0x52c: {  	v1 =	vpack.i.f32.bf16 v6, v1  }
0x52d: {  	[tilespmem:v0+s20+$0x0] =	vst.idx.msk $0xffff, v1  }
0x52e: {  	v0 =	vld.idx.msk [tilespmem:v26+s15+$0x0], $0xffff  }
0x52f: {  	v1 =	vld.idx.msk [tilespmem:v28+s15+$0x0], $0xffff  }
0x530: {  	v7 =	vor.u32 s3, v22  }
0x531: {  	v6 =	vor.u32 v45, v51  }
0x532: {  	v26 =	vor.u32 v54, v51;
	_ =	sdelay $0x1  }
0x533: {  	v0 =	vpack.i.f32.bf16 v1, v0  }
0x534: {  	[tilespmem:v7+s20+$0x0] =	vst.idx.msk $0xffff, v0  }
0x535: {  	v0 =	vld.idx.msk [tilespmem:v6+s15+$0x0], $0xffff  }
0x536: {  	v1 =	vld.idx.msk [tilespmem:v26+s15+$0x0], $0xffff  }
0x537: {  	v60 =	vor.u32 s3, v29  }
0x538: {  	v7 =	vor.u32 v31, v51  }
0x539: {  	v26 =	vor.u32 v42, v51;
	_ =	sdelay $0x1  }
0x53a: {  	v0 =	vpack.i.f32.bf16 v1, v0  }
0x53b: {  	[tilespmem:v60+s20+$0x0] =	vst.idx.msk $0xffff, v0  }
0x53c: {  	v0 =	vld.idx.msk [tilespmem:v7+s15+$0x0], $0xffff  }
0x53d: {  	v1 =	vld.idx.msk [tilespmem:v26+s15+$0x0], $0xffff  }
0x53e: {  	v59 =	vor.u32 s3, v18  }
0x53f: {  	v26 =	vor.u32 v55, v51  }
0x540: {  	v60 =	vor.u32 v56, v51;
	_ =	sdelay $0x1  }
0x541: {  	v0 =	vpack.i.f32.bf16 v1, v0  }
0x542: {  	[tilespmem:v59+s20+$0x0] =	vst.idx.msk $0xffff, v0  }
0x543: {  	v0 =	vld.idx.msk [tilespmem:v26+s15+$0x0], $0xffff  }
0x544: {  	v1 =	vld.idx.msk [tilespmem:v60+s15+$0x0], $0xffff  }
0x545: {  	v28 =	vor.u32 s3, v23  }
0x546: {  	v26 =	vor.u32 v57, v51  }
0x547: {  	v52 =	vor.u32 v3, v51;
	_ =	sdelay $0x1  }
0x548: {  	v0 =	vpack.i.f32.bf16 v1, v0  }
0x549: {  	[tilespmem:v28+s20+$0x0] =	vst.idx.msk $0xffff, v0  }
0x54a: {  	v0 =	vld.idx.msk [tilespmem:v26+s15+$0x0], $0xffff  }
0x54b: {  	v1 =	vld.idx.msk [tilespmem:v52+s15+$0x0], $0xffff  }
0x54c: {  	v6 =	vor.u32 s3, v24  }
0x54d: {  	v26 =	vor.u32 v4, v51  }
0x54e: {  	v28 =	vor.u32 v16, v51;
	_ =	sdelay $0x1  }
0x54f: {  	v0 =	vpack.i.f32.bf16 v1, v0  }
0x550: {  	[tilespmem:v6+s20+$0x0] =	vst.idx.msk $0xffff, v0  }
0x551: {  	v0 =	vld.idx.msk [tilespmem:v26+s15+$0x0], $0xffff  }
0x552: {  	v1 =	vld.idx.msk [tilespmem:v28+s15+$0x0], $0xffff  }
0x553: {  	v7 =	vor.u32 s3, v2  }
0x554: {  	v6 =	vor.u32 v47, v51  }
0x555: {  	p0 =	sne.s32 s0, $0x70;
	v26 =	vor.u32 v48, v51  }
.Ltmp3:
0x556: {  	_ = 	snop;
	(pc) =	sbr.rel @p0 .LBB2_5-.Ltmp3, $4  }
0x557: {  	v1 =	vpack.i.f32.bf16 v1, v0  }
0x558: {  	[tilespmem:v7+s20+$0x0] =	vst.idx.msk $0xffff, v1  }
0x559: {  	v59 =	vor.u32 s3, v25;
	v1 =	vld.idx.msk [tilespmem:v6+s15+$0x0], $0xffff  }
0x55a: {  	s0 =	sadd.s32 $0x10, s0;
	v60 =	vor.u32 s3, v61;
	v52 =	vor.u32 s3, v63;
	v28 =	vmovc v14;
	v0 =	vor.u32 s3, v30;
	v6 =	vld.idx.msk [tilespmem:v26+s15+$0x0], $0xffff  }
0x55b: {  	_ = 	snop  }
0x55c: {  	v2 =	vor.u32 v49, v51  }
0x55d: {  	v40 =	vld [tilespmem:$0x1FED0];
	v3 =	vor.u32 v50, v51  }
0x55e: {  	v37 =	vld [tilespmem:$0x1FF10]  }
0x55f: {  	v47 =	vmov v36;
	v36 =	vld [tilespmem:$0x1FEC0];
	v1 =	vpack.i.f32.bf16 v6, v1  }
0x560: {  	v31 =	vld [tilespmem:$0x1FEA0];
	[tilespmem:v60+s20+$0x0] =	vst.idx.msk $0xffff, v1  }
0x561: {  	v1 =	vld.idx.msk [tilespmem:v2+s15+$0x0], $0xffff  }
0x562: {  	v60 =	vld.idx.msk [tilespmem:v3+s15+$0x0], $0xffff  }
0x563: {  	v30 =	vld [tilespmem:$0x1FF20]  }
0x564: {  	v25 =	vld [tilespmem:$0x1FEB0];
	v3 =	vor.u32 v11, v51  }
0x565: {  	v24 =	vld [tilespmem:$0x1FE90];
	v4 =	vor.u32 v12, v51  }
0x566: {  	v22 =	vld [tilespmem:$0x1FE80]  }
0x567: {  	v23 =	vld [tilespmem:$0x1FFA0];
	v1 =	vpack.i.f32.bf16 v60, v1  }
0x568: {  	v21 =	vld [tilespmem:$0x1FF90];
	[tilespmem:v59+s20+$0x0] =	vst.idx.msk $0xffff, v1  }
0x569: {  	v1 =	vld.idx.msk [tilespmem:v3+s15+$0x0], $0xffff  }
0x56a: {  	v61 =	vld.idx.msk [tilespmem:v4+s15+$0x0], $0xffff  }
0x56b: {  	v45 =	vmov v20;
	v20 =	vld [tilespmem:$0x1FF80]  }
0x56c: {  	v19 =	vld [tilespmem:$0x1FF60];
	v3 =	vor.u32 v13, v51  }
0x56d: {  	v18 =	vld [tilespmem:$0x1FF50];
	v4 =	vor.u32 v46, v51  }
0x56e: {  	v16 =	vld [tilespmem:$0x1FF40]  }
0x56f: {  	v14 =	vld [tilespmem:$0x1FF70];
	v1 =	vpack.i.f32.bf16 v61, v1  }
0x570: {  	v29 =	vld [tilespmem:$0x1FF30];
	[tilespmem:v52+s20+$0x0] =	vst.idx.msk $0xffff, v1  }
0x571: {  	v1 =	vld.idx.msk [tilespmem:v3+s15+$0x0], $0xffff  }
0x572: {  	v63 =	vld.idx.msk [tilespmem:v4+s15+$0x0], $0xffff  }
0x573: {  	v48 =	vmov v5;
	v5 =	vld [tilespmem:$0x1FEE0]  }
0x574: {  	v42 =	vld [tilespmem:$0x1FFB0];
	s0 =	sadd.s32 s6, s30  }
.Ltmp4:
0x575: {  	v62 =	vmov v35;
	v35 =	vld [tilespmem:$0x1FF00];
	s0 =	sshll.u32 s0, $0x9;
	(pc) =	sbr.rel @p1 .LBB2_8-.Ltmp4, $4  }
0x576: {  	v33 =	vld [tilespmem:$0x1FEF0];
	s0 =	sadd.s32 s29, s0  }
0x577: {  	v54 =	vmov v15;
	v15 =	vld [tilespmem:$0x1FE70];
	s0 =	sshrl.u32 s0, $0x3;
	v1 =	vpack.i.f32.bf16 v63, v1  }
0x578: {  	v44 =	vld [tilespmem:$0x1FFD0];
	s0 =	sadd.s32 s1, s0;
	[tilespmem:v0+s20+$0x0] =	vst.idx.msk $0xffff, v1  }
0x579: {  	v56 =	vmov v17;
	v26 =	vmov v39;
	v17 =	vld [tilespmem:$0x1FFC0];
	[hbm4b:s0+s18] =	stream.strided.scatter [tilespmem:s20], [sflag:$0x2], $0x1000, s19, s18, $0x38  }
0x57a: {  	s0 =	sadd.s32 $0x3, s26  }
0x57b: {  	s3 =	sshll.u32 s0, $0x7;
	s8 =	sshll.u32 s0, $0xA  }
0x57c: {  	s0 =	sshll.u32 s0, $0x5;
	s3 =	sand.u32 $0xF000, s3;
	s8 =	sand.u32 $0xC00, s8  }
0x57d: {  	s0 =	sand.u32 $0x380, s0;
	s3 =	sor.u32 s8, s3  }
0x57e: {  	s0 =	sor.u32 s0, s3  }
0x57f: {  	v0 =	vld [tilespmem:s0+$0x0];
	_ =	sdelay $0x4  }
0x580: {  	v0 =	vshrl.u32 v0, $0x1  }
0x581: {  	[tilespmem:$0x7080] =	vst v0  }
0x582: {  	v0 =	vld [tilespmem:s0+$0x10];
	_ =	sdelay $0x4  }
0x583: {  	v0 =	vshrl.u32 v0, $0x1  }
0x584: {  	[tilespmem:$0x7090] =	vst v0  }
0x585: {  	v0 =	vld [tilespmem:s0+$0x20];
	_ =	sdelay $0x4  }
0x586: {  	v0 =	vshrl.u32 v0, $0x1  }
0x587: {  	[tilespmem:$0x70A0] =	vst v0  }
0x588: {  	v0 =	vld [tilespmem:s0+$0x30];
	_ =	sdelay $0x4  }
0x589: {  	v0 =	vshrl.u32 v0, $0x1  }
0x58a: {  	[tilespmem:$0x70B0] =	vst v0  }
0x58b: {  	v0 =	vld [tilespmem:s0+$0x40];
	_ =	sdelay $0x4  }
0x58c: {  	v0 =	vshrl.u32 v0, $0x1  }
0x58d: {  	[tilespmem:$0x70C0] =	vst v0  }
0x58e: {  	v0 =	vld [tilespmem:s0+$0x50];
	_ =	sdelay $0x4  }
0x58f: {  	v0 =	vshrl.u32 v0, $0x1  }
0x590: {  	[tilespmem:$0x70D0] =	vst v0  }
0x591: {  	v0 =	vld [tilespmem:s0+$0x60];
	_ =	sdelay $0x4  }
0x592: {  	v0 =	vshrl.u32 v0, $0x1  }
0x593: {  	[tilespmem:$0x70E0] =	vst v0  }
0x594: {  	v0 =	vld [tilespmem:s0+$0x70];
	_ =	sdelay $0x2  }
.Ltmp5:
0x595: {  	_ = 	snop;
	(pc) =	sbr.rel .LBB2_2-.Ltmp5, $4  }
0x596: {  	_ = 	snop  }
0x597: {  	v32 =	vmovc v27;
	v49 =	vmovc v35;
	v35 =	vmov v42;
	v63 =	vmov v5;
	v0 =	vshrl.u32 v0, $0x1  }
0x598: {  	s25 =	sadd.s32 $0x1, s25;
	s24 =	sadd.s32 $0x800, s24;
	s23 =	sadd.s32 $0x800, s23;
	v7 =	vmovc v29;
	v27 =	vmovc v14;
	v14 =	vmov v16;
	v59 =	vmov v47;
	v16 =	vmov v48;
	[tilespmem:$0x70F0] =	vst v0  }
0x599: {  	v13 =	vmovc v62;
	v62 =	vmovc v43;
	v50 =	vmov v45;
	v43 =	vmov v56;
	v55 =	vmov v33;
	[tilespmem:s15], [sflag:$0x1] =	stream.indirect.gather [hbm4b:s4+s11], $0x80, s14, s11, $0xb8;
	[tilespmem:$0x11100] =	vst v63  }
.LBB2_9:
0x59a: {  	_ =	sfence.sel $0x180000  }
0x59b: {  	[bflag:$0x0] =	sbarrier.arrive $0xFFFF  }
0x59c: {  	_ =	strace $0x90000047  }
0x59d: {  	s0 =	stileid.u32;
	[bflag:$0x2] =	sbarrier.arrive $0xFFFF  }
0x59e: {  	p0 =	sne.s32 s0, $0x0;
	s0 =	rddreg [dreg:$0x3]  }
0x59f: {  	s0 =	sadd.s32 @!p0 $0x100000, s0  }
0x5a0: {  	[sflag:s0] =	ssyncadd.tile.s32 @!p0 $0x1;
	_ =	shalt  }
.Lfunc_end2:
_tile_overlayer_lowered:
.L_overlay_start_2:
0x5a1: {  	(tag) =	ssettag $0x2  }
0x5a2: {  	s0 =	rddreg [dreg:$0x0];
	s2 =	stileid.u32  }
0x5a3: {  	s1 =	rddreg [dreg:$0x1];
	p0 =	sne.s32 s2, $0x0  }
0x5a4: {  	s3 =	rddreg [dreg:$0x2];
	[bflag:$0x3] =	sbarrier.arrive $0xFFFF;
	s2 =	simm.s32 @!p0 $0x1C03  }
0x5a5: {  	[timem:s3], [sflag:s2] =	dma.local @!p0 [hbm:s0], s1  }
0x5a6: {  	s0 =	simm.s32 @!p0 $0x3  }
0x5a7: {  	_ =	swait.ge @!p0 [sflag:s0], s1  }
0x5a8: {  	s1 =	ssub.s32 @!p0 $0x0, s1;
	[sflag:s0] =	ssyncset.done @!p0 $0x0  }
0x5a9: {  	[sflag:s0] =	ssyncadd.s32 @!p0 s1  }
0x5aa: {  	[bflag:$0x3] =	sbarrier.arrive $0xFFFF  }
0x5ab: {  	_ =	shalt  }

</sc_bundles>
